<compile_context>
chip_gen: v7x
topology: tpu7x:2x2x1
jax: 0.10.2.dev20260603
libtpu: 0.0.44.dev20260713+nightly
codegen_flags: <defaults>
</compile_context>

<pallas_src>
import jax
import jax.numpy as jnp
import numpy as np
from jax import lax
from jax.experimental import pallas as pl
from jax.experimental.pallas import tpu as pltpu

_N = 10000
_P = 128
_DS = 4
_E = 160000
_NA = 4
_SIGMA = 0.5
_EPS = float(jnp.finfo(jnp.float32).eps)
_TINY = float(np.finfo(np.float32).tiny)



def _belief_body(parts_ref, ap_ref, am_ref, amask_ref, agg_ref,
                 mean_ref, cov_ref, bpe_ref):
    P = parts_ref[...]
    x = P[:, 0:_P]
    y = P[:, _P:2 * _P]
    wa = None
    for a in range(_NA):
        ax = ap_ref[:, 2 * a:2 * a + 1]
        ay = ap_ref[:, 2 * a + 1:2 * a + 2]
        dx = x - ax
        dy = y - ay
        pm = jnp.sqrt(dx * dx + dy * dy)
        am = am_ref[:, a:a + 1]
        msk = amask_ref[:, a:a + 1]
        term = -((pm - am) ** 2) / (2.0 * _SIGMA ** 2) * msk
        wa = term if wa is None else wa + term
    wa = wa - jnp.max(wa, axis=1, keepdims=True)
    belief_log = wa + agg_ref[...]
    m = jnp.max(belief_log, axis=1, keepdims=True)
    b = jnp.exp(belief_log - m)
    s = jnp.sum(b, axis=1, keepdims=True)
    belief = b / s
    bpe_ref[...] = belief + _EPS

    pz = []
    for d in range(_DS):
        Pd = P[:, d * _P:(d + 1) * _P]
        md = jnp.sum(Pd * belief, axis=1, keepdims=True)
        mean_ref[:, d:d + 1] = md
        pz.append(Pd - md)
    for d in range(_DS):
        wzd = pz[d] * belief
        for e in range(_DS):
            cov_ref[:, d * _DS + e:d * _DS + e + 1] = jnp.sum(
                wzd * pz[e], axis=1, keepdims=True)


def _belief_stage(parts_flat, ap_flat, anchor_meas, anchor_mask, agg):
    bn = 1000
    grid = (_N // bn,)
    return pl.pallas_call(
        _belief_body,
        grid=grid,
        in_specs=[
            pl.BlockSpec((bn, _DS * _P), lambda i: (i, 0)),
            pl.BlockSpec((bn, 2 * _NA), lambda i: (i, 0)),
            pl.BlockSpec((bn, _NA), lambda i: (i, 0)),
            pl.BlockSpec((bn, _NA), lambda i: (i, 0)),
            pl.BlockSpec((bn, _P), lambda i: (i, 0)),
        ],
        out_specs=[
            pl.BlockSpec((bn, _DS), lambda i: (i, 0)),
            pl.BlockSpec((bn, _DS * _DS), lambda i: (i, 0)),
            pl.BlockSpec((bn, _P), lambda i: (i, 0)),
        ],
        out_shape=[
            jax.ShapeDtypeStruct((_N, _DS), jnp.float32),
            jax.ShapeDtypeStruct((_N, _DS * _DS), jnp.float32),
            jax.ShapeDtypeStruct((_N, _P), jnp.float32),
        ],
    )(parts_flat, ap_flat, anchor_meas, anchor_mask, agg)



def _make_gumbel_const():
    cpu = jax.local_devices(backend="cpu")[0]
    with jax.default_device(cpu):
        g = jax.random.gumbel(jax.random.PRNGKey(1), (_P, _N, _P), jnp.float32)
        gt = jnp.transpose(g, (1, 0, 2)).reshape(_N, _P * _P)
        return np.asarray(gt)


_GT = _make_gumbel_const()


def _resample_body(gt_ref, bpe_ref, ind_ref):
    bpe = bpe_ref[...]
    bn = bpe.shape[0]
    L = jnp.log(bpe)
    lane = lax.broadcasted_iota(jnp.int32, (bn, _P), 1)
    cols = [None] * _P
    for pd in range(_P):
        V = gt_ref[:, pd * _P:(pd + 1) * _P] + L
        m = jnp.max(V, axis=1, keepdims=True)
        idx = jnp.min(jnp.where(V == m, lane, _P), axis=1, keepdims=True)
        cols[pd] = idx.astype(jnp.float32)
    ind_ref[...] = jnp.concatenate(cols, axis=1)


def _resample_stage(bpe):
    bn = 40
    grid = (_N // bn,)
    return pl.pallas_call(
        _resample_body,
        grid=grid,
        in_specs=[
            pl.BlockSpec((bn, _P * _P), lambda i: (i, 0)),
            pl.BlockSpec((bn, _P), lambda i: (i, 0)),
        ],
        out_specs=pl.BlockSpec((bn, _P), lambda i: (i, 0)),
        out_shape=jax.ShapeDtypeStruct((_N, _P), jnp.float32),
    )(_GT, bpe)



def _edge_stage(p2_flat, src, dst, edge_meas):
    p2 = p2_flat.reshape(_N, 2, _P)
    pdist = jnp.sqrt(jnp.sum((p2[dst] - p2[src]) ** 2, axis=1))
    w = jnp.exp(-(pdist - edge_meas) ** 2 / (2.0 * _SIGMA ** 2))
    wlog = jnp.log(w + _EPS)
    wlog = wlog - jnp.max(wlog, axis=1, keepdims=True)
    return jax.ops.segment_sum(wlog, dst, num_segments=_N)



def kernel(particles, edge_index, anchor_pos, anchor_meas, anchor_mask,
           edge_meas):
    src = edge_index[0]
    dst = edge_index[1]
    parts_flat = particles.reshape(_N, _DS * _P)
    p2_flat = parts_flat[:, :2 * _P]
    ap_flat = anchor_pos.reshape(_N, 2 * _NA)

    agg = _edge_stage(p2_flat, src, dst, edge_meas)

    est_mean, cov_flat, bpe = _belief_stage(
        parts_flat, ap_flat, anchor_meas, anchor_mask, agg)

    ind = _resample_stage(bpe).astype(jnp.int32)
    idx = jnp.broadcast_to(ind[:, None, :], particles.shape)
    pres = jnp.take_along_axis(particles, idx, axis=2)

    return (est_mean, pres, cov_flat.reshape(_N, _DS, _DS))

# --- scband reference (transcript-rebuilt; emitter-appended) ---
"""Pipeline reference for scband-cooperative-localization-solver-38079180046907 (READ-ONLY COPY).

The authoritative reference and input builder live on the scoring server;
editing this copy changes nothing except your own understanding.
"""

import jax, jax.numpy as jnp
import numpy as np

N = 10000
P = 128
DS = 4
E = 160000
NA = 4
SIGMA = 0.5


def setup_inputs():
    key = jax.random.PRNGKey(0)
    k0, k1, k2, k3, k4, k5 = jax.random.split(key, 6)
    particles = jax.random.normal(k0, (N, DS, P), dtype=jnp.float32)
    src = jax.random.randint(k1, (E,), 0, N, dtype=jnp.int32)
    off = jax.random.randint(k2, (E,), 1, N, dtype=jnp.int32)
    dst = (src + off) % N  # avoid self-loops (zero-distance edges)
    edge_index = jnp.stack([src, dst], axis=0)
    anchor_pos = jax.random.normal(k3, (N, NA, 2), dtype=jnp.float32)
    anchor_meas = jax.random.uniform(k4, (N, NA), dtype=jnp.float32)
    anchor_mask = jnp.ones((N, NA), dtype=jnp.float32)
    edge_meas = jax.random.uniform(k5, (E, 1), dtype=jnp.float32)
    return {"particles": particles, "edge_index": edge_index, "anchor_pos": anchor_pos,
            "anchor_meas": anchor_meas, "anchor_mask": anchor_mask, "edge_meas": edge_meas}


def reference(particles, edge_index, anchor_pos, anchor_meas, anchor_mask, edge_meas):
    # Faithful jax port of cooperative_localization_solver.perform_estimation
    # (hybrid=False, num_iter=1). The DGL graph is represented by edge_index
    # [2, E] (row 0 = src, row 1 = dst) plus explicit node/edge data tensors.
    eps = jnp.finfo(jnp.float32).eps
    src = edge_index[0]
    dst = edge_index[1]
    p2 = particles[:, :2, :]  # [N, 2, P]

    # calculate_weight_anchor
    pm_anchor = jnp.sqrt(jnp.sum((p2[:, :, :, None] - jnp.transpose(anchor_pos, (0, 2, 1))[:, :, None, :]) ** 2, axis=1))  # [N, P, NA]
    wa_log = jnp.sum(-(pm_anchor - anchor_meas[:, None, :]) ** 2 / (2.0 * SIGMA ** 2) * anchor_mask[:, None, :], axis=2)  # [N, P]
    wa_log = wa_log - jnp.max(wa_log, axis=1, keepdims=True)

    belief_log = jnp.zeros((N, P), dtype=particles.dtype)

    # one round of update_all(calculate_weight_agent, calculate_belief)
    pd = jnp.sqrt(jnp.sum((p2[dst] - p2[src]) ** 2, axis=1))  # [E, P] gather-heavy
    w = jnp.exp(-(pd - edge_meas) ** 2 / (2.0 * SIGMA ** 2)) * jnp.exp(belief_log[src])
    wlog = jnp.log(w + eps)
    wlog = wlog - jnp.max(wlog, axis=1, keepdims=True)
    agg = jax.ops.segment_sum(wlog, dst, num_segments=N)  # mailbox sum over incoming edges
    belief_log = wa_log + agg

    belief = jnp.exp(belief_log - jnp.max(belief_log, axis=1, keepdims=True))
    belief = belief / jnp.sum(belief, axis=1, keepdims=True)

    est_mean = jnp.sum(particles * belief[:, None, :], axis=2)  # [N, DS]
    pzm = particles - est_mean[:, :, None]
    est_cov = jnp.einsum('ndp,nep->nde', pzm * belief[:, None, :], pzm)  # [N, DS, DS]

    # multinomial resampling (torch.multinomial -> categorical with fixed key)
    ind = jax.random.categorical(jax.random.PRNGKey(1), jnp.log(belief + eps), axis=1, shape=(P, N)).T  # [N, P]
    idx = jnp.broadcast_to(ind[:, None, :], particles.shape)
    particles_resampled = jnp.take_along_axis(particles, idx, axis=2)

    return est_mean, particles_resampled, est_cov

if __name__ == "__main__":
    import jax
    _d = setup_inputs()
    print(jax.jit(kernel)(*tuple(_d.values())))

</pallas_src>

<mosaic_0001>
module attributes {stable_mosaic.version = 14 : i64} {
  func.func @_belief_body(%arg0: i32, %arg1: memref<1000x512xf32, #tpu.memory_space<vmem>>, %arg2: memref<1000x8xf32, #tpu.memory_space<vmem>>, %arg3: memref<1000x4xf32, #tpu.memory_space<vmem>>, %arg4: memref<1000x4xf32, #tpu.memory_space<vmem>>, %arg5: memref<1000x128xf32, #tpu.memory_space<vmem>>, %arg6: memref<1000x4xf32, #tpu.memory_space<vmem>>, %arg7: memref<1000x16xf32, #tpu.memory_space<vmem>>, %arg8: memref<1000x128xf32, #tpu.memory_space<vmem>>) attributes {dimension_semantics = [#tpu.dimension_semantics<arbitrary>], iteration_bounds = array<i64: 10>, scalar_prefetch = 0 : i64, scratch_operands = 0 : i64, tpu.core_type = #tpu.core_type<tc>, window_params = [{transform_indices = @transform_0, window_bounds = array<i64: 1000, 512>}, {transform_indices = @transform_1, window_bounds = array<i64: 1000, 8>}, {transform_indices = @transform_2, window_bounds = array<i64: 1000, 4>}, {transform_indices = @transform_3, window_bounds = array<i64: 1000, 4>}, {transform_indices = @transform_4, window_bounds = array<i64: 1000, 128>}, {transform_indices = @transform_5, window_bounds = array<i64: 1000, 4>}, {transform_indices = @transform_6, window_bounds = array<i64: 1000, 16>}, {transform_indices = @transform_7, window_bounds = array<i64: 1000, 128>}]} {
    %get3A = arith.constant 0 : index
    %get3A_0 = arith.constant 0 : index
    %get3A_1 = vector.load %arg1[%get3A, %get3A_0] : memref<1000x512xf32, #tpu.memory_space<vmem>>, vector<1000x512xf32>
    %slice3A = vector.extract_strided_slice %get3A_1 {offsets = [0, 0], sizes = [1000, 128], strides = [1, 1]} : vector<1000x512xf32> to vector<1000x128xf32>
    %slice3A_2 = vector.extract_strided_slice %get3A_1 {offsets = [0, 128], sizes = [1000, 128], strides = [1, 1]} : vector<1000x512xf32> to vector<1000x128xf32>
    %get3A_3 = arith.constant 0 : index
    %get3A_4 = arith.constant 0 : index
    %get3A_5 = vector.load %arg2[%get3A_3, %get3A_4] : memref<1000x8xf32, #tpu.memory_space<vmem>>, vector<1000x1xf32>
    %get3A_6 = arith.constant 0 : index
    %get3A_7 = arith.constant 1 : index
    %get3A_8 = vector.load %arg2[%get3A_6, %get3A_7] : memref<1000x8xf32, #tpu.memory_space<vmem>>, vector<1000x1xf32>
    %sub3A = vector.broadcast %get3A_5 : vector<1000x1xf32> to vector<1000x128xf32>
    %sub3A_9 = arith.subf %slice3A, %sub3A : vector<1000x128xf32>
    %sub3A_10 = vector.broadcast %get3A_8 : vector<1000x1xf32> to vector<1000x128xf32>
    %sub3A_11 = arith.subf %slice3A_2, %sub3A_10 : vector<1000x128xf32>
    %mul3A = arith.mulf %sub3A_9, %sub3A_9 : vector<1000x128xf32>
    %mul3A_12 = arith.mulf %sub3A_11, %sub3A_11 : vector<1000x128xf32>
    %add3A = arith.addf %mul3A, %mul3A_12 : vector<1000x128xf32>
    %sqrt3A = math.sqrt %add3A : vector<1000x128xf32>
    %get3A_13 = arith.constant 0 : index
    %get3A_14 = arith.constant 0 : index
    %get3A_15 = vector.load %arg3[%get3A_13, %get3A_14] : memref<1000x4xf32, #tpu.memory_space<vmem>>, vector<1000x1xf32>
    %get3A_16 = arith.constant 0 : index
    %get3A_17 = arith.constant 0 : index
    %get3A_18 = vector.load %arg4[%get3A_16, %get3A_17] : memref<1000x4xf32, #tpu.memory_space<vmem>>, vector<1000x1xf32>
    %sub3A_19 = vector.broadcast %get3A_15 : vector<1000x1xf32> to vector<1000x128xf32>
    %sub3A_20 = arith.subf %sqrt3A, %sub3A_19 : vector<1000x128xf32>
    %integer_pow3A = arith.mulf %sub3A_20, %sub3A_20 : vector<1000x128xf32>
    %neg3A = arith.constant 0.000000e+00 : f32
    %neg3A_21 = vector.broadcast %neg3A : f32 to vector<1000x128xf32>
    %neg3A_22 = arith.subf %neg3A_21, %integer_pow3A : vector<1000x128xf32>
    %div3A = arith.constant 5.000000e-01 : f32
    %div3A_23 = vector.broadcast %div3A : f32 to vector<1000x128xf32>
    %div3A_24 = arith.divf %neg3A_22, %div3A_23 : vector<1000x128xf32>
    %mul3A_25 = vector.broadcast %get3A_18 : vector<1000x1xf32> to vector<1000x128xf32>
    %mul3A_26 = arith.mulf %div3A_24, %mul3A_25 : vector<1000x128xf32>
    %get3A_27 = arith.constant 0 : index
    %get3A_28 = arith.constant 2 : index
    %get3A_29 = vector.load %arg2[%get3A_27, %get3A_28] : memref<1000x8xf32, #tpu.memory_space<vmem>>, vector<1000x1xf32>
    %get3A_30 = arith.constant 0 : index
    %get3A_31 = arith.constant 3 : index
    %get3A_32 = vector.load %arg2[%get3A_30, %get3A_31] : memref<1000x8xf32, #tpu.memory_space<vmem>>, vector<1000x1xf32>
    %sub3A_33 = vector.broadcast %get3A_29 : vector<1000x1xf32> to vector<1000x128xf32>
    %sub3A_34 = arith.subf %slice3A, %sub3A_33 : vector<1000x128xf32>
    %sub3A_35 = vector.broadcast %get3A_32 : vector<1000x1xf32> to vector<1000x128xf32>
    %sub3A_36 = arith.subf %slice3A_2, %sub3A_35 : vector<1000x128xf32>
    %mul3A_37 = arith.mulf %sub3A_34, %sub3A_34 : vector<1000x128xf32>
    %mul3A_38 = arith.mulf %sub3A_36, %sub3A_36 : vector<1000x128xf32>
    %add3A_39 = arith.addf %mul3A_37, %mul3A_38 : vector<1000x128xf32>
    %sqrt3A_40 = math.sqrt %add3A_39 : vector<1000x128xf32>
    %get3A_41 = arith.constant 0 : index
    %get3A_42 = arith.constant 1 : index
    %get3A_43 = vector.load %arg3[%get3A_41, %get3A_42] : memref<1000x4xf32, #tpu.memory_space<vmem>>, vector<1000x1xf32>
    %get3A_44 = arith.constant 0 : index
    %get3A_45 = arith.constant 1 : index
    %get3A_46 = vector.load %arg4[%get3A_44, %get3A_45] : memref<1000x4xf32, #tpu.memory_space<vmem>>, vector<1000x1xf32>
    %sub3A_47 = vector.broadcast %get3A_43 : vector<1000x1xf32> to vector<1000x128xf32>
    %sub3A_48 = arith.subf %sqrt3A_40, %sub3A_47 : vector<1000x128xf32>
    %integer_pow3A_49 = arith.mulf %sub3A_48, %sub3A_48 : vector<1000x128xf32>
    %neg3A_50 = arith.constant 0.000000e+00 : f32
    %neg3A_51 = vector.broadcast %neg3A_50 : f32 to vector<1000x128xf32>
    %neg3A_52 = arith.subf %neg3A_51, %integer_pow3A_49 : vector<1000x128xf32>
    %div3A_53 = arith.constant 5.000000e-01 : f32
    %div3A_54 = vector.broadcast %div3A_53 : f32 to vector<1000x128xf32>
    %div3A_55 = arith.divf %neg3A_52, %div3A_54 : vector<1000x128xf32>
    %mul3A_56 = vector.broadcast %get3A_46 : vector<1000x1xf32> to vector<1000x128xf32>
    %mul3A_57 = arith.mulf %div3A_55, %mul3A_56 : vector<1000x128xf32>
    %add3A_58 = arith.addf %mul3A_26, %mul3A_57 : vector<1000x128xf32>
    %get3A_59 = arith.constant 0 : index
    %get3A_60 = arith.constant 4 : index
    %get3A_61 = vector.load %arg2[%get3A_59, %get3A_60] : memref<1000x8xf32, #tpu.memory_space<vmem>>, vector<1000x1xf32>
    %get3A_62 = arith.constant 0 : index
    %get3A_63 = arith.constant 5 : index
    %get3A_64 = vector.load %arg2[%get3A_62, %get3A_63] : memref<1000x8xf32, #tpu.memory_space<vmem>>, vector<1000x1xf32>
    %sub3A_65 = vector.broadcast %get3A_61 : vector<1000x1xf32> to vector<1000x128xf32>
    %sub3A_66 = arith.subf %slice3A, %sub3A_65 : vector<1000x128xf32>
    %sub3A_67 = vector.broadcast %get3A_64 : vector<1000x1xf32> to vector<1000x128xf32>
    %sub3A_68 = arith.subf %slice3A_2, %sub3A_67 : vector<1000x128xf32>
    %mul3A_69 = arith.mulf %sub3A_66, %sub3A_66 : vector<1000x128xf32>
    %mul3A_70 = arith.mulf %sub3A_68, %sub3A_68 : vector<1000x128xf32>
    %add3A_71 = arith.addf %mul3A_69, %mul3A_70 : vector<1000x128xf32>
    %sqrt3A_72 = math.sqrt %add3A_71 : vector<1000x128xf32>
    %get3A_73 = arith.constant 0 : index
    %get3A_74 = arith.constant 2 : index
    %get3A_75 = vector.load %arg3[%get3A_73, %get3A_74] : memref<1000x4xf32, #tpu.memory_space<vmem>>, vector<1000x1xf32>
    %get3A_76 = arith.constant 0 : index
    %get3A_77 = arith.constant 2 : index
    %get3A_78 = vector.load %arg4[%get3A_76, %get3A_77] : memref<1000x4xf32, #tpu.memory_space<vmem>>, vector<1000x1xf32>
    %sub3A_79 = vector.broadcast %get3A_75 : vector<1000x1xf32> to vector<1000x128xf32>
    %sub3A_80 = arith.subf %sqrt3A_72, %sub3A_79 : vector<1000x128xf32>
    %integer_pow3A_81 = arith.mulf %sub3A_80, %sub3A_80 : vector<1000x128xf32>
    %neg3A_82 = arith.constant 0.000000e+00 : f32
    %neg3A_83 = vector.broadcast %neg3A_82 : f32 to vector<1000x128xf32>
    %neg3A_84 = arith.subf %neg3A_83, %integer_pow3A_81 : vector<1000x128xf32>
    %div3A_85 = arith.constant 5.000000e-01 : f32
    %div3A_86 = vector.broadcast %div3A_85 : f32 to vector<1000x128xf32>
    %div3A_87 = arith.divf %neg3A_84, %div3A_86 : vector<1000x128xf32>
    %mul3A_88 = vector.broadcast %get3A_78 : vector<1000x1xf32> to vector<1000x128xf32>
    %mul3A_89 = arith.mulf %div3A_87, %mul3A_88 : vector<1000x128xf32>
    %add3A_90 = arith.addf %add3A_58, %mul3A_89 : vector<1000x128xf32>
    %get3A_91 = arith.constant 0 : index
    %get3A_92 = arith.constant 6 : index
    %get3A_93 = vector.load %arg2[%get3A_91, %get3A_92] : memref<1000x8xf32, #tpu.memory_space<vmem>>, vector<1000x1xf32>
    %get3A_94 = arith.constant 0 : index
    %get3A_95 = arith.constant 7 : index
    %get3A_96 = vector.load %arg2[%get3A_94, %get3A_95] : memref<1000x8xf32, #tpu.memory_space<vmem>>, vector<1000x1xf32>
    %sub3A_97 = vector.broadcast %get3A_93 : vector<1000x1xf32> to vector<1000x128xf32>
    %sub3A_98 = arith.subf %slice3A, %sub3A_97 : vector<1000x128xf32>
    %sub3A_99 = vector.broadcast %get3A_96 : vector<1000x1xf32> to vector<1000x128xf32>
    %sub3A_100 = arith.subf %slice3A_2, %sub3A_99 : vector<1000x128xf32>
    %mul3A_101 = arith.mulf %sub3A_98, %sub3A_98 : vector<1000x128xf32>
    %mul3A_102 = arith.mulf %sub3A_100, %sub3A_100 : vector<1000x128xf32>
    %add3A_103 = arith.addf %mul3A_101, %mul3A_102 : vector<1000x128xf32>
    %sqrt3A_104 = math.sqrt %add3A_103 : vector<1000x128xf32>
    %get3A_105 = arith.constant 0 : index
    %get3A_106 = arith.constant 3 : index
    %get3A_107 = vector.load %arg3[%get3A_105, %get3A_106] : memref<1000x4xf32, #tpu.memory_space<vmem>>, vector<1000x1xf32>
    %get3A_108 = arith.constant 0 : index
    %get3A_109 = arith.constant 3 : index
    %get3A_110 = vector.load %arg4[%get3A_108, %get3A_109] : memref<1000x4xf32, #tpu.memory_space<vmem>>, vector<1000x1xf32>
    %sub3A_111 = vector.broadcast %get3A_107 : vector<1000x1xf32> to vector<1000x128xf32>
    %sub3A_112 = arith.subf %sqrt3A_104, %sub3A_111 : vector<1000x128xf32>
    %integer_pow3A_113 = arith.mulf %sub3A_112, %sub3A_112 : vector<1000x128xf32>
    %neg3A_114 = arith.constant 0.000000e+00 : f32
    %neg3A_115 = vector.broadcast %neg3A_114 : f32 to vector<1000x128xf32>
    %neg3A_116 = arith.subf %neg3A_115, %integer_pow3A_113 : vector<1000x128xf32>
    %div3A_117 = arith.constant 5.000000e-01 : f32
    %div3A_118 = vector.broadcast %div3A_117 : f32 to vector<1000x128xf32>
    %div3A_119 = arith.divf %neg3A_116, %div3A_118 : vector<1000x128xf32>
    %mul3A_120 = vector.broadcast %get3A_110 : vector<1000x1xf32> to vector<1000x128xf32>
    %mul3A_121 = arith.mulf %div3A_119, %mul3A_120 : vector<1000x128xf32>
    %add3A_122 = arith.addf %add3A_90, %mul3A_121 : vector<1000x128xf32>
    %reduce_max3A = arith.constant dense<0xFF800000> : vector<1000xf32>
    %reduce_max3A_123 = vector.multi_reduction <maximumf>, %add3A_122, %reduce_max3A [1] : vector<1000x128xf32> to vector<1000xf32>
    %broadcast_in_dim3A = vector.shape_cast %reduce_max3A_123 : vector<1000xf32> to vector<1000x1xf32>
    %sub3A_124 = vector.broadcast %broadcast_in_dim3A : vector<1000x1xf32> to vector<1000x128xf32>
    %sub3A_125 = arith.subf %add3A_122, %sub3A_124 : vector<1000x128xf32>
    %get3A_126 = arith.constant 0 : index
    %get3A_127 = arith.constant 0 : index
    %get3A_128 = vector.load %arg5[%get3A_126, %get3A_127] : memref<1000x128xf32, #tpu.memory_space<vmem>>, vector<1000x128xf32>
    %add3A_129 = arith.addf %sub3A_125, %get3A_128 : vector<1000x128xf32>
    %reduce_max3A_130 = arith.constant dense<0xFF800000> : vector<1000xf32>
    %reduce_max3A_131 = vector.multi_reduction <maximumf>, %add3A_129, %reduce_max3A_130 [1] : vector<1000x128xf32> to vector<1000xf32>
    %broadcast_in_dim3A_132 = vector.shape_cast %reduce_max3A_131 : vector<1000xf32> to vector<1000x1xf32>
    %sub3A_133 = vector.broadcast %broadcast_in_dim3A_132 : vector<1000x1xf32> to vector<1000x128xf32>
    %sub3A_134 = arith.subf %add3A_129, %sub3A_133 : vector<1000x128xf32>
    %exp3A = math.exp %sub3A_134 : vector<1000x128xf32>
    %reduce_sum3A = arith.constant dense<0.000000e+00> : vector<1000xf32>
    %reduce_sum3A_135 = vector.multi_reduction <add>, %exp3A, %reduce_sum3A [1] : vector<1000x128xf32> to vector<1000xf32>
    %broadcast_in_dim3A_136 = vector.shape_cast %reduce_sum3A_135 : vector<1000xf32> to vector<1000x1xf32>
    %div3A_137 = vector.broadcast %broadcast_in_dim3A_136 : vector<1000x1xf32> to vector<1000x128xf32>
    %div3A_138 = arith.divf %exp3A, %div3A_137 : vector<1000x128xf32>
    %add3A_139 = arith.constant 1.1920929E-7 : f32
    %add3A_140 = vector.broadcast %add3A_139 : f32 to vector<1000x128xf32>
    %add3A_141 = arith.addf %div3A_138, %add3A_140 : vector<1000x128xf32>
    %swap3A = arith.constant 0 : index
    %swap3A_142 = arith.constant 0 : index
    %swap3A_143 = vector.load %arg8[%swap3A, %swap3A_142] : memref<1000x128xf32, #tpu.memory_space<vmem>>, vector<1000x128xf32>
    tpu.vector_store %arg8[%swap3A, %swap3A_142], %add3A_141 {strides = array<i32>} : memref<1000x128xf32, #tpu.memory_space<vmem>>, vector<1000x128xf32>,
    %slice3A_144 = vector.extract_strided_slice %get3A_1 {offsets = [0, 0], sizes = [1000, 128], strides = [1, 1]} : vector<1000x512xf32> to vector<1000x128xf32>
    %mul3A_145 = arith.mulf %slice3A_144, %div3A_138 : vector<1000x128xf32>
    %reduce_sum3A_146 = arith.constant dense<0.000000e+00> : vector<1000xf32>
    %reduce_sum3A_147 = vector.multi_reduction <add>, %mul3A_145, %reduce_sum3A_146 [1] : vector<1000x128xf32> to vector<1000xf32>
    %broadcast_in_dim3A_148 = vector.shape_cast %reduce_sum3A_147 : vector<1000xf32> to vector<1000x1xf32>
    %swap3A_149 = arith.constant 0 : index
    %swap3A_150 = arith.constant 0 : index
    %swap3A_151 = vector.load %arg6[%swap3A_149, %swap3A_150] : memref<1000x4xf32, #tpu.memory_space<vmem>>, vector<1000x1xf32>
    tpu.vector_store %arg6[%swap3A_149, %swap3A_150], %broadcast_in_dim3A_148 {strides = array<i32>} : memref<1000x4xf32, #tpu.memory_space<vmem>>, vector<1000x1xf32>,
    %sub3A_152 = vector.broadcast %broadcast_in_dim3A_148 : vector<1000x1xf32> to vector<1000x128xf32>
    %sub3A_153 = arith.subf %slice3A_144, %sub3A_152 : vector<1000x128xf32>
    %slice3A_154 = vector.extract_strided_slice %get3A_1 {offsets = [0, 128], sizes = [1000, 128], strides = [1, 1]} : vector<1000x512xf32> to vector<1000x128xf32>
    %mul3A_155 = arith.mulf %slice3A_154, %div3A_138 : vector<1000x128xf32>
    %reduce_sum3A_156 = arith.constant dense<0.000000e+00> : vector<1000xf32>
    %reduce_sum3A_157 = vector.multi_reduction <add>, %mul3A_155, %reduce_sum3A_156 [1] : vector<1000x128xf32> to vector<1000xf32>
    %broadcast_in_dim3A_158 = vector.shape_cast %reduce_sum3A_157 : vector<1000xf32> to vector<1000x1xf32>
    %swap3A_159 = arith.constant 0 : index
    %swap3A_160 = arith.constant 1 : index
    %swap3A_161 = vector.load %arg6[%swap3A_159, %swap3A_160] : memref<1000x4xf32, #tpu.memory_space<vmem>>, vector<1000x1xf32>
    tpu.vector_store %arg6[%swap3A_159, %swap3A_160], %broadcast_in_dim3A_158 {strides = array<i32>} : memref<1000x4xf32, #tpu.memory_space<vmem>>, vector<1000x1xf32>,
    %sub3A_162 = vector.broadcast %broadcast_in_dim3A_158 : vector<1000x1xf32> to vector<1000x128xf32>
    %sub3A_163 = arith.subf %slice3A_154, %sub3A_162 : vector<1000x128xf32>
    %slice3A_164 = vector.extract_strided_slice %get3A_1 {offsets = [0, 256], sizes = [1000, 128], strides = [1, 1]} : vector<1000x512xf32> to vector<1000x128xf32>
    %mul3A_165 = arith.mulf %slice3A_164, %div3A_138 : vector<1000x128xf32>
    %reduce_sum3A_166 = arith.constant dense<0.000000e+00> : vector<1000xf32>
    %reduce_sum3A_167 = vector.multi_reduction <add>, %mul3A_165, %reduce_sum3A_166 [1] : vector<1000x128xf32> to vector<1000xf32>
    %broadcast_in_dim3A_168 = vector.shape_cast %reduce_sum3A_167 : vector<1000xf32> to vector<1000x1xf32>
    %swap3A_169 = arith.constant 0 : index
    %swap3A_170 = arith.constant 2 : index
    %swap3A_171 = vector.load %arg6[%swap3A_169, %swap3A_170] : memref<1000x4xf32, #tpu.memory_space<vmem>>, vector<1000x1xf32>
    tpu.vector_store %arg6[%swap3A_169, %swap3A_170], %broadcast_in_dim3A_168 {strides = array<i32>} : memref<1000x4xf32, #tpu.memory_space<vmem>>, vector<1000x1xf32>,
    %sub3A_172 = vector.broadcast %broadcast_in_dim3A_168 : vector<1000x1xf32> to vector<1000x128xf32>
    %sub3A_173 = arith.subf %slice3A_164, %sub3A_172 : vector<1000x128xf32>
    %slice3A_174 = vector.extract_strided_slice %get3A_1 {offsets = [0, 384], sizes = [1000, 128], strides = [1, 1]} : vector<1000x512xf32> to vector<1000x128xf32>
    %mul3A_175 = arith.mulf %slice3A_174, %div3A_138 : vector<1000x128xf32>
    %reduce_sum3A_176 = arith.constant dense<0.000000e+00> : vector<1000xf32>
    %reduce_sum3A_177 = vector.multi_reduction <add>, %mul3A_175, %reduce_sum3A_176 [1] : vector<1000x128xf32> to vector<1000xf32>
    %broadcast_in_dim3A_178 = vector.shape_cast %reduce_sum3A_177 : vector<1000xf32> to vector<1000x1xf32>
    %swap3A_179 = arith.constant 0 : index
    %swap3A_180 = arith.constant 3 : index
    %swap3A_181 = vector.load %arg6[%swap3A_179, %swap3A_180] : memref<1000x4xf32, #tpu.memory_space<vmem>>, vector<1000x1xf32>
    tpu.vector_store %arg6[%swap3A_179, %swap3A_180], %broadcast_in_dim3A_178 {strides = array<i32>} : memref<1000x4xf32, #tpu.memory_space<vmem>>, vector<1000x1xf32>,
    %sub3A_182 = vector.broadcast %broadcast_in_dim3A_178 : vector<1000x1xf32> to vector<1000x128xf32>
    %sub3A_183 = arith.subf %slice3A_174, %sub3A_182 : vector<1000x128xf32>
    %mul3A_184 = arith.mulf %sub3A_153, %div3A_138 : vector<1000x128xf32>
    %mul3A_185 = arith.mulf %mul3A_184, %sub3A_153 : vector<1000x128xf32>
    %reduce_sum3A_186 = arith.constant dense<0.000000e+00> : vector<1000xf32>
    %reduce_sum3A_187 = vector.multi_reduction <add>, %mul3A_185, %reduce_sum3A_186 [1] : vector<1000x128xf32> to vector<1000xf32>
    %broadcast_in_dim3A_188 = vector.shape_cast %reduce_sum3A_187 : vector<1000xf32> to vector<1000x1xf32>
    %swap3A_189 = arith.constant 0 : index
    %swap3A_190 = arith.constant 0 : index
    %swap3A_191 = vector.load %arg7[%swap3A_189, %swap3A_190] : memref<1000x16xf32, #tpu.memory_space<vmem>>, vector<1000x1xf32>
    tpu.vector_store %arg7[%swap3A_189, %swap3A_190], %broadcast_in_dim3A_188 {strides = array<i32>} : memref<1000x16xf32, #tpu.memory_space<vmem>>, vector<1000x1xf32>,
    %mul3A_192 = arith.mulf %mul3A_184, %sub3A_163 : vector<1000x128xf32>
    %reduce_sum3A_193 = arith.constant dense<0.000000e+00> : vector<1000xf32>
    %reduce_sum3A_194 = vector.multi_reduction <add>, %mul3A_192, %reduce_sum3A_193 [1] : vector<1000x128xf32> to vector<1000xf32>
    %broadcast_in_dim3A_195 = vector.shape_cast %reduce_sum3A_194 : vector<1000xf32> to vector<1000x1xf32>
    %swap3A_196 = arith.constant 0 : index
    %swap3A_197 = arith.constant 1 : index
    %swap3A_198 = vector.load %arg7[%swap3A_196, %swap3A_197] : memref<1000x16xf32, #tpu.memory_space<vmem>>, vector<1000x1xf32>
    tpu.vector_store %arg7[%swap3A_196, %swap3A_197], %broadcast_in_dim3A_195 {strides = array<i32>} : memref<1000x16xf32, #tpu.memory_space<vmem>>, vector<1000x1xf32>,
    %mul3A_199 = arith.mulf %mul3A_184, %sub3A_173 : vector<1000x128xf32>
    %reduce_sum3A_200 = arith.constant dense<0.000000e+00> : vector<1000xf32>
    %reduce_sum3A_201 = vector.multi_reduction <add>, %mul3A_199, %reduce_sum3A_200 [1] : vector<1000x128xf32> to vector<1000xf32>
    %broadcast_in_dim3A_202 = vector.shape_cast %reduce_sum3A_201 : vector<1000xf32> to vector<1000x1xf32>
    %swap3A_203 = arith.constant 0 : index
    %swap3A_204 = arith.constant 2 : index
    %swap3A_205 = vector.load %arg7[%swap3A_203, %swap3A_204] : memref<1000x16xf32, #tpu.memory_space<vmem>>, vector<1000x1xf32>
    tpu.vector_store %arg7[%swap3A_203, %swap3A_204], %broadcast_in_dim3A_202 {strides = array<i32>} : memref<1000x16xf32, #tpu.memory_space<vmem>>, vector<1000x1xf32>,
    %mul3A_206 = arith.mulf %mul3A_184, %sub3A_183 : vector<1000x128xf32>
    %reduce_sum3A_207 = arith.constant dense<0.000000e+00> : vector<1000xf32>
    %reduce_sum3A_208 = vector.multi_reduction <add>, %mul3A_206, %reduce_sum3A_207 [1] : vector<1000x128xf32> to vector<1000xf32>
    %broadcast_in_dim3A_209 = vector.shape_cast %reduce_sum3A_208 : vector<1000xf32> to vector<1000x1xf32>
    %swap3A_210 = arith.constant 0 : index
    %swap3A_211 = arith.constant 3 : index
    %swap3A_212 = vector.load %arg7[%swap3A_210, %swap3A_211] : memref<1000x16xf32, #tpu.memory_space<vmem>>, vector<1000x1xf32>
    tpu.vector_store %arg7[%swap3A_210, %swap3A_211], %broadcast_in_dim3A_209 {strides = array<i32>} : memref<1000x16xf32, #tpu.memory_space<vmem>>, vector<1000x1xf32>,
    %mul3A_213 = arith.mulf %sub3A_163, %div3A_138 : vector<1000x128xf32>
    %mul3A_214 = arith.mulf %mul3A_213, %sub3A_153 : vector<1000x128xf32>
    %reduce_sum3A_215 = arith.constant dense<0.000000e+00> : vector<1000xf32>
    %reduce_sum3A_216 = vector.multi_reduction <add>, %mul3A_214, %reduce_sum3A_215 [1] : vector<1000x128xf32> to vector<1000xf32>
    %broadcast_in_dim3A_217 = vector.shape_cast %reduce_sum3A_216 : vector<1000xf32> to vector<1000x1xf32>
    %swap3A_218 = arith.constant 0 : index
    %swap3A_219 = arith.constant 4 : index
    %swap3A_220 = vector.load %arg7[%swap3A_218, %swap3A_219] : memref<1000x16xf32, #tpu.memory_space<vmem>>, vector<1000x1xf32>
    tpu.vector_store %arg7[%swap3A_218, %swap3A_219], %broadcast_in_dim3A_217 {strides = array<i32>} : memref<1000x16xf32, #tpu.memory_space<vmem>>, vector<1000x1xf32>,
    %mul3A_221 = arith.mulf %mul3A_213, %sub3A_163 : vector<1000x128xf32>
    %reduce_sum3A_222 = arith.constant dense<0.000000e+00> : vector<1000xf32>
    %reduce_sum3A_223 = vector.multi_reduction <add>, %mul3A_221, %reduce_sum3A_222 [1] : vector<1000x128xf32> to vector<1000xf32>
    %broadcast_in_dim3A_224 = vector.shape_cast %reduce_sum3A_223 : vector<1000xf32> to vector<1000x1xf32>
    %swap3A_225 = arith.constant 0 : index
    %swap3A_226 = arith.constant 5 : index
    %swap3A_227 = vector.load %arg7[%swap3A_225, %swap3A_226] : memref<1000x16xf32, #tpu.memory_space<vmem>>, vector<1000x1xf32>
    tpu.vector_store %arg7[%swap3A_225, %swap3A_226], %broadcast_in_dim3A_224 {strides = array<i32>} : memref<1000x16xf32, #tpu.memory_space<vmem>>, vector<1000x1xf32>,
    %mul3A_228 = arith.mulf %mul3A_213, %sub3A_173 : vector<1000x128xf32>
    %reduce_sum3A_229 = arith.constant dense<0.000000e+00> : vector<1000xf32>
    %reduce_sum3A_230 = vector.multi_reduction <add>, %mul3A_228, %reduce_sum3A_229 [1] : vector<1000x128xf32> to vector<1000xf32>
    %broadcast_in_dim3A_231 = vector.shape_cast %reduce_sum3A_230 : vector<1000xf32> to vector<1000x1xf32>
    %swap3A_232 = arith.constant 0 : index
    %swap3A_233 = arith.constant 6 : index
    %swap3A_234 = vector.load %arg7[%swap3A_232, %swap3A_233] : memref<1000x16xf32, #tpu.memory_space<vmem>>, vector<1000x1xf32>
    tpu.vector_store %arg7[%swap3A_232, %swap3A_233], %broadcast_in_dim3A_231 {strides = array<i32>} : memref<1000x16xf32, #tpu.memory_space<vmem>>, vector<1000x1xf32>,
    %mul3A_235 = arith.mulf %mul3A_213, %sub3A_183 : vector<1000x128xf32>
    %reduce_sum3A_236 = arith.constant dense<0.000000e+00> : vector<1000xf32>
    %reduce_sum3A_237 = vector.multi_reduction <add>, %mul3A_235, %reduce_sum3A_236 [1] : vector<1000x128xf32> to vector<1000xf32>
    %broadcast_in_dim3A_238 = vector.shape_cast %reduce_sum3A_237 : vector<1000xf32> to vector<1000x1xf32>
    %swap3A_239 = arith.constant 0 : index
    %swap3A_240 = arith.constant 7 : index
    %swap3A_241 = vector.load %arg7[%swap3A_239, %swap3A_240] : memref<1000x16xf32, #tpu.memory_space<vmem>>, vector<1000x1xf32>
    tpu.vector_store %arg7[%swap3A_239, %swap3A_240], %broadcast_in_dim3A_238 {strides = array<i32>} : memref<1000x16xf32, #tpu.memory_space<vmem>>, vector<1000x1xf32>,
    %mul3A_242 = arith.mulf %sub3A_173, %div3A_138 : vector<1000x128xf32>
    %mul3A_243 = arith.mulf %mul3A_242, %sub3A_153 : vector<1000x128xf32>
    %reduce_sum3A_244 = arith.constant dense<0.000000e+00> : vector<1000xf32>
    %reduce_sum3A_245 = vector.multi_reduction <add>, %mul3A_243, %reduce_sum3A_244 [1] : vector<1000x128xf32> to vector<1000xf32>
    %broadcast_in_dim3A_246 = vector.shape_cast %reduce_sum3A_245 : vector<1000xf32> to vector<1000x1xf32>
    %swap3A_247 = arith.constant 0 : index
    %swap3A_248 = arith.constant 8 : index
    %swap3A_249 = vector.load %arg7[%swap3A_247, %swap3A_248] : memref<1000x16xf32, #tpu.memory_space<vmem>>, vector<1000x1xf32>
    tpu.vector_store %arg7[%swap3A_247, %swap3A_248], %broadcast_in_dim3A_246 {strides = array<i32>} : memref<1000x16xf32, #tpu.memory_space<vmem>>, vector<1000x1xf32>,
    %mul3A_250 = arith.mulf %mul3A_242, %sub3A_163 : vector<1000x128xf32>
    %reduce_sum3A_251 = arith.constant dense<0.000000e+00> : vector<1000xf32>
    %reduce_sum3A_252 = vector.multi_reduction <add>, %mul3A_250, %reduce_sum3A_251 [1] : vector<1000x128xf32> to vector<1000xf32>
    %broadcast_in_dim3A_253 = vector.shape_cast %reduce_sum3A_252 : vector<1000xf32> to vector<1000x1xf32>
    %swap3A_254 = arith.constant 0 : index
    %swap3A_255 = arith.constant 9 : index
    %swap3A_256 = vector.load %arg7[%swap3A_254, %swap3A_255] : memref<1000x16xf32, #tpu.memory_space<vmem>>, vector<1000x1xf32>
    tpu.vector_store %arg7[%swap3A_254, %swap3A_255], %broadcast_in_dim3A_253 {strides = array<i32>} : memref<1000x16xf32, #tpu.memory_space<vmem>>, vector<1000x1xf32>,
    %mul3A_257 = arith.mulf %mul3A_242, %sub3A_173 : vector<1000x128xf32>
    %reduce_sum3A_258 = arith.constant dense<0.000000e+00> : vector<1000xf32>
    %reduce_sum3A_259 = vector.multi_reduction <add>, %mul3A_257, %reduce_sum3A_258 [1] : vector<1000x128xf32> to vector<1000xf32>
    %broadcast_in_dim3A_260 = vector.shape_cast %reduce_sum3A_259 : vector<1000xf32> to vector<1000x1xf32>
    %swap3A_261 = arith.constant 0 : index
    %swap3A_262 = arith.constant 10 : index
    %swap3A_263 = vector.load %arg7[%swap3A_261, %swap3A_262] : memref<1000x16xf32, #tpu.memory_space<vmem>>, vector<1000x1xf32>
    tpu.vector_store %arg7[%swap3A_261, %swap3A_262], %broadcast_in_dim3A_260 {strides = array<i32>} : memref<1000x16xf32, #tpu.memory_space<vmem>>, vector<1000x1xf32>,
    %mul3A_264 = arith.mulf %mul3A_242, %sub3A_183 : vector<1000x128xf32>
    %reduce_sum3A_265 = arith.constant dense<0.000000e+00> : vector<1000xf32>
    %reduce_sum3A_266 = vector.multi_reduction <add>, %mul3A_264, %reduce_sum3A_265 [1] : vector<1000x128xf32> to vector<1000xf32>
    %broadcast_in_dim3A_267 = vector.shape_cast %reduce_sum3A_266 : vector<1000xf32> to vector<1000x1xf32>
    %swap3A_268 = arith.constant 0 : index
    %swap3A_269 = arith.constant 11 : index
    %swap3A_270 = vector.load %arg7[%swap3A_268, %swap3A_269] : memref<1000x16xf32, #tpu.memory_space<vmem>>, vector<1000x1xf32>
    tpu.vector_store %arg7[%swap3A_268, %swap3A_269], %broadcast_in_dim3A_267 {strides = array<i32>} : memref<1000x16xf32, #tpu.memory_space<vmem>>, vector<1000x1xf32>,
    %mul3A_271 = arith.mulf %sub3A_183, %div3A_138 : vector<1000x128xf32>
    %mul3A_272 = arith.mulf %mul3A_271, %sub3A_153 : vector<1000x128xf32>
    %reduce_sum3A_273 = arith.constant dense<0.000000e+00> : vector<1000xf32>
    %reduce_sum3A_274 = vector.multi_reduction <add>, %mul3A_272, %reduce_sum3A_273 [1] : vector<1000x128xf32> to vector<1000xf32>
    %broadcast_in_dim3A_275 = vector.shape_cast %reduce_sum3A_274 : vector<1000xf32> to vector<1000x1xf32>
    %swap3A_276 = arith.constant 0 : index
    %swap3A_277 = arith.constant 12 : index
    %swap3A_278 = vector.load %arg7[%swap3A_276, %swap3A_277] : memref<1000x16xf32, #tpu.memory_space<vmem>>, vector<1000x1xf32>
    tpu.vector_store %arg7[%swap3A_276, %swap3A_277], %broadcast_in_dim3A_275 {strides = array<i32>} : memref<1000x16xf32, #tpu.memory_space<vmem>>, vector<1000x1xf32>,
    %mul3A_279 = arith.mulf %mul3A_271, %sub3A_163 : vector<1000x128xf32>
    %reduce_sum3A_280 = arith.constant dense<0.000000e+00> : vector<1000xf32>
    %reduce_sum3A_281 = vector.multi_reduction <add>, %mul3A_279, %reduce_sum3A_280 [1] : vector<1000x128xf32> to vector<1000xf32>
    %broadcast_in_dim3A_282 = vector.shape_cast %reduce_sum3A_281 : vector<1000xf32> to vector<1000x1xf32>
    %swap3A_283 = arith.constant 0 : index
    %swap3A_284 = arith.constant 13 : index
    %swap3A_285 = vector.load %arg7[%swap3A_283, %swap3A_284] : memref<1000x16xf32, #tpu.memory_space<vmem>>, vector<1000x1xf32>
    tpu.vector_store %arg7[%swap3A_283, %swap3A_284], %broadcast_in_dim3A_282 {strides = array<i32>} : memref<1000x16xf32, #tpu.memory_space<vmem>>, vector<1000x1xf32>,
    %mul3A_286 = arith.mulf %mul3A_271, %sub3A_173 : vector<1000x128xf32>
    %reduce_sum3A_287 = arith.constant dense<0.000000e+00> : vector<1000xf32>
    %reduce_sum3A_288 = vector.multi_reduction <add>, %mul3A_286, %reduce_sum3A_287 [1] : vector<1000x128xf32> to vector<1000xf32>
    %broadcast_in_dim3A_289 = vector.shape_cast %reduce_sum3A_288 : vector<1000xf32> to vector<1000x1xf32>
    %swap3A_290 = arith.constant 0 : index
    %swap3A_291 = arith.constant 14 : index
    %swap3A_292 = vector.load %arg7[%swap3A_290, %swap3A_291] : memref<1000x16xf32, #tpu.memory_space<vmem>>, vector<1000x1xf32>
    tpu.vector_store %arg7[%swap3A_290, %swap3A_291], %broadcast_in_dim3A_289 {strides = array<i32>} : memref<1000x16xf32, #tpu.memory_space<vmem>>, vector<1000x1xf32>,
    %mul3A_293 = arith.mulf %mul3A_271, %sub3A_183 : vector<1000x128xf32>
    %reduce_sum3A_294 = arith.constant dense<0.000000e+00> : vector<1000xf32>
    %reduce_sum3A_295 = vector.multi_reduction <add>, %mul3A_293, %reduce_sum3A_294 [1] : vector<1000x128xf32> to vector<1000xf32>
    %broadcast_in_dim3A_296 = vector.shape_cast %reduce_sum3A_295 : vector<1000xf32> to vector<1000x1xf32>
    %swap3A_297 = arith.constant 0 : index
    %swap3A_298 = arith.constant 15 : index
    %swap3A_299 = vector.load %arg7[%swap3A_297, %swap3A_298] : memref<1000x16xf32, #tpu.memory_space<vmem>>, vector<1000x1xf32>
    tpu.vector_store %arg7[%swap3A_297, %swap3A_298], %broadcast_in_dim3A_296 {strides = array<i32>} : memref<1000x16xf32, #tpu.memory_space<vmem>>, vector<1000x1xf32>,
    return
  }
  func.func @transform_0(%arg0: i32) -> (i32, i32) {
    %c0_i32 = arith.constant 0 : i32
    %c0_i32_0 = arith.constant 0 : i32
    return %arg0, %c0_i32 : i32, i32
  }
  func.func @transform_1(%arg0: i32) -> (i32, i32) {
    %c0_i32 = arith.constant 0 : i32
    %c0_i32_0 = arith.constant 0 : i32
    return %arg0, %c0_i32 : i32, i32
  }
  func.func @transform_2(%arg0: i32) -> (i32, i32) {
    %c0_i32 = arith.constant 0 : i32
    %c0_i32_0 = arith.constant 0 : i32
    return %arg0, %c0_i32 : i32, i32
  }
  func.func @transform_3(%arg0: i32) -> (i32, i32) {
    %c0_i32 = arith.constant 0 : i32
    %c0_i32_0 = arith.constant 0 : i32
    return %arg0, %c0_i32 : i32, i32
  }
  func.func @transform_4(%arg0: i32) -> (i32, i32) {
    %c0_i32 = arith.constant 0 : i32
    %c0_i32_0 = arith.constant 0 : i32
    return %arg0, %c0_i32 : i32, i32
  }
  func.func @transform_5(%arg0: i32) -> (i32, i32) {
    %c0_i32 = arith.constant 0 : i32
    %c0_i32_0 = arith.constant 0 : i32
    return %arg0, %c0_i32 : i32, i32
  }
  func.func @transform_6(%arg0: i32) -> (i32, i32) {
    %c0_i32 = arith.constant 0 : i32
    %c0_i32_0 = arith.constant 0 : i32
    return %arg0, %c0_i32 : i32, i32
  }
  func.func @transform_7(%arg0: i32) -> (i32, i32) {
    %c0_i32 = arith.constant 0 : i32
    %c0_i32_0 = arith.constant 0 : i32
    return %arg0, %c0_i32 : i32, i32
  }
}

module attributes {stable_mosaic.version = 14 : i64} {
  func.func @_resample_body(%arg0: i32, %arg1: memref<40x16384xf32, #tpu.memory_space<vmem>>, %arg2: memref<40x128xf32, #tpu.memory_space<vmem>>, %arg3: memref<40x128xf32, #tpu.memory_space<vmem>>) attributes {dimension_semantics = [#tpu.dimension_semantics<arbitrary>], iteration_bounds = array<i64: 250>, scalar_prefetch = 0 : i64, scratch_operands = 0 : i64, tpu.core_type = #tpu.core_type<tc>, window_params = [{transform_indices = @transform_0, window_bounds = array<i64: 40, 16384>}, {transform_indices = @transform_1, window_bounds = array<i64: 40, 128>}, {transform_indices = @transform_2, window_bounds = array<i64: 40, 128>}]} {
    %get3A = arith.constant 0 : index
    %get3A_0 = arith.constant 0 : index
    %get3A_1 = vector.load %arg2[%get3A, %get3A_0] : memref<40x128xf32, #tpu.memory_space<vmem>>, vector<40x128xf32>
    %log3A = math.log %get3A_1 : vector<40x128xf32>
    %iota3A = tpu.iota {dimensions = array<i32: 1>} : vector<40x128xi32>
    %get3A_2 = arith.constant 0 : index
    %get3A_3 = arith.constant 0 : index
    %get3A_4 = vector.load %arg1[%get3A_2, %get3A_3] : memref<40x16384xf32, #tpu.memory_space<vmem>>, vector<40x128xf32>
    %add3A = arith.addf %get3A_4, %log3A : vector<40x128xf32>
    %reduce_max3A = arith.constant dense<0xFF800000> : vector<40xf32>
    %reduce_max3A_5 = vector.multi_reduction <maximumf>, %add3A, %reduce_max3A [1] : vector<40x128xf32> to vector<40xf32>
    %broadcast_in_dim3A = vector.shape_cast %reduce_max3A_5 : vector<40xf32> to vector<40x1xf32>
    %eq3A = vector.broadcast %broadcast_in_dim3A : vector<40x1xf32> to vector<40x128xf32>
    %eq3A_6 = arith.cmpf oeq, %add3A, %eq3A : vector<40x128xf32>
    %jit3A = arith.constant 128 : i32
    %broadcast_in_dim3A_7 = vector.broadcast %jit3A : i32 to vector<40x128xi32>
    %select_n3A = arith.select %eq3A_6, %iota3A, %broadcast_in_dim3A_7 : vector<40x128xi1>, vector<40x128xi32>
    %reduce_min3A = arith.constant dense<2147483647> : vector<40xi32>
    %reduce_min3A_8 = vector.multi_reduction <minsi>, %select_n3A, %reduce_min3A [1] : vector<40x128xi32> to vector<40xi32>
    %broadcast_in_dim3A_9 = vector.shape_cast %reduce_min3A_8 : vector<40xi32> to vector<40x1xi32>
    %convert_element_type3A = arith.sitofp %broadcast_in_dim3A_9 : vector<40x1xi32> to vector<40x1xf32>
    %get3A_10 = arith.constant 0 : index
    %get3A_11 = arith.constant 128 : index
    %get3A_12 = vector.load %arg1[%get3A_10, %get3A_11] : memref<40x16384xf32, #tpu.memory_space<vmem>>, vector<40x128xf32>
    %add3A_13 = arith.addf %get3A_12, %log3A : vector<40x128xf32>
    %reduce_max3A_14 = arith.constant dense<0xFF800000> : vector<40xf32>
    %reduce_max3A_15 = vector.multi_reduction <maximumf>, %add3A_13, %reduce_max3A_14 [1] : vector<40x128xf32> to vector<40xf32>
    %broadcast_in_dim3A_16 = vector.shape_cast %reduce_max3A_15 : vector<40xf32> to vector<40x1xf32>
    %eq3A_17 = vector.broadcast %broadcast_in_dim3A_16 : vector<40x1xf32> to vector<40x128xf32>
    %eq3A_18 = arith.cmpf oeq, %add3A_13, %eq3A_17 : vector<40x128xf32>
    %jit3A_19 = arith.constant 128 : i32
    %broadcast_in_dim3A_20 = vector.broadcast %jit3A_19 : i32 to vector<40x128xi32>
    %select_n3A_21 = arith.select %eq3A_18, %iota3A, %broadcast_in_dim3A_20 : vector<40x128xi1>, vector<40x128xi32>
    %reduce_min3A_22 = arith.constant dense<2147483647> : vector<40xi32>
    %reduce_min3A_23 = vector.multi_reduction <minsi>, %select_n3A_21, %reduce_min3A_22 [1] : vector<40x128xi32> to vector<40xi32>
    %broadcast_in_dim3A_24 = vector.shape_cast %reduce_min3A_23 : vector<40xi32> to vector<40x1xi32>
    %convert_element_type3A_25 = arith.sitofp %broadcast_in_dim3A_24 : vector<40x1xi32> to vector<40x1xf32>
    %get3A_26 = arith.constant 0 : index
    %get3A_27 = arith.constant 256 : index
    %get3A_28 = vector.load %arg1[%get3A_26, %get3A_27] : memref<40x16384xf32, #tpu.memory_space<vmem>>, vector<40x128xf32>
    %add3A_29 = arith.addf %get3A_28, %log3A : vector<40x128xf32>
    %reduce_max3A_30 = arith.constant dense<0xFF800000> : vector<40xf32>
    %reduce_max3A_31 = vector.multi_reduction <maximumf>, %add3A_29, %reduce_max3A_30 [1] : vector<40x128xf32> to vector<40xf32>
    %broadcast_in_dim3A_32 = vector.shape_cast %reduce_max3A_31 : vector<40xf32> to vector<40x1xf32>
    %eq3A_33 = vector.broadcast %broadcast_in_dim3A_32 : vector<40x1xf32> to vector<40x128xf32>
    %eq3A_34 = arith.cmpf oeq, %add3A_29, %eq3A_33 : vector<40x128xf32>
    %jit3A_35 = arith.constant 128 : i32
    %broadcast_in_dim3A_36 = vector.broadcast %jit3A_35 : i32 to vector<40x128xi32>
    %select_n3A_37 = arith.select %eq3A_34, %iota3A, %broadcast_in_dim3A_36 : vector<40x128xi1>, vector<40x128xi32>
    %reduce_min3A_38 = arith.constant dense<2147483647> : vector<40xi32>
    %reduce_min3A_39 = vector.multi_reduction <minsi>, %select_n3A_37, %reduce_min3A_38 [1] : vector<40x128xi32> to vector<40xi32>
    %broadcast_in_dim3A_40 = vector.shape_cast %reduce_min3A_39 : vector<40xi32> to vector<40x1xi32>
    %convert_element_type3A_41 = arith.sitofp %broadcast_in_dim3A_40 : vector<40x1xi32> to vector<40x1xf32>
    %get3A_42 = arith.constant 0 : index
    %get3A_43 = arith.constant 384 : index
    %get3A_44 = vector.load %arg1[%get3A_42, %get3A_43] : memref<40x16384xf32, #tpu.memory_space<vmem>>, vector<40x128xf32>
    %add3A_45 = arith.addf %get3A_44, %log3A : vector<40x128xf32>
    %reduce_max3A_46 = arith.constant dense<0xFF800000> : vector<40xf32>
    %reduce_max3A_47 = vector.multi_reduction <maximumf>, %add3A_45, %reduce_max3A_46 [1] : vector<40x128xf32> to vector<40xf32>
    %broadcast_in_dim3A_48 = vector.shape_cast %reduce_max3A_47 : vector<40xf32> to vector<40x1xf32>
    %eq3A_49 = vector.broadcast %broadcast_in_dim3A_48 : vector<40x1xf32> to vector<40x128xf32>
    %eq3A_50 = arith.cmpf oeq, %add3A_45, %eq3A_49 : vector<40x128xf32>
    %jit3A_51 = arith.constant 128 : i32
    %broadcast_in_dim3A_52 = vector.broadcast %jit3A_51 : i32 to vector<40x128xi32>
    %select_n3A_53 = arith.select %eq3A_50, %iota3A, %broadcast_in_dim3A_52 : vector<40x128xi1>, vector<40x128xi32>
    %reduce_min3A_54 = arith.constant dense<2147483647> : vector<40xi32>
    %reduce_min3A_55 = vector.multi_reduction <minsi>, %select_n3A_53, %reduce_min3A_54 [1] : vector<40x128xi32> to vector<40xi32>
    %broadcast_in_dim3A_56 = vector.shape_cast %reduce_min3A_55 : vector<40xi32> to vector<40x1xi32>
    %convert_element_type3A_57 = arith.sitofp %broadcast_in_dim3A_56 : vector<40x1xi32> to vector<40x1xf32>
    %get3A_58 = arith.constant 0 : index
    %get3A_59 = arith.constant 512 : index
    %get3A_60 = vector.load %arg1[%get3A_58, %get3A_59] : memref<40x16384xf32, #tpu.memory_space<vmem>>, vector<40x128xf32>
    %add3A_61 = arith.addf %get3A_60, %log3A : vector<40x128xf32>
    %reduce_max3A_62 = arith.constant dense<0xFF800000> : vector<40xf32>
    %reduce_max3A_63 = vector.multi_reduction <maximumf>, %add3A_61, %reduce_max3A_62 [1] : vector<40x128xf32> to vector<40xf32>
    %broadcast_in_dim3A_64 = vector.shape_cast %reduce_max3A_63 : vector<40xf32> to vector<40x1xf32>
    %eq3A_65 = vector.broadcast %broadcast_in_dim3A_64 : vector<40x1xf32> to vector<40x128xf32>
    %eq3A_66 = arith.cmpf oeq, %add3A_61, %eq3A_65 : vector<40x128xf32>
    %jit3A_67 = arith.constant 128 : i32
    %broadcast_in_dim3A_68 = vector.broadcast %jit3A_67 : i32 to vector<40x128xi32>
    %select_n3A_69 = arith.select %eq3A_66, %iota3A, %broadcast_in_dim3A_68 : vector<40x128xi1>, vector<40x128xi32>
    %reduce_min3A_70 = arith.constant dense<2147483647> : vector<40xi32>
    %reduce_min3A_71 = vector.multi_reduction <minsi>, %select_n3A_69, %reduce_min3A_70 [1] : vector<40x128xi32> to vector<40xi32>
    %broadcast_in_dim3A_72 = vector.shape_cast %reduce_min3A_71 : vector<40xi32> to vector<40x1xi32>
    %convert_element_type3A_73 = arith.sitofp %broadcast_in_dim3A_72 : vector<40x1xi32> to vector<40x1xf32>
    %get3A_74 = arith.constant 0 : index
    %get3A_75 = arith.constant 640 : index
    %get3A_76 = vector.load %arg1[%get3A_74, %get3A_75] : memref<40x16384xf32, #tpu.memory_space<vmem>>, vector<40x128xf32>
    %add3A_77 = arith.addf %get3A_76, %log3A : vector<40x128xf32>
    %reduce_max3A_78 = arith.constant dense<0xFF800000> : vector<40xf32>
    %reduce_max3A_79 = vector.multi_reduction <maximumf>, %add3A_77, %reduce_max3A_78 [1] : vector<40x128xf32> to vector<40xf32>
    %broadcast_in_dim3A_80 = vector.shape_cast %reduce_max3A_79 : vector<40xf32> to vector<40x1xf32>
    %eq3A_81 = vector.broadcast %broadcast_in_dim3A_80 : vector<40x1xf32> to vector<40x128xf32>
    %eq3A_82 = arith.cmpf oeq, %add3A_77, %eq3A_81 : vector<40x128xf32>
    %jit3A_83 = arith.constant 128 : i32
    %broadcast_in_dim3A_84 = vector.broadcast %jit3A_83 : i32 to vector<40x128xi32>
    %select_n3A_85 = arith.select %eq3A_82, %iota3A, %broadcast_in_dim3A_84 : vector<40x128xi1>, vector<40x128xi32>
    %reduce_min3A_86 = arith.constant dense<2147483647> : vector<40xi32>
    %reduce_min3A_87 = vector.multi_reduction <minsi>, %select_n3A_85, %reduce_min3A_86 [1] : vector<40x128xi32> to vector<40xi32>
    %broadcast_in_dim3A_88 = vector.shape_cast %reduce_min3A_87 : vector<40xi32> to vector<40x1xi32>
    %convert_element_type3A_89 = arith.sitofp %broadcast_in_dim3A_88 : vector<40x1xi32> to vector<40x1xf32>
    %get3A_90 = arith.constant 0 : index
    %get3A_91 = arith.constant 768 : index
    %get3A_92 = vector.load %arg1[%get3A_90, %get3A_91] : memref<40x16384xf32, #tpu.memory_space<vmem>>, vector<40x128xf32>
    %add3A_93 = arith.addf %get3A_92, %log3A : vector<40x128xf32>
    %reduce_max3A_94 = arith.constant dense<0xFF800000> : vector<40xf32>
    %reduce_max3A_95 = vector.multi_reduction <maximumf>, %add3A_93, %reduce_max3A_94 [1] : vector<40x128xf32> to vector<40xf32>
    %broadcast_in_dim3A_96 = vector.shape_cast %reduce_max3A_95 : vector<40xf32> to vector<40x1xf32>
    %eq3A_97 = vector.broadcast %broadcast_in_dim3A_96 : vector<40x1xf32> to vector<40x128xf32>
    %eq3A_98 = arith.cmpf oeq, %add3A_93, %eq3A_97 : vector<40x128xf32>
    %jit3A_99 = arith.constant 128 : i32
    %broadcast_in_dim3A_100 = vector.broadcast %jit3A_99 : i32 to vector<40x128xi32>
    %select_n3A_101 = arith.select %eq3A_98, %iota3A, %broadcast_in_dim3A_100 : vector<40x128xi1>, vector<40x128xi32>
    %reduce_min3A_102 = arith.constant dense<2147483647> : vector<40xi32>
    %reduce_min3A_103 = vector.multi_reduction <minsi>, %select_n3A_101, %reduce_min3A_102 [1] : vector<40x128xi32> to vector<40xi32>
    %broadcast_in_dim3A_104 = vector.shape_cast %reduce_min3A_103 : vector<40xi32> to vector<40x1xi32>
    %convert_element_type3A_105 = arith.sitofp %broadcast_in_dim3A_104 : vector<40x1xi32> to vector<40x1xf32>
    %get3A_106 = arith.constant 0 : index
    %get3A_107 = arith.constant 896 : index
    %get3A_108 = vector.load %arg1[%get3A_106, %get3A_107] : memref<40x16384xf32, #tpu.memory_space<vmem>>, vector<40x128xf32>
    %add3A_109 = arith.addf %get3A_108, %log3A : vector<40x128xf32>
    %reduce_max3A_110 = arith.constant dense<0xFF800000> : vector<40xf32>
    %reduce_max3A_111 = vector.multi_reduction <maximumf>, %add3A_109, %reduce_max3A_110 [1] : vector<40x128xf32> to vector<40xf32>
    %broadcast_in_dim3A_112 = vector.shape_cast %reduce_max3A_111 : vector<40xf32> to vector<40x1xf32>
    %eq3A_113 = vector.broadcast %broadcast_in_dim3A_112 : vector<40x1xf32> to vector<40x128xf32>
    %eq3A_114 = arith.cmpf oeq, %add3A_109, %eq3A_113 : vector<40x128xf32>
    %jit3A_115 = arith.constant 128 : i32
    %broadcast_in_dim3A_116 = vector.broadcast %jit3A_115 : i32 to vector<40x128xi32>
    %select_n3A_117 = arith.select %eq3A_114, %iota3A, %broadcast_in_dim3A_116 : vector<40x128xi1>, vector<40x128xi32>
    %reduce_min3A_118 = arith.constant dense<2147483647> : vector<40xi32>
    %reduce_min3A_119 = vector.multi_reduction <minsi>, %select_n3A_117, %reduce_min3A_118 [1] : vector<40x128xi32> to vector<40xi32>
    %broadcast_in_dim3A_120 = vector.shape_cast %reduce_min3A_119 : vector<40xi32> to vector<40x1xi32>
    %convert_element_type3A_121 = arith.sitofp %broadcast_in_dim3A_120 : vector<40x1xi32> to vector<40x1xf32>
    %get3A_122 = arith.constant 0 : index
    %get3A_123 = arith.constant 1024 : index
    %get3A_124 = vector.load %arg1[%get3A_122, %get3A_123] : memref<40x16384xf32, #tpu.memory_space<vmem>>, vector<40x128xf32>
    %add3A_125 = arith.addf %get3A_124, %log3A : vector<40x128xf32>
    %reduce_max3A_126 = arith.constant dense<0xFF800000> : vector<40xf32>
    %reduce_max3A_127 = vector.multi_reduction <maximumf>, %add3A_125, %reduce_max3A_126 [1] : vector<40x128xf32> to vector<40xf32>
    %broadcast_in_dim3A_128 = vector.shape_cast %reduce_max3A_127 : vector<40xf32> to vector<40x1xf32>
    %eq3A_129 = vector.broadcast %broadcast_in_dim3A_128 : vector<40x1xf32> to vector<40x128xf32>
    %eq3A_130 = arith.cmpf oeq, %add3A_125, %eq3A_129 : vector<40x128xf32>
    %jit3A_131 = arith.constant 128 : i32
    %broadcast_in_dim3A_132 = vector.broadcast %jit3A_131 : i32 to vector<40x128xi32>
    %select_n3A_133 = arith.select %eq3A_130, %iota3A, %broadcast_in_dim3A_132 : vector<40x128xi1>, vector<40x128xi32>
    %reduce_min3A_134 = arith.constant dense<2147483647> : vector<40xi32>
    %reduce_min3A_135 = vector.multi_reduction <minsi>, %select_n3A_133, %reduce_min3A_134 [1] : vector<40x128xi32> to vector<40xi32>
    %broadcast_in_dim3A_136 = vector.shape_cast %reduce_min3A_135 : vector<40xi32> to vector<40x1xi32>
    %convert_element_type3A_137 = arith.sitofp %broadcast_in_dim3A_136 : vector<40x1xi32> to vector<40x1xf32>
    %get3A_138 = arith.constant 0 : index
    %get3A_139 = arith.constant 1152 : index
    %get3A_140 = vector.load %arg1[%get3A_138, %get3A_139] : memref<40x16384xf32, #tpu.memory_space<vmem>>, vector<40x128xf32>
    %add3A_141 = arith.addf %get3A_140, %log3A : vector<40x128xf32>
    %reduce_max3A_142 = arith.constant dense<0xFF800000> : vector<40xf32>
    %reduce_max3A_143 = vector.multi_reduction <maximumf>, %add3A_141, %reduce_max3A_142 [1] : vector<40x128xf32> to vector<40xf32>
    %broadcast_in_dim3A_144 = vector.shape_cast %reduce_max3A_143 : vector<40xf32> to vector<40x1xf32>
    %eq3A_145 = vector.broadcast %broadcast_in_dim3A_144 : vector<40x1xf32> to vector<40x128xf32>
    %eq3A_146 = arith.cmpf oeq, %add3A_141, %eq3A_145 : vector<40x128xf32>
    %jit3A_147 = arith.constant 128 : i32
    %broadcast_in_dim3A_148 = vector.broadcast %jit3A_147 : i32 to vector<40x128xi32>
    %select_n3A_149 = arith.select %eq3A_146, %iota3A, %broadcast_in_dim3A_148 : vector<40x128xi1>, vector<40x128xi32>
    %reduce_min3A_150 = arith.constant dense<2147483647> : vector<40xi32>
    %reduce_min3A_151 = vector.multi_reduction <minsi>, %select_n3A_149, %reduce_min3A_150 [1] : vector<40x128xi32> to vector<40xi32>
    %broadcast_in_dim3A_152 = vector.shape_cast %reduce_min3A_151 : vector<40xi32> to vector<40x1xi32>
    %convert_element_type3A_153 = arith.sitofp %broadcast_in_dim3A_152 : vector<40x1xi32> to vector<40x1xf32>
    %get3A_154 = arith.constant 0 : index
    %get3A_155 = arith.constant 1280 : index
    %get3A_156 = vector.load %arg1[%get3A_154, %get3A_155] : memref<40x16384xf32, #tpu.memory_space<vmem>>, vector<40x128xf32>
    %add3A_157 = arith.addf %get3A_156, %log3A : vector<40x128xf32>
    %reduce_max3A_158 = arith.constant dense<0xFF800000> : vector<40xf32>
    %reduce_max3A_159 = vector.multi_reduction <maximumf>, %add3A_157, %reduce_max3A_158 [1] : vector<40x128xf32> to vector<40xf32>
    %broadcast_in_dim3A_160 = vector.shape_cast %reduce_max3A_159 : vector<40xf32> to vector<40x1xf32>
    %eq3A_161 = vector.broadcast %broadcast_in_dim3A_160 : vector<40x1xf32> to vector<40x128xf32>
    %eq3A_162 = arith.cmpf oeq, %add3A_157, %eq3A_161 : vector<40x128xf32>
    %jit3A_163 = arith.constant 128 : i32
    %broadcast_in_dim3A_164 = vector.broadcast %jit3A_163 : i32 to vector<40x128xi32>
    %select_n3A_165 = arith.select %eq3A_162, %iota3A, %broadcast_in_dim3A_164 : vector<40x128xi1>, vector<40x128xi32>
    %reduce_min3A_166 = arith.constant dense<2147483647> : vector<40xi32>
    %reduce_min3A_167 = vector.multi_reduction <minsi>, %select_n3A_165, %reduce_min3A_166 [1] : vector<40x128xi32> to vector<40xi32>
    %broadcast_in_dim3A_168 = vector.shape_cast %reduce_min3A_167 : vector<40xi32> to vector<40x1xi32>
    %convert_element_type3A_169 = arith.sitofp %broadcast_in_dim3A_168 : vector<40x1xi32> to vector<40x1xf32>
    %get3A_170 = arith.constant 0 : index
    %get3A_171 = arith.constant 1408 : index
    %get3A_172 = vector.load %arg1[%get3A_170, %get3A_171] : memref<40x16384xf32, #tpu.memory_space<vmem>>, vector<40x128xf32>
    %add3A_173 = arith.addf %get3A_172, %log3A : vector<40x128xf32>
    %reduce_max3A_174 = arith.constant dense<0xFF800000> : vector<40xf32>
    %reduce_max3A_175 = vector.multi_reduction <maximumf>, %add3A_173, %reduce_max3A_174 [1] : vector<40x128xf32> to vector<40xf32>
    %broadcast_in_dim3A_176 = vector.shape_cast %reduce_max3A_175 : vector<40xf32> to vector<40x1xf32>
    %eq3A_177 = vector.broadcast %broadcast_in_dim3A_176 : vector<40x1xf32> to vector<40x128xf32>
    %eq3A_178 = arith.cmpf oeq, %add3A_173, %eq3A_177 : vector<40x128xf32>
    %jit3A_179 = arith.constant 128 : i32
    %broadcast_in_dim3A_180 = vector.broadcast %jit3A_179 : i32 to vector<40x128xi32>
    %select_n3A_181 = arith.select %eq3A_178, %iota3A, %broadcast_in_dim3A_180 : vector<40x128xi1>, vector<40x128xi32>
    %reduce_min3A_182 = arith.constant dense<2147483647> : vector<40xi32>
    %reduce_min3A_183 = vector.multi_reduction <minsi>, %select_n3A_181, %reduce_min3A_182 [1] : vector<40x128xi32> to vector<40xi32>
    %broadcast_in_dim3A_184 = vector.shape_cast %reduce_min3A_183 : vector<40xi32> to vector<40x1xi32>
    %convert_element_type3A_185 = arith.sitofp %broadcast_in_dim3A_184 : vector<40x1xi32> to vector<40x1xf32>
    %get3A_186 = arith.constant 0 : index
    %get3A_187 = arith.constant 1536 : index
    %get3A_188 = vector.load %arg1[%get3A_186, %get3A_187] : memref<40x16384xf32, #tpu.memory_space<vmem>>, vector<40x128xf32>
    %add3A_189 = arith.addf %get3A_188, %log3A : vector<40x128xf32>
    %reduce_max3A_190 = arith.constant dense<0xFF800000> : vector<40xf32>
    %reduce_max3A_191 = vector.multi_reduction <maximumf>, %add3A_189, %reduce_max3A_190 [1] : vector<40x128xf32> to vector<40xf32>
    %broadcast_in_dim3A_192 = vector.shape_cast %reduce_max3A_191 : vector<40xf32> to vector<40x1xf32>
    %eq3A_193 = vector.broadcast %broadcast_in_dim3A_192 : vector<40x1xf32> to vector<40x128xf32>
    %eq3A_194 = arith.cmpf oeq, %add3A_189, %eq3A_193 : vector<40x128xf32>
    %jit3A_195 = arith.constant 128 : i32
    %broadcast_in_dim3A_196 = vector.broadcast %jit3A_195 : i32 to vector<40x128xi32>
    %select_n3A_197 = arith.select %eq3A_194, %iota3A, %broadcast_in_dim3A_196 : vector<40x128xi1>, vector<40x128xi32>
    %reduce_min3A_198 = arith.constant dense<2147483647> : vector<40xi32>
    %reduce_min3A_199 = vector.multi_reduction <minsi>, %select_n3A_197, %reduce_min3A_198 [1] : vector<40x128xi32> to vector<40xi32>
    %broadcast_in_dim3A_200 = vector.shape_cast %reduce_min3A_199 : vector<40xi32> to vector<40x1xi32>
    %convert_element_type3A_201 = arith.sitofp %broadcast_in_dim3A_200 : vector<40x1xi32> to vector<40x1xf32>
    %get3A_202 = arith.constant 0 : index
    %get3A_203 = arith.constant 1664 : index
    %get3A_204 = vector.load %arg1[%get3A_202, %get3A_203] : memref<40x16384xf32, #tpu.memory_space<vmem>>, vector<40x128xf32>
    %add3A_205 = arith.addf %get3A_204, %log3A : vector<40x128xf32>
    %reduce_max3A_206 = arith.constant dense<0xFF800000> : vector<40xf32>
    %reduce_max3A_207 = vector.multi_reduction <maximumf>, %add3A_205, %reduce_max3A_206 [1] : vector<40x128xf32> to vector<40xf32>
    %broadcast_in_dim3A_208 = vector.shape_cast %reduce_max3A_207 : vector<40xf32> to vector<40x1xf32>
    %eq3A_209 = vector.broadcast %broadcast_in_dim3A_208 : vector<40x1xf32> to vector<40x128xf32>
    %eq3A_210 = arith.cmpf oeq, %add3A_205, %eq3A_209 : vector<40x128xf32>
    %jit3A_211 = arith.constant 128 : i32
    %broadcast_in_dim3A_212 = vector.broadcast %jit3A_211 : i32 to vector<40x128xi32>
    %select_n3A_213 = arith.select %eq3A_210, %iota3A, %broadcast_in_dim3A_212 : vector<40x128xi1>, vector<40x128xi32>
    %reduce_min3A_214 = arith.constant dense<2147483647> : vector<40xi32>
    %reduce_min3A_215 = vector.multi_reduction <minsi>, %select_n3A_213, %reduce_min3A_214 [1] : vector<40x128xi32> to vector<40xi32>
    %broadcast_in_dim3A_216 = vector.shape_cast %reduce_min3A_215 : vector<40xi32> to vector<40x1xi32>
    %convert_element_type3A_217 = arith.sitofp %broadcast_in_dim3A_216 : vector<40x1xi32> to vector<40x1xf32>
    %get3A_218 = arith.constant 0 : index
    %get3A_219 = arith.constant 1792 : index
    %get3A_220 = vector.load %arg1[%get3A_218, %get3A_219] : memref<40x16384xf32, #tpu.memory_space<vmem>>, vector<40x128xf32>
    %add3A_221 = arith.addf %get3A_220, %log3A : vector<40x128xf32>
    %reduce_max3A_222 = arith.constant dense<0xFF800000> : vector<40xf32>
    %reduce_max3A_223 = vector.multi_reduction <maximumf>, %add3A_221, %reduce_max3A_222 [1] : vector<40x128xf32> to vector<40xf32>
    %broadcast_in_dim3A_224 = vector.shape_cast %reduce_max3A_223 : vector<40xf32> to vector<40x1xf32>
    %eq3A_225 = vector.broadcast %broadcast_in_dim3A_224 : vector<40x1xf32> to vector<40x128xf32>
    %eq3A_226 = arith.cmpf oeq, %add3A_221, %eq3A_225 : vector<40x128xf32>
    %jit3A_227 = arith.constant 128 : i32
    %broadcast_in_dim3A_228 = vector.broadcast %jit3A_227 : i32 to vector<40x128xi32>
    %select_n3A_229 = arith.select %eq3A_226, %iota3A, %broadcast_in_dim3A_228 : vector<40x128xi1>, vector<40x128xi32>
    %reduce_min3A_230 = arith.constant dense<2147483647> : vector<40xi32>
    %reduce_min3A_231 = vector.multi_reduction <minsi>, %select_n3A_229, %reduce_min3A_230 [1] : vector<40x128xi32> to vector<40xi32>
    %broadcast_in_dim3A_232 = vector.shape_cast %reduce_min3A_231 : vector<40xi32> to vector<40x1xi32>
    %convert_element_type3A_233 = arith.sitofp %broadcast_in_dim3A_232 : vector<40x1xi32> to vector<40x1xf32>
    %get3A_234 = arith.constant 0 : index
    %get3A_235 = arith.constant 1920 : index
    %get3A_236 = vector.load %arg1[%get3A_234, %get3A_235] : memref<40x16384xf32, #tpu.memory_space<vmem>>, vector<40x128xf32>
    %add3A_237 = arith.addf %get3A_236, %log3A : vector<40x128xf32>
    %reduce_max3A_238 = arith.constant dense<0xFF800000> : vector<40xf32>
    %reduce_max3A_239 = vector.multi_reduction <maximumf>, %add3A_237, %reduce_max3A_238 [1] : vector<40x128xf32> to vector<40xf32>
    %broadcast_in_dim3A_240 = vector.shape_cast %reduce_max3A_239 : vector<40xf32> to vector<40x1xf32>
    %eq3A_241 = vector.broadcast %broadcast_in_dim3A_240 : vector<40x1xf32> to vector<40x128xf32>
    %eq3A_242 = arith.cmpf oeq, %add3A_237, %eq3A_241 : vector<40x128xf32>
    %jit3A_243 = arith.constant 128 : i32
    %broadcast_in_dim3A_244 = vector.broadcast %jit3A_243 : i32 to vector<40x128xi32>
    %select_n3A_245 = arith.select %eq3A_242, %iota3A, %broadcast_in_dim3A_244 : vector<40x128xi1>, vector<40x128xi32>
    %reduce_min3A_246 = arith.constant dense<2147483647> : vector<40xi32>
    %reduce_min3A_247 = vector.multi_reduction <minsi>, %select_n3A_245, %reduce_min3A_246 [1] : vector<40x128xi32> to vector<40xi32>
    %broadcast_in_dim3A_248 = vector.shape_cast %reduce_min3A_247 : vector<40xi32> to vector<40x1xi32>
    %convert_element_type3A_249 = arith.sitofp %broadcast_in_dim3A_248 : vector<40x1xi32> to vector<40x1xf32>
    %get3A_250 = arith.constant 0 : index
    %get3A_251 = arith.constant 2048 : index
    %get3A_252 = vector.load %arg1[%get3A_250, %get3A_251] : memref<40x16384xf32, #tpu.memory_space<vmem>>, vector<40x128xf32>
    %add3A_253 = arith.addf %get3A_252, %log3A : vector<40x128xf32>
    %reduce_max3A_254 = arith.constant dense<0xFF800000> : vector<40xf32>
    %reduce_max3A_255 = vector.multi_reduction <maximumf>, %add3A_253, %reduce_max3A_254 [1] : vector<40x128xf32> to vector<40xf32>
    %broadcast_in_dim3A_256 = vector.shape_cast %reduce_max3A_255 : vector<40xf32> to vector<40x1xf32>
    %eq3A_257 = vector.broadcast %broadcast_in_dim3A_256 : vector<40x1xf32> to vector<40x128xf32>
    %eq3A_258 = arith.cmpf oeq, %add3A_253, %eq3A_257 : vector<40x128xf32>
    %jit3A_259 = arith.constant 128 : i32
    %broadcast_in_dim3A_260 = vector.broadcast %jit3A_259 : i32 to vector<40x128xi32>
    %select_n3A_261 = arith.select %eq3A_258, %iota3A, %broadcast_in_dim3A_260 : vector<40x128xi1>, vector<40x128xi32>
    %reduce_min3A_262 = arith.constant dense<2147483647> : vector<40xi32>
    %reduce_min3A_263 = vector.multi_reduction <minsi>, %select_n3A_261, %reduce_min3A_262 [1] : vector<40x128xi32> to vector<40xi32>
    %broadcast_in_dim3A_264 = vector.shape_cast %reduce_min3A_263 : vector<40xi32> to vector<40x1xi32>
    %convert_element_type3A_265 = arith.sitofp %broadcast_in_dim3A_264 : vector<40x1xi32> to vector<40x1xf32>
    %get3A_266 = arith.constant 0 : index
    %get3A_267 = arith.constant 2176 : index
    %get3A_268 = vector.load %arg1[%get3A_266, %get3A_267] : memref<40x16384xf32, #tpu.memory_space<vmem>>, vector<40x128xf32>
    %add3A_269 = arith.addf %get3A_268, %log3A : vector<40x128xf32>
    %reduce_max3A_270 = arith.constant dense<0xFF800000> : vector<40xf32>
    %reduce_max3A_271 = vector.multi_reduction <maximumf>, %add3A_269, %reduce_max3A_270 [1] : vector<40x128xf32> to vector<40xf32>
    %broadcast_in_dim3A_272 = vector.shape_cast %reduce_max3A_271 : vector<40xf32> to vector<40x1xf32>
    %eq3A_273 = vector.broadcast %broadcast_in_dim3A_272 : vector<40x1xf32> to vector<40x128xf32>
    %eq3A_274 = arith.cmpf oeq, %add3A_269, %eq3A_273 : vector<40x128xf32>
    %jit3A_275 = arith.constant 128 : i32
    %broadcast_in_dim3A_276 = vector.broadcast %jit3A_275 : i32 to vector<40x128xi32>
    %select_n3A_277 = arith.select %eq3A_274, %iota3A, %broadcast_in_dim3A_276 : vector<40x128xi1>, vector<40x128xi32>
    %reduce_min3A_278 = arith.constant dense<2147483647> : vector<40xi32>
    %reduce_min3A_279 = vector.multi_reduction <minsi>, %select_n3A_277, %reduce_min3A_278 [1] : vector<40x128xi32> to vector<40xi32>
    %broadcast_in_dim3A_280 = vector.shape_cast %reduce_min3A_279 : vector<40xi32> to vector<40x1xi32>
    %convert_element_type3A_281 = arith.sitofp %broadcast_in_dim3A_280 : vector<40x1xi32> to vector<40x1xf32>
    %get3A_282 = arith.constant 0 : index
    %get3A_283 = arith.constant 2304 : index
    %get3A_284 = vector.load %arg1[%get3A_282, %get3A_283] : memref<40x16384xf32, #tpu.memory_space<vmem>>, vector<40x128xf32>
    %add3A_285 = arith.addf %get3A_284, %log3A : vector<40x128xf32>
    %reduce_max3A_286 = arith.constant dense<0xFF800000> : vector<40xf32>
    %reduce_max3A_287 = vector.multi_reduction <maximumf>, %add3A_285, %reduce_max3A_286 [1] : vector<40x128xf32> to vector<40xf32>
    %broadcast_in_dim3A_288 = vector.shape_cast %reduce_max3A_287 : vector<40xf32> to vector<40x1xf32>
    %eq3A_289 = vector.broadcast %broadcast_in_dim3A_288 : vector<40x1xf32> to vector<40x128xf32>
    %eq3A_290 = arith.cmpf oeq, %add3A_285, %eq3A_289 : vector<40x128xf32>
    %jit3A_291 = arith.constant 128 : i32
    %broadcast_in_dim3A_292 = vector.broadcast %jit3A_291 : i32 to vector<40x128xi32>
    %select_n3A_293 = arith.select %eq3A_290, %iota3A, %broadcast_in_dim3A_292 : vector<40x128xi1>, vector<40x128xi32>
    %reduce_min3A_294 = arith.constant dense<2147483647> : vector<40xi32>
    %reduce_min3A_295 = vector.multi_reduction <minsi>, %select_n3A_293, %reduce_min3A_294 [1] : vector<40x128xi32> to vector<40xi32>
    %broadcast_in_dim3A_296 = vector.shape_cast %reduce_min3A_295 : vector<40xi32> to vector<40x1xi32>
    %convert_element_type3A_297 = arith.sitofp %broadcast_in_dim3A_296 : vector<40x1xi32> to vector<40x1xf32>
    %get3A_298 = arith.constant 0 : index
    %get3A_299 = arith.constant 2432 : index
    %get3A_300 = vector.load %arg1[%get3A_298, %get3A_299] : memref<40x16384xf32, #tpu.memory_space<vmem>>, vector<40x128xf32>
    %add3A_301 = arith.addf %get3A_300, %log3A : vector<40x128xf32>
    %reduce_max3A_302 = arith.constant dense<0xFF800000> : vector<40xf32>
    %reduce_max3A_303 = vector.multi_reduction <maximumf>, %add3A_301, %reduce_max3A_302 [1] : vector<40x128xf32> to vector<40xf32>
    %broadcast_in_dim3A_304 = vector.shape_cast %reduce_max3A_303 : vector<40xf32> to vector<40x1xf32>
    %eq3A_305 = vector.broadcast %broadcast_in_dim3A_304 : vector<40x1xf32> to vector<40x128xf32>
    %eq3A_306 = arith.cmpf oeq, %add3A_301, %eq3A_305 : vector<40x128xf32>
    %jit3A_307 = arith.constant 128 : i32
    %broadcast_in_dim3A_308 = vector.broadcast %jit3A_307 : i32 to vector<40x128xi32>
    %select_n3A_309 = arith.select %eq3A_306, %iota3A, %broadcast_in_dim3A_308 : vector<40x128xi1>, vector<40x128xi32>
    %reduce_min3A_310 = arith.constant dense<2147483647> : vector<40xi32>
    %reduce_min3A_311 = vector.multi_reduction <minsi>, %select_n3A_309, %reduce_min3A_310 [1] : vector<40x128xi32> to vector<40xi32>
    %broadcast_in_dim3A_312 = vector.shape_cast %reduce_min3A_311 : vector<40xi32> to vector<40x1xi32>
    %convert_element_type3A_313 = arith.sitofp %broadcast_in_dim3A_312 : vector<40x1xi32> to vector<40x1xf32>
    %get3A_314 = arith.constant 0 : index
    %get3A_315 = arith.constant 2560 : index
    %get3A_316 = vector.load %arg1[%get3A_314, %get3A_315] : memref<40x16384xf32, #tpu.memory_space<vmem>>, vector<40x128xf32>
    %add3A_317 = arith.addf %get3A_316, %log3A : vector<40x128xf32>
    %reduce_max3A_318 = arith.constant dense<0xFF800000> : vector<40xf32>
    %reduce_max3A_319 = vector.multi_reduction <maximumf>, %add3A_317, %reduce_max3A_318 [1] : vector<40x128xf32> to vector<40xf32>
    %broadcast_in_dim3A_320 = vector.shape_cast %reduce_max3A_319 : vector<40xf32> to vector<40x1xf32>
    %eq3A_321 = vector.broadcast %broadcast_in_dim3A_320 : vector<40x1xf32> to vector<40x128xf32>
    %eq3A_322 = arith.cmpf oeq, %add3A_317, %eq3A_321 : vector<40x128xf32>
    %jit3A_323 = arith.constant 128 : i32
    %broadcast_in_dim3A_324 = vector.broadcast %jit3A_323 : i32 to vector<40x128xi32>
    %select_n3A_325 = arith.select %eq3A_322, %iota3A, %broadcast_in_dim3A_324 : vector<40x128xi1>, vector<40x128xi32>
    %reduce_min3A_326 = arith.constant dense<2147483647> : vector<40xi32>
    %reduce_min3A_327 = vector.multi_reduction <minsi>, %select_n3A_325, %reduce_min3A_326 [1] : vector<40x128xi32> to vector<40xi32>
    %broadcast_in_dim3A_328 = vector.shape_cast %reduce_min3A_327 : vector<40xi32> to vector<40x1xi32>
    %convert_element_type3A_329 = arith.sitofp %broadcast_in_dim3A_328 : vector<40x1xi32> to vector<40x1xf32>
    %get3A_330 = arith.constant 0 : index
    %get3A_331 = arith.constant 2688 : index
    %get3A_332 = vector.load %arg1[%get3A_330, %get3A_331] : memref<40x16384xf32, #tpu.memory_space<vmem>>, vector<40x128xf32>
    %add3A_333 = arith.addf %get3A_332, %log3A : vector<40x128xf32>
    %reduce_max3A_334 = arith.constant dense<0xFF800000> : vector<40xf32>
    %reduce_max3A_335 = vector.multi_reduction <maximumf>, %add3A_333, %reduce_max3A_334 [1] : vector<40x128xf32> to vector<40xf32>
    %broadcast_in_dim3A_336 = vector.shape_cast %reduce_max3A_335 : vector<40xf32> to vector<40x1xf32>
    %eq3A_337 = vector.broadcast %broadcast_in_dim3A_336 : vector<40x1xf32> to vector<40x128xf32>
    %eq3A_338 = arith.cmpf oeq, %add3A_333, %eq3A_337 : vector<40x128xf32>
    %jit3A_339 = arith.constant 128 : i32
    %broadcast_in_dim3A_340 = vector.broadcast %jit3A_339 : i32 to vector<40x128xi32>
    %select_n3A_341 = arith.select %eq3A_338, %iota3A, %broadcast_in_dim3A_340 : vector<40x128xi1>, vector<40x128xi32>
    %reduce_min3A_342 = arith.constant dense<2147483647> : vector<40xi32>
    %reduce_min3A_343 = vector.multi_reduction <minsi>, %select_n3A_341, %reduce_min3A_342 [1] : vector<40x128xi32> to vector<40xi32>
    %broadcast_in_dim3A_344 = vector.shape_cast %reduce_min3A_343 : vector<40xi32> to vector<40x1xi32>
    %convert_element_type3A_345 = arith.sitofp %broadcast_in_dim3A_344 : vector<40x1xi32> to vector<40x1xf32>
    %get3A_346 = arith.constant 0 : index
    %get3A_347 = arith.constant 2816 : index
    %get3A_348 = vector.load %arg1[%get3A_346, %get3A_347] : memref<40x16384xf32, #tpu.memory_space<vmem>>, vector<40x128xf32>
    %add3A_349 = arith.addf %get3A_348, %log3A : vector<40x128xf32>
    %reduce_max3A_350 = arith.constant dense<0xFF800000> : vector<40xf32>
    %reduce_max3A_351 = vector.multi_reduction <maximumf>, %add3A_349, %reduce_max3A_350 [1] : vector<40x128xf32> to vector<40xf32>
    %broadcast_in_dim3A_352 = vector.shape_cast %reduce_max3A_351 : vector<40xf32> to vector<40x1xf32>
    %eq3A_353 = vector.broadcast %broadcast_in_dim3A_352 : vector<40x1xf32> to vector<40x128xf32>
    %eq3A_354 = arith.cmpf oeq, %add3A_349, %eq3A_353 : vector<40x128xf32>
    %jit3A_355 = arith.constant 128 : i32
    %broadcast_in_dim3A_356 = vector.broadcast %jit3A_355 : i32 to vector<40x128xi32>
    %select_n3A_357 = arith.select %eq3A_354, %iota3A, %broadcast_in_dim3A_356 : vector<40x128xi1>, vector<40x128xi32>
    %reduce_min3A_358 = arith.constant dense<2147483647> : vector<40xi32>
    %reduce_min3A_359 = vector.multi_reduction <minsi>, %select_n3A_357, %reduce_min3A_358 [1] : vector<40x128xi32> to vector<40xi32>
    %broadcast_in_dim3A_360 = vector.shape_cast %reduce_min3A_359 : vector<40xi32> to vector<40x1xi32>
    %convert_element_type3A_361 = arith.sitofp %broadcast_in_dim3A_360 : vector<40x1xi32> to vector<40x1xf32>
    %get3A_362 = arith.constant 0 : index
    %get3A_363 = arith.constant 2944 : index
    %get3A_364 = vector.load %arg1[%get3A_362, %get3A_363] : memref<40x16384xf32, #tpu.memory_space<vmem>>, vector<40x128xf32>
    %add3A_365 = arith.addf %get3A_364, %log3A : vector<40x128xf32>
    %reduce_max3A_366 = arith.constant dense<0xFF800000> : vector<40xf32>
    %reduce_max3A_367 = vector.multi_reduction <maximumf>, %add3A_365, %reduce_max3A_366 [1] : vector<40x128xf32> to vector<40xf32>
    %broadcast_in_dim3A_368 = vector.shape_cast %reduce_max3A_367 : vector<40xf32> to vector<40x1xf32>
    %eq3A_369 = vector.broadcast %broadcast_in_dim3A_368 : vector<40x1xf32> to vector<40x128xf32>
    %eq3A_370 = arith.cmpf oeq, %add3A_365, %eq3A_369 : vector<40x128xf32>
    %jit3A_371 = arith.constant 128 : i32
    %broadcast_in_dim3A_372 = vector.broadcast %jit3A_371 : i32 to vector<40x128xi32>
    %select_n3A_373 = arith.select %eq3A_370, %iota3A, %broadcast_in_dim3A_372 : vector<40x128xi1>, vector<40x128xi32>
    %reduce_min3A_374 = arith.constant dense<2147483647> : vector<40xi32>
    %reduce_min3A_375 = vector.multi_reduction <minsi>, %select_n3A_373, %reduce_min3A_374 [1] : vector<40x128xi32> to vector<40xi32>
    %broadcast_in_dim3A_376 = vector.shape_cast %reduce_min3A_375 : vector<40xi32> to vector<40x1xi32>
    %convert_element_type3A_377 = arith.sitofp %broadcast_in_dim3A_376 : vector<40x1xi32> to vector<40x1xf32>
    %get3A_378 = arith.constant 0 : index
    %get3A_379 = arith.constant 3072 : index
    %get3A_380 = vector.load %arg1[%get3A_378, %get3A_379] : memref<40x16384xf32, #tpu.memory_space<vmem>>, vector<40x128xf32>
    %add3A_381 = arith.addf %get3A_380, %log3A : vector<40x128xf32>
    %reduce_max3A_382 = arith.constant dense<0xFF800000> : vector<40xf32>
    %reduce_max3A_383 = vector.multi_reduction <maximumf>, %add3A_381, %reduce_max3A_382 [1] : vector<40x128xf32> to vector<40xf32>
    %broadcast_in_dim3A_384 = vector.shape_cast %reduce_max3A_383 : vector<40xf32> to vector<40x1xf32>
    %eq3A_385 = vector.broadcast %broadcast_in_dim3A_384 : vector<40x1xf32> to vector<40x128xf32>
    %eq3A_386 = arith.cmpf oeq, %add3A_381, %eq3A_385 : vector<40x128xf32>
    %jit3A_387 = arith.constant 128 : i32
    %broadcast_in_dim3A_388 = vector.broadcast %jit3A_387 : i32 to vector<40x128xi32>
    %select_n3A_389 = arith.select %eq3A_386, %iota3A, %broadcast_in_dim3A_388 : vector<40x128xi1>, vector<40x128xi32>
    %reduce_min3A_390 = arith.constant dense<2147483647> : vector<40xi32>
    %reduce_min3A_391 = vector.multi_reduction <minsi>, %select_n3A_389, %reduce_min3A_390 [1] : vector<40x128xi32> to vector<40xi32>
    %broadcast_in_dim3A_392 = vector.shape_cast %reduce_min3A_391 : vector<40xi32> to vector<40x1xi32>
    %convert_element_type3A_393 = arith.sitofp %broadcast_in_dim3A_392 : vector<40x1xi32> to vector<40x1xf32>
    %get3A_394 = arith.constant 0 : index
    %get3A_395 = arith.constant 3200 : index
    %get3A_396 = vector.load %arg1[%get3A_394, %get3A_395] : memref<40x16384xf32, #tpu.memory_space<vmem>>, vector<40x128xf32>
    %add3A_397 = arith.addf %get3A_396, %log3A : vector<40x128xf32>
    %reduce_max3A_398 = arith.constant dense<0xFF800000> : vector<40xf32>
    %reduce_max3A_399 = vector.multi_reduction <maximumf>, %add3A_397, %reduce_max3A_398 [1] : vector<40x128xf32> to vector<40xf32>
    %broadcast_in_dim3A_400 = vector.shape_cast %reduce_max3A_399 : vector<40xf32> to vector<40x1xf32>
    %eq3A_401 = vector.broadcast %broadcast_in_dim3A_400 : vector<40x1xf32> to vector<40x128xf32>
    %eq3A_402 = arith.cmpf oeq, %add3A_397, %eq3A_401 : vector<40x128xf32>
    %jit3A_403 = arith.constant 128 : i32
    %broadcast_in_dim3A_404 = vector.broadcast %jit3A_403 : i32 to vector<40x128xi32>
    %select_n3A_405 = arith.select %eq3A_402, %iota3A, %broadcast_in_dim3A_404 : vector<40x128xi1>, vector<40x128xi32>
    %reduce_min3A_406 = arith.constant dense<2147483647> : vector<40xi32>
    %reduce_min3A_407 = vector.multi_reduction <minsi>, %select_n3A_405, %reduce_min3A_406 [1] : vector<40x128xi32> to vector<40xi32>
    %broadcast_in_dim3A_408 = vector.shape_cast %reduce_min3A_407 : vector<40xi32> to vector<40x1xi32>
    %convert_element_type3A_409 = arith.sitofp %broadcast_in_dim3A_408 : vector<40x1xi32> to vector<40x1xf32>
    %get3A_410 = arith.constant 0 : index
    %get3A_411 = arith.constant 3328 : index
    %get3A_412 = vector.load %arg1[%get3A_410, %get3A_411] : memref<40x16384xf32, #tpu.memory_space<vmem>>, vector<40x128xf32>
    %add3A_413 = arith.addf %get3A_412, %log3A : vector<40x128xf32>
    %reduce_max3A_414 = arith.constant dense<0xFF800000> : vector<40xf32>
    %reduce_max3A_415 = vector.multi_reduction <maximumf>, %add3A_413, %reduce_max3A_414 [1] : vector<40x128xf32> to vector<40xf32>
    %broadcast_in_dim3A_416 = vector.shape_cast %reduce_max3A_415 : vector<40xf32> to vector<40x1xf32>
    %eq3A_417 = vector.broadcast %broadcast_in_dim3A_416 : vector<40x1xf32> to vector<40x128xf32>
    %eq3A_418 = arith.cmpf oeq, %add3A_413, %eq3A_417 : vector<40x128xf32>
    %jit3A_419 = arith.constant 128 : i32
    %broadcast_in_dim3A_420 = vector.broadcast %jit3A_419 : i32 to vector<40x128xi32>
    %select_n3A_421 = arith.select %eq3A_418, %iota3A, %broadcast_in_dim3A_420 : vector<40x128xi1>, vector<40x128xi32>
    %reduce_min3A_422 = arith.constant dense<2147483647> : vector<40xi32>
    %reduce_min3A_423 = vector.multi_reduction <minsi>, %select_n3A_421, %reduce_min3A_422 [1] : vector<40x128xi32> to vector<40xi32>
    %broadcast_in_dim3A_424 = vector.shape_cast %reduce_min3A_423 : vector<40xi32> to vector<40x1xi32>
    %convert_element_type3A_425 = arith.sitofp %broadcast_in_dim3A_424 : vector<40x1xi32> to vector<40x1xf32>
    %get3A_426 = arith.constant 0 : index
    %get3A_427 = arith.constant 3456 : index
    %get3A_428 = vector.load %arg1[%get3A_426, %get3A_427] : memref<40x16384xf32, #tpu.memory_space<vmem>>, vector<40x128xf32>
    %add3A_429 = arith.addf %get3A_428, %log3A : vector<40x128xf32>
    %reduce_max3A_430 = arith.constant dense<0xFF800000> : vector<40xf32>
    %reduce_max3A_431 = vector.multi_reduction <maximumf>, %add3A_429, %reduce_max3A_430 [1] : vector<40x128xf32> to vector<40xf32>
    %broadcast_in_dim3A_432 = vector.shape_cast %reduce_max3A_431 : vector<40xf32> to vector<40x1xf32>
    %eq3A_433 = vector.broadcast %broadcast_in_dim3A_432 : vector<40x1xf32> to vector<40x128xf32>
    %eq3A_434 = arith.cmpf oeq, %add3A_429, %eq3A_433 : vector<40x128xf32>
    %jit3A_435 = arith.constant 128 : i32
    %broadcast_in_dim3A_436 = vector.broadcast %jit3A_435 : i32 to vector<40x128xi32>
    %select_n3A_437 = arith.select %eq3A_434, %iota3A, %broadcast_in_dim3A_436 : vector<40x128xi1>, vector<40x128xi32>
    %reduce_min3A_438 = arith.constant dense<2147483647> : vector<40xi32>
    %reduce_min3A_439 = vector.multi_reduction <minsi>, %select_n3A_437, %reduce_min3A_438 [1] : vector<40x128xi32> to vector<40xi32>
    %broadcast_in_dim3A_440 = vector.shape_cast %reduce_min3A_439 : vector<40xi32> to vector<40x1xi32>
    %convert_element_type3A_441 = arith.sitofp %broadcast_in_dim3A_440 : vector<40x1xi32> to vector<40x1xf32>
    %get3A_442 = arith.constant 0 : index
    %get3A_443 = arith.constant 3584 : index
    %get3A_444 = vector.load %arg1[%get3A_442, %get3A_443] : memref<40x16384xf32, #tpu.memory_space<vmem>>, vector<40x128xf32>
    %add3A_445 = arith.addf %get3A_444, %log3A : vector<40x128xf32>
    %reduce_max3A_446 = arith.constant dense<0xFF800000> : vector<40xf32>
    %reduce_max3A_447 = vector.multi_reduction <maximumf>, %add3A_445, %reduce_max3A_446 [1] : vector<40x128xf32> to vector<40xf32>
    %broadcast_in_dim3A_448 = vector.shape_cast %reduce_max3A_447 : vector<40xf32> to vector<40x1xf32>
    %eq3A_449 = vector.broadcast %broadcast_in_dim3A_448 : vector<40x1xf32> to vector<40x128xf32>
    %eq3A_450 = arith.cmpf oeq, %add3A_445, %eq3A_449 : vector<40x128xf32>
    %jit3A_451 = arith.constant 128 : i32
    %broadcast_in_dim3A_452 = vector.broadcast %jit3A_451 : i32 to vector<40x128xi32>
    %select_n3A_453 = arith.select %eq3A_450, %iota3A, %broadcast_in_dim3A_452 : vector<40x128xi1>, vector<40x128xi32>
    %reduce_min3A_454 = arith.constant dense<2147483647> : vector<40xi32>
    %reduce_min3A_455 = vector.multi_reduction <minsi>, %select_n3A_453, %reduce_min3A_454 [1] : vector<40x128xi32> to vector<40xi32>
    %broadcast_in_dim3A_456 = vector.shape_cast %reduce_min3A_455 : vector<40xi32> to vector<40x1xi32>
    %convert_element_type3A_457 = arith.sitofp %broadcast_in_dim3A_456 : vector<40x1xi32> to vector<40x1xf32>
    %get3A_458 = arith.constant 0 : index
    %get3A_459 = arith.constant 3712 : index
    %get3A_460 = vector.load %arg1[%get3A_458, %get3A_459] : memref<40x16384xf32, #tpu.memory_space<vmem>>, vector<40x128xf32>
    %add3A_461 = arith.addf %get3A_460, %log3A : vector<40x128xf32>
    %reduce_max3A_462 = arith.constant dense<0xFF800000> : vector<40xf32>
    %reduce_max3A_463 = vector.multi_reduction <maximumf>, %add3A_461, %reduce_max3A_462 [1] : vector<40x128xf32> to vector<40xf32>
    %broadcast_in_dim3A_464 = vector.shape_cast %reduce_max3A_463 : vector<40xf32> to vector<40x1xf32>
    %eq3A_465 = vector.broadcast %broadcast_in_dim3A_464 : vector<40x1xf32> to vector<40x128xf32>
    %eq3A_466 = arith.cmpf oeq, %add3A_461, %eq3A_465 : vector<40x128xf32>
    %jit3A_467 = arith.constant 128 : i32
    %broadcast_in_dim3A_468 = vector.broadcast %jit3A_467 : i32 to vector<40x128xi32>
    %select_n3A_469 = arith.select %eq3A_466, %iota3A, %broadcast_in_dim3A_468 : vector<40x128xi1>, vector<40x128xi32>
    %reduce_min3A_470 = arith.constant dense<2147483647> : vector<40xi32>
    %reduce_min3A_471 = vector.multi_reduction <minsi>, %select_n3A_469, %reduce_min3A_470 [1] : vector<40x128xi32> to vector<40xi32>
    %broadcast_in_dim3A_472 = vector.shape_cast %reduce_min3A_471 : vector<40xi32> to vector<40x1xi32>
    %convert_element_type3A_473 = arith.sitofp %broadcast_in_dim3A_472 : vector<40x1xi32> to vector<40x1xf32>
    %get3A_474 = arith.constant 0 : index
    %get3A_475 = arith.constant 3840 : index
    %get3A_476 = vector.load %arg1[%get3A_474, %get3A_475] : memref<40x16384xf32, #tpu.memory_space<vmem>>, vector<40x128xf32>
    %add3A_477 = arith.addf %get3A_476, %log3A : vector<40x128xf32>
    %reduce_max3A_478 = arith.constant dense<0xFF800000> : vector<40xf32>
    %reduce_max3A_479 = vector.multi_reduction <maximumf>, %add3A_477, %reduce_max3A_478 [1] : vector<40x128xf32> to vector<40xf32>
    %broadcast_in_dim3A_480 = vector.shape_cast %reduce_max3A_479 : vector<40xf32> to vector<40x1xf32>
    %eq3A_481 = vector.broadcast %broadcast_in_dim3A_480 : vector<40x1xf32> to vector<40x128xf32>
    %eq3A_482 = arith.cmpf oeq, %add3A_477, %eq3A_481 : vector<40x128xf32>
    %jit3A_483 = arith.constant 128 : i32
    %broadcast_in_dim3A_484 = vector.broadcast %jit3A_483 : i32 to vector<40x128xi32>
    %select_n3A_485 = arith.select %eq3A_482, %iota3A, %broadcast_in_dim3A_484 : vector<40x128xi1>, vector<40x128xi32>
    %reduce_min3A_486 = arith.constant dense<2147483647> : vector<40xi32>
    %reduce_min3A_487 = vector.multi_reduction <minsi>, %select_n3A_485, %reduce_min3A_486 [1] : vector<40x128xi32> to vector<40xi32>
    %broadcast_in_dim3A_488 = vector.shape_cast %reduce_min3A_487 : vector<40xi32> to vector<40x1xi32>
    %convert_element_type3A_489 = arith.sitofp %broadcast_in_dim3A_488 : vector<40x1xi32> to vector<40x1xf32>
    %get3A_490 = arith.constant 0 : index
    %get3A_491 = arith.constant 3968 : index
    %get3A_492 = vector.load %arg1[%get3A_490, %get3A_491] : memref<40x16384xf32, #tpu.memory_space<vmem>>, vector<40x128xf32>
    %add3A_493 = arith.addf %get3A_492, %log3A : vector<40x128xf32>
    %reduce_max3A_494 = arith.constant dense<0xFF800000> : vector<40xf32>
    %reduce_max3A_495 = vector.multi_reduction <maximumf>, %add3A_493, %reduce_max3A_494 [1] : vector<40x128xf32> to vector<40xf32>
    %broadcast_in_dim3A_496 = vector.shape_cast %reduce_max3A_495 : vector<40xf32> to vector<40x1xf32>
    %eq3A_497 = vector.broadcast %broadcast_in_dim3A_496 : vector<40x1xf32> to vector<40x128xf32>
    %eq3A_498 = arith.cmpf oeq, %add3A_493, %eq3A_497 : vector<40x128xf32>
    %jit3A_499 = arith.constant 128 : i32
    %broadcast_in_dim3A_500 = vector.broadcast %jit3A_499 : i32 to vector<40x128xi32>
    %select_n3A_501 = arith.select %eq3A_498, %iota3A, %broadcast_in_dim3A_500 : vector<40x128xi1>, vector<40x128xi32>
    %reduce_min3A_502 = arith.constant dense<2147483647> : vector<40xi32>
    %reduce_min3A_503 = vector.multi_reduction <minsi>, %select_n3A_501, %reduce_min3A_502 [1] : vector<40x128xi32> to vector<40xi32>
    %broadcast_in_dim3A_504 = vector.shape_cast %reduce_min3A_503 : vector<40xi32> to vector<40x1xi32>
    %convert_element_type3A_505 = arith.sitofp %broadcast_in_dim3A_504 : vector<40x1xi32> to vector<40x1xf32>
    %get3A_506 = arith.constant 0 : index
    %get3A_507 = arith.constant 4096 : index
    %get3A_508 = vector.load %arg1[%get3A_506, %get3A_507] : memref<40x16384xf32, #tpu.memory_space<vmem>>, vector<40x128xf32>
    %add3A_509 = arith.addf %get3A_508, %log3A : vector<40x128xf32>
    %reduce_max3A_510 = arith.constant dense<0xFF800000> : vector<40xf32>
    %reduce_max3A_511 = vector.multi_reduction <maximumf>, %add3A_509, %reduce_max3A_510 [1] : vector<40x128xf32> to vector<40xf32>
    %broadcast_in_dim3A_512 = vector.shape_cast %reduce_max3A_511 : vector<40xf32> to vector<40x1xf32>
    %eq3A_513 = vector.broadcast %broadcast_in_dim3A_512 : vector<40x1xf32> to vector<40x128xf32>
    %eq3A_514 = arith.cmpf oeq, %add3A_509, %eq3A_513 : vector<40x128xf32>
    %jit3A_515 = arith.constant 128 : i32
    %broadcast_in_dim3A_516 = vector.broadcast %jit3A_515 : i32 to vector<40x128xi32>
    %select_n3A_517 = arith.select %eq3A_514, %iota3A, %broadcast_in_dim3A_516 : vector<40x128xi1>, vector<40x128xi32>
    %reduce_min3A_518 = arith.constant dense<2147483647> : vector<40xi32>
    %reduce_min3A_519 = vector.multi_reduction <minsi>, %select_n3A_517, %reduce_min3A_518 [1] : vector<40x128xi32> to vector<40xi32>
    %broadcast_in_dim3A_520 = vector.shape_cast %reduce_min3A_519 : vector<40xi32> to vector<40x1xi32>
    %convert_element_type3A_521 = arith.sitofp %broadcast_in_dim3A_520 : vector<40x1xi32> to vector<40x1xf32>
    %get3A_522 = arith.constant 0 : index
    %get3A_523 = arith.constant 4224 : index
    %get3A_524 = vector.load %arg1[%get3A_522, %get3A_523] : memref<40x16384xf32, #tpu.memory_space<vmem>>, vector<40x128xf32>
    %add3A_525 = arith.addf %get3A_524, %log3A : vector<40x128xf32>
    %reduce_max3A_526 = arith.constant dense<0xFF800000> : vector<40xf32>
    %reduce_max3A_527 = vector.multi_reduction <maximumf>, %add3A_525, %reduce_max3A_526 [1] : vector<40x128xf32> to vector<40xf32>
    %broadcast_in_dim3A_528 = vector.shape_cast %reduce_max3A_527 : vector<40xf32> to vector<40x1xf32>
    %eq3A_529 = vector.broadcast %broadcast_in_dim3A_528 : vector<40x1xf32> to vector<40x128xf32>
    %eq3A_530 = arith.cmpf oeq, %add3A_525, %eq3A_529 : vector<40x128xf32>
    %jit3A_531 = arith.constant 128 : i32
    %broadcast_in_dim3A_532 = vector.broadcast %jit3A_531 : i32 to vector<40x128xi32>
    %select_n3A_533 = arith.select %eq3A_530, %iota3A, %broadcast_in_dim3A_532 : vector<40x128xi1>, vector<40x128xi32>
    %reduce_min3A_534 = arith.constant dense<2147483647> : vector<40xi32>
    %reduce_min3A_535 = vector.multi_reduction <minsi>, %select_n3A_533, %reduce_min3A_534 [1] : vector<40x128xi32> to vector<40xi32>
    %broadcast_in_dim3A_536 = vector.shape_cast %reduce_min3A_535 : vector<40xi32> to vector<40x1xi32>
    %convert_element_type3A_537 = arith.sitofp %broadcast_in_dim3A_536 : vector<40x1xi32> to vector<40x1xf32>
    %get3A_538 = arith.constant 0 : index
    %get3A_539 = arith.constant 4352 : index
    %get3A_540 = vector.load %arg1[%get3A_538, %get3A_539] : memref<40x16384xf32, #tpu.memory_space<vmem>>, vector<40x128xf32>
    %add3A_541 = arith.addf %get3A_540, %log3A : vector<40x128xf32>
    %reduce_max3A_542 = arith.constant dense<0xFF800000> : vector<40xf32>
    %reduce_max3A_543 = vector.multi_reduction <maximumf>, %add3A_541, %reduce_max3A_542 [1] : vector<40x128xf32> to vector<40xf32>
    %broadcast_in_dim3A_544 = vector.shape_cast %reduce_max3A_543 : vector<40xf32> to vector<40x1xf32>
    %eq3A_545 = vector.broadcast %broadcast_in_dim3A_544 : vector<40x1xf32> to vector<40x128xf32>
    %eq3A_546 = arith.cmpf oeq, %add3A_541, %eq3A_545 : vector<40x128xf32>
    %jit3A_547 = arith.constant 128 : i32
    %broadcast_in_dim3A_548 = vector.broadcast %jit3A_547 : i32 to vector<40x128xi32>
    %select_n3A_549 = arith.select %eq3A_546, %iota3A, %broadcast_in_dim3A_548 : vector<40x128xi1>, vector<40x128xi32>
    %reduce_min3A_550 = arith.constant dense<2147483647> : vector<40xi32>
    %reduce_min3A_551 = vector.multi_reduction <minsi>, %select_n3A_549, %reduce_min3A_550 [1] : vector<40x128xi32> to vector<40xi32>
    %broadcast_in_dim3A_552 = vector.shape_cast %reduce_min3A_551 : vector<40xi32> to vector<40x1xi32>
    %convert_element_type3A_553 = arith.sitofp %broadcast_in_dim3A_552 : vector<40x1xi32> to vector<40x1xf32>
    %get3A_554 = arith.constant 0 : index
    %get3A_555 = arith.constant 4480 : index
    %get3A_556 = vector.load %arg1[%get3A_554, %get3A_555] : memref<40x16384xf32, #tpu.memory_space<vmem>>, vector<40x128xf32>
    %add3A_557 = arith.addf %get3A_556, %log3A : vector<40x128xf32>
    %reduce_max3A_558 = arith.constant dense<0xFF800000> : vector<40xf32>
    %reduce_max3A_559 = vector.multi_reduction <maximumf>, %add3A_557, %reduce_max3A_558 [1] : vector<40x128xf32> to vector<40xf32>
    %broadcast_in_dim3A_560 = vector.shape_cast %reduce_max3A_559 : vector<40xf32> to vector<40x1xf32>
    %eq3A_561 = vector.broadcast %broadcast_in_dim3A_560 : vector<40x1xf32> to vector<40x128xf32>
    %eq3A_562 = arith.cmpf oeq, %add3A_557, %eq3A_561 : vector<40x128xf32>
    %jit3A_563 = arith.constant 128 : i32
    %broadcast_in_dim3A_564 = vector.broadcast %jit3A_563 : i32 to vector<40x128xi32>
    %select_n3A_565 = arith.select %eq3A_562, %iota3A, %broadcast_in_dim3A_564 : vector<40x128xi1>, vector<40x128xi32>
    %reduce_min3A_566 = arith.constant dense<2147483647> : vector<40xi32>
    %reduce_min3A_567 = vector.multi_reduction <minsi>, %select_n3A_565, %reduce_min3A_566 [1] : vector<40x128xi32> to vector<40xi32>
    %broadcast_in_dim3A_568 = vector.shape_cast %reduce_min3A_567 : vector<40xi32> to vector<40x1xi32>
    %convert_element_type3A_569 = arith.sitofp %broadcast_in_dim3A_568 : vector<40x1xi32> to vector<40x1xf32>
    %get3A_570 = arith.constant 0 : index
    %get3A_571 = arith.constant 4608 : index
    %get3A_572 = vector.load %arg1[%get3A_570, %get3A_571] : memref<40x16384xf32, #tpu.memory_space<vmem>>, vector<40x128xf32>
    %add3A_573 = arith.addf %get3A_572, %log3A : vector<40x128xf32>
    %reduce_max3A_574 = arith.constant dense<0xFF800000> : vector<40xf32>
    %reduce_max3A_575 = vector.multi_reduction <maximumf>, %add3A_573, %reduce_max3A_574 [1] : vector<40x128xf32> to vector<40xf32>
    %broadcast_in_dim3A_576 = vector.shape_cast %reduce_max3A_575 : vector<40xf32> to vector<40x1xf32>
    %eq3A_577 = vector.broadcast %broadcast_in_dim3A_576 : vector<40x1xf32> to vector<40x128xf32>
    %eq3A_578 = arith.cmpf oeq, %add3A_573, %eq3A_577 : vector<40x128xf32>
    %jit3A_579 = arith.constant 128 : i32
    %broadcast_in_dim3A_580 = vector.broadcast %jit3A_579 : i32 to vector<40x128xi32>
    %select_n3A_581 = arith.select %eq3A_578, %iota3A, %broadcast_in_dim3A_580 : vector<40x128xi1>, vector<40x128xi32>
    %reduce_min3A_582 = arith.constant dense<2147483647> : vector<40xi32>
    %reduce_min3A_583 = vector.multi_reduction <minsi>, %select_n3A_581, %reduce_min3A_582 [1] : vector<40x128xi32> to vector<40xi32>
    %broadcast_in_dim3A_584 = vector.shape_cast %reduce_min3A_583 : vector<40xi32> to vector<40x1xi32>
    %convert_element_type3A_585 = arith.sitofp %broadcast_in_dim3A_584 : vector<40x1xi32> to vector<40x1xf32>
    %get3A_586 = arith.constant 0 : index
    %get3A_587 = arith.constant 4736 : index
    %get3A_588 = vector.load %arg1[%get3A_586, %get3A_587] : memref<40x16384xf32, #tpu.memory_space<vmem>>, vector<40x128xf32>
    %add3A_589 = arith.addf %get3A_588, %log3A : vector<40x128xf32>
    %reduce_max3A_590 = arith.constant dense<0xFF800000> : vector<40xf32>
    %reduce_max3A_591 = vector.multi_reduction <maximumf>, %add3A_589, %reduce_max3A_590 [1] : vector<40x128xf32> to vector<40xf32>
    %broadcast_in_dim3A_592 = vector.shape_cast %reduce_max3A_591 : vector<40xf32> to vector<40x1xf32>
    %eq3A_593 = vector.broadcast %broadcast_in_dim3A_592 : vector<40x1xf32> to vector<40x128xf32>
    %eq3A_594 = arith.cmpf oeq, %add3A_589, %eq3A_593 : vector<40x128xf32>
    %jit3A_595 = arith.constant 128 : i32
    %broadcast_in_dim3A_596 = vector.broadcast %jit3A_595 : i32 to vector<40x128xi32>
    %select_n3A_597 = arith.select %eq3A_594, %iota3A, %broadcast_in_dim3A_596 : vector<40x128xi1>, vector<40x128xi32>
    %reduce_min3A_598 = arith.constant dense<2147483647> : vector<40xi32>
    %reduce_min3A_599 = vector.multi_reduction <minsi>, %select_n3A_597, %reduce_min3A_598 [1] : vector<40x128xi32> to vector<40xi32>
    %broadcast_in_dim3A_600 = vector.shape_cast %reduce_min3A_599 : vector<40xi32> to vector<40x1xi32>
    %convert_element_type3A_601 = arith.sitofp %broadcast_in_dim3A_600 : vector<40x1xi32> to vector<40x1xf32>
    %get3A_602 = arith.constant 0 : index
    %get3A_603 = arith.constant 4864 : index
    %get3A_604 = vector.load %arg1[%get3A_602, %get3A_603] : memref<40x16384xf32, #tpu.memory_space<vmem>>, vector<40x128xf32>
    %add3A_605 = arith.addf %get3A_604, %log3A : vector<40x128xf32>
    %reduce_max3A_606 = arith.constant dense<0xFF800000> : vector<40xf32>
    %reduce_max3A_607 = vector.multi_reduction <maximumf>, %add3A_605, %reduce_max3A_606 [1] : vector<40x128xf32> to vector<40xf32>
    %broadcast_in_dim3A_608 = vector.shape_cast %reduce_max3A_607 : vector<40xf32> to vector<40x1xf32>
    %eq3A_609 = vector.broadcast %broadcast_in_dim3A_608 : vector<40x1xf32> to vector<40x128xf32>
    %eq3A_610 = arith.cmpf oeq, %add3A_605, %eq3A_609 : vector<40x128xf32>
    %jit3A_611 = arith.constant 128 : i32
    %broadcast_in_dim3A_612 = vector.broadcast %jit3A_611 : i32 to vector<40x128xi32>
    %select_n3A_613 = arith.select %eq3A_610, %iota3A, %broadcast_in_dim3A_612 : vector<40x128xi1>, vector<40x128xi32>
    %reduce_min3A_614 = arith.constant dense<2147483647> : vector<40xi32>
    %reduce_min3A_615 = vector.multi_reduction <minsi>, %select_n3A_613, %reduce_min3A_614 [1] : vector<40x128xi32> to vector<40xi32>
    %broadcast_in_dim3A_616 = vector.shape_cast %reduce_min3A_615 : vector<40xi32> to vector<40x1xi32>
    %convert_element_type3A_617 = arith.sitofp %broadcast_in_dim3A_616 : vector<40x1xi32> to vector<40x1xf32>
    %get3A_618 = arith.constant 0 : index
    %get3A_619 = arith.constant 4992 : index
    %get3A_620 = vector.load %arg1[%get3A_618, %get3A_619] : memref<40x16384xf32, #tpu.memory_space<vmem>>, vector<40x128xf32>
    %add3A_621 = arith.addf %get3A_620, %log3A : vector<40x128xf32>
    %reduce_max3A_622 = arith.constant dense<0xFF800000> : vector<40xf32>
    %reduce_max3A_623 = vector.multi_reduction <maximumf>, %add3A_621, %reduce_max3A_622 [1] : vector<40x128xf32> to vector<40xf32>
    %broadcast_in_dim3A_624 = vector.shape_cast %reduce_max3A_623 : vector<40xf32> to vector<40x1xf32>
    %eq3A_625 = vector.broadcast %broadcast_in_dim3A_624 : vector<40x1xf32> to vector<40x128xf32>
    %eq3A_626 = arith.cmpf oeq, %add3A_621, %eq3A_625 : vector<40x128xf32>
    %jit3A_627 = arith.constant 128 : i32
    %broadcast_in_dim3A_628 = vector.broadcast %jit3A_627 : i32 to vector<40x128xi32>
    %select_n3A_629 = arith.select %eq3A_626, %iota3A, %broadcast_in_dim3A_628 : vector<40x128xi1>, vector<40x128xi32>
    %reduce_min3A_630 = arith.constant dense<2147483647> : vector<40xi32>
    %reduce_min3A_631 = vector.multi_reduction <minsi>, %select_n3A_629, %reduce_min3A_630 [1] : vector<40x128xi32> to vector<40xi32>
    %broadcast_in_dim3A_632 = vector.shape_cast %reduce_min3A_631 : vector<40xi32> to vector<40x1xi32>
    %convert_element_type3A_633 = arith.sitofp %broadcast_in_dim3A_632 : vector<40x1xi32> to vector<40x1xf32>
    %get3A_634 = arith.constant 0 : index
    %get3A_635 = arith.constant 5120 : index
    %get3A_636 = vector.load %arg1[%get3A_634, %get3A_635] : memref<40x16384xf32, #tpu.memory_space<vmem>>, vector<40x128xf32>
    %add3A_637 = arith.addf %get3A_636, %log3A : vector<40x128xf32>
    %reduce_max3A_638 = arith.constant dense<0xFF800000> : vector<40xf32>
    %reduce_max3A_639 = vector.multi_reduction <maximumf>, %add3A_637, %reduce_max3A_638 [1] : vector<40x128xf32> to vector<40xf32>
    %broadcast_in_dim3A_640 = vector.shape_cast %reduce_max3A_639 : vector<40xf32> to vector<40x1xf32>
    %eq3A_641 = vector.broadcast %broadcast_in_dim3A_640 : vector<40x1xf32> to vector<40x128xf32>
    %eq3A_642 = arith.cmpf oeq, %add3A_637, %eq3A_641 : vector<40x128xf32>
    %jit3A_643 = arith.constant 128 : i32
    %broadcast_in_dim3A_644 = vector.broadcast %jit3A_643 : i32 to vector<40x128xi32>
    %select_n3A_645 = arith.select %eq3A_642, %iota3A, %broadcast_in_dim3A_644 : vector<40x128xi1>, vector<40x128xi32>
    %reduce_min3A_646 = arith.constant dense<2147483647> : vector<40xi32>
    %reduce_min3A_647 = vector.multi_reduction <minsi>, %select_n3A_645, %reduce_min3A_646 [1] : vector<40x128xi32> to vector<40xi32>
    %broadcast_in_dim3A_648 = vector.shape_cast %reduce_min3A_647 : vector<40xi32> to vector<40x1xi32>
    %convert_element_type3A_649 = arith.sitofp %broadcast_in_dim3A_648 : vector<40x1xi32> to vector<40x1xf32>
    %get3A_650 = arith.constant 0 : index
    %get3A_651 = arith.constant 5248 : index
    %get3A_652 = vector.load %arg1[%get3A_650, %get3A_651] : memref<40x16384xf32, #tpu.memory_space<vmem>>, vector<40x128xf32>
    %add3A_653 = arith.addf %get3A_652, %log3A : vector<40x128xf32>
    %reduce_max3A_654 = arith.constant dense<0xFF800000> : vector<40xf32>
    %reduce_max3A_655 = vector.multi_reduction <maximumf>, %add3A_653, %reduce_max3A_654 [1] : vector<40x128xf32> to vector<40xf32>
    %broadcast_in_dim3A_656 = vector.shape_cast %reduce_max3A_655 : vector<40xf32> to vector<40x1xf32>
    %eq3A_657 = vector.broadcast %broadcast_in_dim3A_656 : vector<40x1xf32> to vector<40x128xf32>
    %eq3A_658 = arith.cmpf oeq, %add3A_653, %eq3A_657 : vector<40x128xf32>
    %jit3A_659 = arith.constant 128 : i32
    %broadcast_in_dim3A_660 = vector.broadcast %jit3A_659 : i32 to vector<40x128xi32>
    %select_n3A_661 = arith.select %eq3A_658, %iota3A, %broadcast_in_dim3A_660 : vector<40x128xi1>, vector<40x128xi32>
    %reduce_min3A_662 = arith.constant dense<2147483647> : vector<40xi32>
    %reduce_min3A_663 = vector.multi_reduction <minsi>, %select_n3A_661, %reduce_min3A_662 [1] : vector<40x128xi32> to vector<40xi32>
    %broadcast_in_dim3A_664 = vector.shape_cast %reduce_min3A_663 : vector<40xi32> to vector<40x1xi32>
    %convert_element_type3A_665 = arith.sitofp %broadcast_in_dim3A_664 : vector<40x1xi32> to vector<40x1xf32>
    %get3A_666 = arith.constant 0 : index
    %get3A_667 = arith.constant 5376 : index
    %get3A_668 = vector.load %arg1[%get3A_666, %get3A_667] : memref<40x16384xf32, #tpu.memory_space<vmem>>, vector<40x128xf32>
    %add3A_669 = arith.addf %get3A_668, %log3A : vector<40x128xf32>
    %reduce_max3A_670 = arith.constant dense<0xFF800000> : vector<40xf32>
    %reduce_max3A_671 = vector.multi_reduction <maximumf>, %add3A_669, %reduce_max3A_670 [1] : vector<40x128xf32> to vector<40xf32>
    %broadcast_in_dim3A_672 = vector.shape_cast %reduce_max3A_671 : vector<40xf32> to vector<40x1xf32>
    %eq3A_673 = vector.broadcast %broadcast_in_dim3A_672 : vector<40x1xf32> to vector<40x128xf32>
    %eq3A_674 = arith.cmpf oeq, %add3A_669, %eq3A_673 : vector<40x128xf32>
    %jit3A_675 = arith.constant 128 : i32
    %broadcast_in_dim3A_676 = vector.broadcast %jit3A_675 : i32 to vector<40x128xi32>
    %select_n3A_677 = arith.select %eq3A_674, %iota3A, %broadcast_in_dim3A_676 : vector<40x128xi1>, vector<40x128xi32>
    %reduce_min3A_678 = arith.constant dense<2147483647> : vector<40xi32>
    %reduce_min3A_679 = vector.multi_reduction <minsi>, %select_n3A_677, %reduce_min3A_678 [1] : vector<40x128xi32> to vector<40xi32>
    %broadcast_in_dim3A_680 = vector.shape_cast %reduce_min3A_679 : vector<40xi32> to vector<40x1xi32>
    %convert_element_type3A_681 = arith.sitofp %broadcast_in_dim3A_680 : vector<40x1xi32> to vector<40x1xf32>
    %get3A_682 = arith.constant 0 : index
    %get3A_683 = arith.constant 5504 : index
    %get3A_684 = vector.load %arg1[%get3A_682, %get3A_683] : memref<40x16384xf32, #tpu.memory_space<vmem>>, vector<40x128xf32>
    %add3A_685 = arith.addf %get3A_684, %log3A : vector<40x128xf32>
    %reduce_max3A_686 = arith.constant dense<0xFF800000> : vector<40xf32>
    %reduce_max3A_687 = vector.multi_reduction <maximumf>, %add3A_685, %reduce_max3A_686 [1] : vector<40x128xf32> to vector<40xf32>
    %broadcast_in_dim3A_688 = vector.shape_cast %reduce_max3A_687 : vector<40xf32> to vector<40x1xf32>
    %eq3A_689 = vector.broadcast %broadcast_in_dim3A_688 : vector<40x1xf32> to vector<40x128xf32>
    %eq3A_690 = arith.cmpf oeq, %add3A_685, %eq3A_689 : vector<40x128xf32>
    %jit3A_691 = arith.constant 128 : i32
    %broadcast_in_dim3A_692 = vector.broadcast %jit3A_691 : i32 to vector<40x128xi32>
    %select_n3A_693 = arith.select %eq3A_690, %iota3A, %broadcast_in_dim3A_692 : vector<40x128xi1>, vector<40x128xi32>
    %reduce_min3A_694 = arith.constant dense<2147483647> : vector<40xi32>
    %reduce_min3A_695 = vector.multi_reduction <minsi>, %select_n3A_693, %reduce_min3A_694 [1] : vector<40x128xi32> to vector<40xi32>
    %broadcast_in_dim3A_696 = vector.shape_cast %reduce_min3A_695 : vector<40xi32> to vector<40x1xi32>
    %convert_element_type3A_697 = arith.sitofp %broadcast_in_dim3A_696 : vector<40x1xi32> to vector<40x1xf32>
    %get3A_698 = arith.constant 0 : index
    %get3A_699 = arith.constant 5632 : index
    %get3A_700 = vector.load %arg1[%get3A_698, %get3A_699] : memref<40x16384xf32, #tpu.memory_space<vmem>>, vector<40x128xf32>
    %add3A_701 = arith.addf %get3A_700, %log3A : vector<40x128xf32>
    %reduce_max3A_702 = arith.constant dense<0xFF800000> : vector<40xf32>
    %reduce_max3A_703 = vector.multi_reduction <maximumf>, %add3A_701, %reduce_max3A_702 [1] : vector<40x128xf32> to vector<40xf32>
    %broadcast_in_dim3A_704 = vector.shape_cast %reduce_max3A_703 : vector<40xf32> to vector<40x1xf32>
    %eq3A_705 = vector.broadcast %broadcast_in_dim3A_704 : vector<40x1xf32> to vector<40x128xf32>
    %eq3A_706 = arith.cmpf oeq, %add3A_701, %eq3A_705 : vector<40x128xf32>
    %jit3A_707 = arith.constant 128 : i32
    %broadcast_in_dim3A_708 = vector.broadcast %jit3A_707 : i32 to vector<40x128xi32>
    %select_n3A_709 = arith.select %eq3A_706, %iota3A, %broadcast_in_dim3A_708 : vector<40x128xi1>, vector<40x128xi32>
    %reduce_min3A_710 = arith.constant dense<2147483647> : vector<40xi32>
    %reduce_min3A_711 = vector.multi_reduction <minsi>, %select_n3A_709, %reduce_min3A_710 [1] : vector<40x128xi32> to vector<40xi32>
    %broadcast_in_dim3A_712 = vector.shape_cast %reduce_min3A_711 : vector<40xi32> to vector<40x1xi32>
    %convert_element_type3A_713 = arith.sitofp %broadcast_in_dim3A_712 : vector<40x1xi32> to vector<40x1xf32>
    %get3A_714 = arith.constant 0 : index
    %get3A_715 = arith.constant 5760 : index
    %get3A_716 = vector.load %arg1[%get3A_714, %get3A_715] : memref<40x16384xf32, #tpu.memory_space<vmem>>, vector<40x128xf32>
    %add3A_717 = arith.addf %get3A_716, %log3A : vector<40x128xf32>
    %reduce_max3A_718 = arith.constant dense<0xFF800000> : vector<40xf32>
    %reduce_max3A_719 = vector.multi_reduction <maximumf>, %add3A_717, %reduce_max3A_718 [1] : vector<40x128xf32> to vector<40xf32>
    %broadcast_in_dim3A_720 = vector.shape_cast %reduce_max3A_719 : vector<40xf32> to vector<40x1xf32>
    %eq3A_721 = vector.broadcast %broadcast_in_dim3A_720 : vector<40x1xf32> to vector<40x128xf32>
    %eq3A_722 = arith.cmpf oeq, %add3A_717, %eq3A_721 : vector<40x128xf32>
    %jit3A_723 = arith.constant 128 : i32
    %broadcast_in_dim3A_724 = vector.broadcast %jit3A_723 : i32 to vector<40x128xi32>
    %select_n3A_725 = arith.select %eq3A_722, %iota3A, %broadcast_in_dim3A_724 : vector<40x128xi1>, vector<40x128xi32>
    %reduce_min3A_726 = arith.constant dense<2147483647> : vector<40xi32>
    %reduce_min3A_727 = vector.multi_reduction <minsi>, %select_n3A_725, %reduce_min3A_726 [1] : vector<40x128xi32> to vector<40xi32>
    %broadcast_in_dim3A_728 = vector.shape_cast %reduce_min3A_727 : vector<40xi32> to vector<40x1xi32>
    %convert_element_type3A_729 = arith.sitofp %broadcast_in_dim3A_728 : vector<40x1xi32> to vector<40x1xf32>
    %get3A_730 = arith.constant 0 : index
    %get3A_731 = arith.constant 5888 : index
    %get3A_732 = vector.load %arg1[%get3A_730, %get3A_731] : memref<40x16384xf32, #tpu.memory_space<vmem>>, vector<40x128xf32>
    %add3A_733 = arith.addf %get3A_732, %log3A : vector<40x128xf32>
    %reduce_max3A_734 = arith.constant dense<0xFF800000> : vector<40xf32>
    %reduce_max3A_735 = vector.multi_reduction <maximumf>, %add3A_733, %reduce_max3A_734 [1] : vector<40x128xf32> to vector<40xf32>
    %broadcast_in_dim3A_736 = vector.shape_cast %reduce_max3A_735 : vector<40xf32> to vector<40x1xf32>
    %eq3A_737 = vector.broadcast %broadcast_in_dim3A_736 : vector<40x1xf32> to vector<40x128xf32>
    %eq3A_738 = arith.cmpf oeq, %add3A_733, %eq3A_737 : vector<40x128xf32>
    %jit3A_739 = arith.constant 128 : i32
    %broadcast_in_dim3A_740 = vector.broadcast %jit3A_739 : i32 to vector<40x128xi32>
    %select_n3A_741 = arith.select %eq3A_738, %iota3A, %broadcast_in_dim3A_740 : vector<40x128xi1>, vector<40x128xi32>
    %reduce_min3A_742 = arith.constant dense<2147483647> : vector<40xi32>
    %reduce_min3A_743 = vector.multi_reduction <minsi>, %select_n3A_741, %reduce_min3A_742 [1] : vector<40x128xi32> to vector<40xi32>
    %broadcast_in_dim3A_744 = vector.shape_cast %reduce_min3A_743 : vector<40xi32> to vector<40x1xi32>
    %convert_element_type3A_745 = arith.sitofp %broadcast_in_dim3A_744 : vector<40x1xi32> to vector<40x1xf32>
    %get3A_746 = arith.constant 0 : index
    %get3A_747 = arith.constant 6016 : index
    %get3A_748 = vector.load %arg1[%get3A_746, %get3A_747] : memref<40x16384xf32, #tpu.memory_space<vmem>>, vector<40x128xf32>
    %add3A_749 = arith.addf %get3A_748, %log3A : vector<40x128xf32>
    %reduce_max3A_750 = arith.constant dense<0xFF800000> : vector<40xf32>
    %reduce_max3A_751 = vector.multi_reduction <maximumf>, %add3A_749, %reduce_max3A_750 [1] : vector<40x128xf32> to vector<40xf32>
    %broadcast_in_dim3A_752 = vector.shape_cast %reduce_max3A_751 : vector<40xf32> to vector<40x1xf32>
    %eq3A_753 = vector.broadcast %broadcast_in_dim3A_752 : vector<40x1xf32> to vector<40x128xf32>
    %eq3A_754 = arith.cmpf oeq, %add3A_749, %eq3A_753 : vector<40x128xf32>
    %jit3A_755 = arith.constant 128 : i32
    %broadcast_in_dim3A_756 = vector.broadcast %jit3A_755 : i32 to vector<40x128xi32>
    %select_n3A_757 = arith.select %eq3A_754, %iota3A, %broadcast_in_dim3A_756 : vector<40x128xi1>, vector<40x128xi32>
    %reduce_min3A_758 = arith.constant dense<2147483647> : vector<40xi32>
    %reduce_min3A_759 = vector.multi_reduction <minsi>, %select_n3A_757, %reduce_min3A_758 [1] : vector<40x128xi32> to vector<40xi32>
    %broadcast_in_dim3A_760 = vector.shape_cast %reduce_min3A_759 : vector<40xi32> to vector<40x1xi32>
    %convert_element_type3A_761 = arith.sitofp %broadcast_in_dim3A_760 : vector<40x1xi32> to vector<40x1xf32>
    %get3A_762 = arith.constant 0 : index
    %get3A_763 = arith.constant 6144 : index
    %get3A_764 = vector.load %arg1[%get3A_762, %get3A_763] : memref<40x16384xf32, #tpu.memory_space<vmem>>, vector<40x128xf32>
    %add3A_765 = arith.addf %get3A_764, %log3A : vector<40x128xf32>
    %reduce_max3A_766 = arith.constant dense<0xFF800000> : vector<40xf32>
    %reduce_max3A_767 = vector.multi_reduction <maximumf>, %add3A_765, %reduce_max3A_766 [1] : vector<40x128xf32> to vector<40xf32>
    %broadcast_in_dim3A_768 = vector.shape_cast %reduce_max3A_767 : vector<40xf32> to vector<40x1xf32>
    %eq3A_769 = vector.broadcast %broadcast_in_dim3A_768 : vector<40x1xf32> to vector<40x128xf32>
    %eq3A_770 = arith.cmpf oeq, %add3A_765, %eq3A_769 : vector<40x128xf32>
    %jit3A_771 = arith.constant 128 : i32
    %broadcast_in_dim3A_772 = vector.broadcast %jit3A_771 : i32 to vector<40x128xi32>
    %select_n3A_773 = arith.select %eq3A_770, %iota3A, %broadcast_in_dim3A_772 : vector<40x128xi1>, vector<40x128xi32>
    %reduce_min3A_774 = arith.constant dense<2147483647> : vector<40xi32>
    %reduce_min3A_775 = vector.multi_reduction <minsi>, %select_n3A_773, %reduce_min3A_774 [1] : vector<40x128xi32> to vector<40xi32>
    %broadcast_in_dim3A_776 = vector.shape_cast %reduce_min3A_775 : vector<40xi32> to vector<40x1xi32>
    %convert_element_type3A_777 = arith.sitofp %broadcast_in_dim3A_776 : vector<40x1xi32> to vector<40x1xf32>
    %get3A_778 = arith.constant 0 : index
    %get3A_779 = arith.constant 6272 : index
    %get3A_780 = vector.load %arg1[%get3A_778, %get3A_779] : memref<40x16384xf32, #tpu.memory_space<vmem>>, vector<40x128xf32>
    %add3A_781 = arith.addf %get3A_780, %log3A : vector<40x128xf32>
    %reduce_max3A_782 = arith.constant dense<0xFF800000> : vector<40xf32>
    %reduce_max3A_783 = vector.multi_reduction <maximumf>, %add3A_781, %reduce_max3A_782 [1] : vector<40x128xf32> to vector<40xf32>
    %broadcast_in_dim3A_784 = vector.shape_cast %reduce_max3A_783 : vector<40xf32> to vector<40x1xf32>
    %eq3A_785 = vector.broadcast %broadcast_in_dim3A_784 : vector<40x1xf32> to vector<40x128xf32>
    %eq3A_786 = arith.cmpf oeq, %add3A_781, %eq3A_785 : vector<40x128xf32>
    %jit3A_787 = arith.constant 128 : i32
    %broadcast_in_dim3A_788 = vector.broadcast %jit3A_787 : i32 to vector<40x128xi32>
    %select_n3A_789 = arith.select %eq3A_786, %iota3A, %broadcast_in_dim3A_788 : vector<40x128xi1>, vector<40x128xi32>
    %reduce_min3A_790 = arith.constant dense<2147483647> : vector<40xi32>
    %reduce_min3A_791 = vector.multi_reduction <minsi>, %select_n3A_789, %reduce_min3A_790 [1] : vector<40x128xi32> to vector<40xi32>
    %broadcast_in_dim3A_792 = vector.shape_cast %reduce_min3A_791 : vector<40xi32> to vector<40x1xi32>
    %convert_element_type3A_793 = arith.sitofp %broadcast_in_dim3A_792 : vector<40x1xi32> to vector<40x1xf32>
    %get3A_794 = arith.constant 0 : index
    %get3A_795 = arith.constant 6400 : index
    %get3A_796 = vector.load %arg1[%get3A_794, %get3A_795] : memref<40x16384xf32, #tpu.memory_space<vmem>>, vector<40x128xf32>
    %add3A_797 = arith.addf %get3A_796, %log3A : vector<40x128xf32>
    %reduce_max3A_798 = arith.constant dense<0xFF800000> : vector<40xf32>
    %reduce_max3A_799 = vector.multi_reduction <maximumf>, %add3A_797, %reduce_max3A_798 [1] : vector<40x128xf32> to vector<40xf32>
    %broadcast_in_dim3A_800 = vector.shape_cast %reduce_max3A_799 : vector<40xf32> to vector<40x1xf32>
    %eq3A_801 = vector.broadcast %broadcast_in_dim3A_800 : vector<40x1xf32> to vector<40x128xf32>
    %eq3A_802 = arith.cmpf oeq, %add3A_797, %eq3A_801 : vector<40x128xf32>
    %jit3A_803 = arith.constant 128 : i32
    %broadcast_in_dim3A_804 = vector.broadcast %jit3A_803 : i32 to vector<40x128xi32>
    %select_n3A_805 = arith.select %eq3A_802, %iota3A, %broadcast_in_dim3A_804 : vector<40x128xi1>, vector<40x128xi32>
    %reduce_min3A_806 = arith.constant dense<2147483647> : vector<40xi32>
    %reduce_min3A_807 = vector.multi_reduction <minsi>, %select_n3A_805, %reduce_min3A_806 [1] : vector<40x128xi32> to vector<40xi32>
    %broadcast_in_dim3A_808 = vector.shape_cast %reduce_min3A_807 : vector<40xi32> to vector<40x1xi32>
    %convert_element_type3A_809 = arith.sitofp %broadcast_in_dim3A_808 : vector<40x1xi32> to vector<40x1xf32>
    %get3A_810 = arith.constant 0 : index
    %get3A_811 = arith.constant 6528 : index
    %get3A_812 = vector.load %arg1[%get3A_810, %get3A_811] : memref<40x16384xf32, #tpu.memory_space<vmem>>, vector<40x128xf32>
    %add3A_813 = arith.addf %get3A_812, %log3A : vector<40x128xf32>
    %reduce_max3A_814 = arith.constant dense<0xFF800000> : vector<40xf32>
    %reduce_max3A_815 = vector.multi_reduction <maximumf>, %add3A_813, %reduce_max3A_814 [1] : vector<40x128xf32> to vector<40xf32>
    %broadcast_in_dim3A_816 = vector.shape_cast %reduce_max3A_815 : vector<40xf32> to vector<40x1xf32>
    %eq3A_817 = vector.broadcast %broadcast_in_dim3A_816 : vector<40x1xf32> to vector<40x128xf32>
    %eq3A_818 = arith.cmpf oeq, %add3A_813, %eq3A_817 : vector<40x128xf32>
    %jit3A_819 = arith.constant 128 : i32
    %broadcast_in_dim3A_820 = vector.broadcast %jit3A_819 : i32 to vector<40x128xi32>
    %select_n3A_821 = arith.select %eq3A_818, %iota3A, %broadcast_in_dim3A_820 : vector<40x128xi1>, vector<40x128xi32>
    %reduce_min3A_822 = arith.constant dense<2147483647> : vector<40xi32>
    %reduce_min3A_823 = vector.multi_reduction <minsi>, %select_n3A_821, %reduce_min3A_822 [1] : vector<40x128xi32> to vector<40xi32>
    %broadcast_in_dim3A_824 = vector.shape_cast %reduce_min3A_823 : vector<40xi32> to vector<40x1xi32>
    %convert_element_type3A_825 = arith.sitofp %broadcast_in_dim3A_824 : vector<40x1xi32> to vector<40x1xf32>
    %get3A_826 = arith.constant 0 : index
    %get3A_827 = arith.constant 6656 : index
    %get3A_828 = vector.load %arg1[%get3A_826, %get3A_827] : memref<40x16384xf32, #tpu.memory_space<vmem>>, vector<40x128xf32>
    %add3A_829 = arith.addf %get3A_828, %log3A : vector<40x128xf32>
    %reduce_max3A_830 = arith.constant dense<0xFF800000> : vector<40xf32>
    %reduce_max3A_831 = vector.multi_reduction <maximumf>, %add3A_829, %reduce_max3A_830 [1] : vector<40x128xf32> to vector<40xf32>
    %broadcast_in_dim3A_832 = vector.shape_cast %reduce_max3A_831 : vector<40xf32> to vector<40x1xf32>
    %eq3A_833 = vector.broadcast %broadcast_in_dim3A_832 : vector<40x1xf32> to vector<40x128xf32>
    %eq3A_834 = arith.cmpf oeq, %add3A_829, %eq3A_833 : vector<40x128xf32>
    %jit3A_835 = arith.constant 128 : i32
    %broadcast_in_dim3A_836 = vector.broadcast %jit3A_835 : i32 to vector<40x128xi32>
    %select_n3A_837 = arith.select %eq3A_834, %iota3A, %broadcast_in_dim3A_836 : vector<40x128xi1>, vector<40x128xi32>
    %reduce_min3A_838 = arith.constant dense<2147483647> : vector<40xi32>
    %reduce_min3A_839 = vector.multi_reduction <minsi>, %select_n3A_837, %reduce_min3A_838 [1] : vector<40x128xi32> to vector<40xi32>
    %broadcast_in_dim3A_840 = vector.shape_cast %reduce_min3A_839 : vector<40xi32> to vector<40x1xi32>
    %convert_element_type3A_841 = arith.sitofp %broadcast_in_dim3A_840 : vector<40x1xi32> to vector<40x1xf32>
    %get3A_842 = arith.constant 0 : index
    %get3A_843 = arith.constant 6784 : index
    %get3A_844 = vector.load %arg1[%get3A_842, %get3A_843] : memref<40x16384xf32, #tpu.memory_space<vmem>>, vector<40x128xf32>
    %add3A_845 = arith.addf %get3A_844, %log3A : vector<40x128xf32>
    %reduce_max3A_846 = arith.constant dense<0xFF800000> : vector<40xf32>
    %reduce_max3A_847 = vector.multi_reduction <maximumf>, %add3A_845, %reduce_max3A_846 [1] : vector<40x128xf32> to vector<40xf32>
    %broadcast_in_dim3A_848 = vector.shape_cast %reduce_max3A_847 : vector<40xf32> to vector<40x1xf32>
    %eq3A_849 = vector.broadcast %broadcast_in_dim3A_848 : vector<40x1xf32> to vector<40x128xf32>
    %eq3A_850 = arith.cmpf oeq, %add3A_845, %eq3A_849 : vector<40x128xf32>
    %jit3A_851 = arith.constant 128 : i32
    %broadcast_in_dim3A_852 = vector.broadcast %jit3A_851 : i32 to vector<40x128xi32>
    %select_n3A_853 = arith.select %eq3A_850, %iota3A, %broadcast_in_dim3A_852 : vector<40x128xi1>, vector<40x128xi32>
    %reduce_min3A_854 = arith.constant dense<2147483647> : vector<40xi32>
    %reduce_min3A_855 = vector.multi_reduction <minsi>, %select_n3A_853, %reduce_min3A_854 [1] : vector<40x128xi32> to vector<40xi32>
    %broadcast_in_dim3A_856 = vector.shape_cast %reduce_min3A_855 : vector<40xi32> to vector<40x1xi32>
    %convert_element_type3A_857 = arith.sitofp %broadcast_in_dim3A_856 : vector<40x1xi32> to vector<40x1xf32>
    %get3A_858 = arith.constant 0 : index
    %get3A_859 = arith.constant 6912 : index
    %get3A_860 = vector.load %arg1[%get3A_858, %get3A_859] : memref<40x16384xf32, #tpu.memory_space<vmem>>, vector<40x128xf32>
    %add3A_861 = arith.addf %get3A_860, %log3A : vector<40x128xf32>
    %reduce_max3A_862 = arith.constant dense<0xFF800000> : vector<40xf32>
    %reduce_max3A_863 = vector.multi_reduction <maximumf>, %add3A_861, %reduce_max3A_862 [1] : vector<40x128xf32> to vector<40xf32>
    %broadcast_in_dim3A_864 = vector.shape_cast %reduce_max3A_863 : vector<40xf32> to vector<40x1xf32>
    %eq3A_865 = vector.broadcast %broadcast_in_dim3A_864 : vector<40x1xf32> to vector<40x128xf32>
    %eq3A_866 = arith.cmpf oeq, %add3A_861, %eq3A_865 : vector<40x128xf32>
    %jit3A_867 = arith.constant 128 : i32
    %broadcast_in_dim3A_868 = vector.broadcast %jit3A_867 : i32 to vector<40x128xi32>
    %select_n3A_869 = arith.select %eq3A_866, %iota3A, %broadcast_in_dim3A_868 : vector<40x128xi1>, vector<40x128xi32>
    %reduce_min3A_870 = arith.constant dense<2147483647> : vector<40xi32>
    %reduce_min3A_871 = vector.multi_reduction <minsi>, %select_n3A_869, %reduce_min3A_870 [1] : vector<40x128xi32> to vector<40xi32>
    %broadcast_in_dim3A_872 = vector.shape_cast %reduce_min3A_871 : vector<40xi32> to vector<40x1xi32>
    %convert_element_type3A_873 = arith.sitofp %broadcast_in_dim3A_872 : vector<40x1xi32> to vector<40x1xf32>
    %get3A_874 = arith.constant 0 : index
    %get3A_875 = arith.constant 7040 : index
    %get3A_876 = vector.load %arg1[%get3A_874, %get3A_875] : memref<40x16384xf32, #tpu.memory_space<vmem>>, vector<40x128xf32>
    %add3A_877 = arith.addf %get3A_876, %log3A : vector<40x128xf32>
    %reduce_max3A_878 = arith.constant dense<0xFF800000> : vector<40xf32>
    %reduce_max3A_879 = vector.multi_reduction <maximumf>, %add3A_877, %reduce_max3A_878 [1] : vector<40x128xf32> to vector<40xf32>
    %broadcast_in_dim3A_880 = vector.shape_cast %reduce_max3A_879 : vector<40xf32> to vector<40x1xf32>
    %eq3A_881 = vector.broadcast %broadcast_in_dim3A_880 : vector<40x1xf32> to vector<40x128xf32>
    %eq3A_882 = arith.cmpf oeq, %add3A_877, %eq3A_881 : vector<40x128xf32>
    %jit3A_883 = arith.constant 128 : i32
    %broadcast_in_dim3A_884 = vector.broadcast %jit3A_883 : i32 to vector<40x128xi32>
    %select_n3A_885 = arith.select %eq3A_882, %iota3A, %broadcast_in_dim3A_884 : vector<40x128xi1>, vector<40x128xi32>
    %reduce_min3A_886 = arith.constant dense<2147483647> : vector<40xi32>
    %reduce_min3A_887 = vector.multi_reduction <minsi>, %select_n3A_885, %reduce_min3A_886 [1] : vector<40x128xi32> to vector<40xi32>
    %broadcast_in_dim3A_888 = vector.shape_cast %reduce_min3A_887 : vector<40xi32> to vector<40x1xi32>
    %convert_element_type3A_889 = arith.sitofp %broadcast_in_dim3A_888 : vector<40x1xi32> to vector<40x1xf32>
    %get3A_890 = arith.constant 0 : index
    %get3A_891 = arith.constant 7168 : index
    %get3A_892 = vector.load %arg1[%get3A_890, %get3A_891] : memref<40x16384xf32, #tpu.memory_space<vmem>>, vector<40x128xf32>
    %add3A_893 = arith.addf %get3A_892, %log3A : vector<40x128xf32>
    %reduce_max3A_894 = arith.constant dense<0xFF800000> : vector<40xf32>
    %reduce_max3A_895 = vector.multi_reduction <maximumf>, %add3A_893, %reduce_max3A_894 [1] : vector<40x128xf32> to vector<40xf32>
    %broadcast_in_dim3A_896 = vector.shape_cast %reduce_max3A_895 : vector<40xf32> to vector<40x1xf32>
    %eq3A_897 = vector.broadcast %broadcast_in_dim3A_896 : vector<40x1xf32> to vector<40x128xf32>
    %eq3A_898 = arith.cmpf oeq, %add3A_893, %eq3A_897 : vector<40x128xf32>
    %jit3A_899 = arith.constant 128 : i32
    %broadcast_in_dim3A_900 = vector.broadcast %jit3A_899 : i32 to vector<40x128xi32>
    %select_n3A_901 = arith.select %eq3A_898, %iota3A, %broadcast_in_dim3A_900 : vector<40x128xi1>, vector<40x128xi32>
    %reduce_min3A_902 = arith.constant dense<2147483647> : vector<40xi32>
    %reduce_min3A_903 = vector.multi_reduction <minsi>, %select_n3A_901, %reduce_min3A_902 [1] : vector<40x128xi32> to vector<40xi32>
    %broadcast_in_dim3A_904 = vector.shape_cast %reduce_min3A_903 : vector<40xi32> to vector<40x1xi32>
    %convert_element_type3A_905 = arith.sitofp %broadcast_in_dim3A_904 : vector<40x1xi32> to vector<40x1xf32>
    %get3A_906 = arith.constant 0 : index
    %get3A_907 = arith.constant 7296 : index
    %get3A_908 = vector.load %arg1[%get3A_906, %get3A_907] : memref<40x16384xf32, #tpu.memory_space<vmem>>, vector<40x128xf32>
    %add3A_909 = arith.addf %get3A_908, %log3A : vector<40x128xf32>
    %reduce_max3A_910 = arith.constant dense<0xFF800000> : vector<40xf32>
    %reduce_max3A_911 = vector.multi_reduction <maximumf>, %add3A_909, %reduce_max3A_910 [1] : vector<40x128xf32> to vector<40xf32>
    %broadcast_in_dim3A_912 = vector.shape_cast %reduce_max3A_911 : vector<40xf32> to vector<40x1xf32>
    %eq3A_913 = vector.broadcast %broadcast_in_dim3A_912 : vector<40x1xf32> to vector<40x128xf32>
    %eq3A_914 = arith.cmpf oeq, %add3A_909, %eq3A_913 : vector<40x128xf32>
    %jit3A_915 = arith.constant 128 : i32
    %broadcast_in_dim3A_916 = vector.broadcast %jit3A_915 : i32 to vector<40x128xi32>
    %select_n3A_917 = arith.select %eq3A_914, %iota3A, %broadcast_in_dim3A_916 : vector<40x128xi1>, vector<40x128xi32>
    %reduce_min3A_918 = arith.constant dense<2147483647> : vector<40xi32>
    %reduce_min3A_919 = vector.multi_reduction <minsi>, %select_n3A_917, %reduce_min3A_918 [1] : vector<40x128xi32> to vector<40xi32>
    %broadcast_in_dim3A_920 = vector.shape_cast %reduce_min3A_919 : vector<40xi32> to vector<40x1xi32>
    %convert_element_type3A_921 = arith.sitofp %broadcast_in_dim3A_920 : vector<40x1xi32> to vector<40x1xf32>
    %get3A_922 = arith.constant 0 : index
    %get3A_923 = arith.constant 7424 : index
    %get3A_924 = vector.load %arg1[%get3A_922, %get3A_923] : memref<40x16384xf32, #tpu.memory_space<vmem>>, vector<40x128xf32>
    %add3A_925 = arith.addf %get3A_924, %log3A : vector<40x128xf32>
    %reduce_max3A_926 = arith.constant dense<0xFF800000> : vector<40xf32>
    %reduce_max3A_927 = vector.multi_reduction <maximumf>, %add3A_925, %reduce_max3A_926 [1] : vector<40x128xf32> to vector<40xf32>
    %broadcast_in_dim3A_928 = vector.shape_cast %reduce_max3A_927 : vector<40xf32> to vector<40x1xf32>
    %eq3A_929 = vector.broadcast %broadcast_in_dim3A_928 : vector<40x1xf32> to vector<40x128xf32>
    %eq3A_930 = arith.cmpf oeq, %add3A_925, %eq3A_929 : vector<40x128xf32>
    %jit3A_931 = arith.constant 128 : i32
    %broadcast_in_dim3A_932 = vector.broadcast %jit3A_931 : i32 to vector<40x128xi32>
    %select_n3A_933 = arith.select %eq3A_930, %iota3A, %broadcast_in_dim3A_932 : vector<40x128xi1>, vector<40x128xi32>
    %reduce_min3A_934 = arith.constant dense<2147483647> : vector<40xi32>
    %reduce_min3A_935 = vector.multi_reduction <minsi>, %select_n3A_933, %reduce_min3A_934 [1] : vector<40x128xi32> to vector<40xi32>
    %broadcast_in_dim3A_936 = vector.shape_cast %reduce_min3A_935 : vector<40xi32> to vector<40x1xi32>
    %convert_element_type3A_937 = arith.sitofp %broadcast_in_dim3A_936 : vector<40x1xi32> to vector<40x1xf32>
    %get3A_938 = arith.constant 0 : index
    %get3A_939 = arith.constant 7552 : index
    %get3A_940 = vector.load %arg1[%get3A_938, %get3A_939] : memref<40x16384xf32, #tpu.memory_space<vmem>>, vector<40x128xf32>
    %add3A_941 = arith.addf %get3A_940, %log3A : vector<40x128xf32>
    %reduce_max3A_942 = arith.constant dense<0xFF800000> : vector<40xf32>
    %reduce_max3A_943 = vector.multi_reduction <maximumf>, %add3A_941, %reduce_max3A_942 [1] : vector<40x128xf32> to vector<40xf32>
    %broadcast_in_dim3A_944 = vector.shape_cast %reduce_max3A_943 : vector<40xf32> to vector<40x1xf32>
    %eq3A_945 = vector.broadcast %broadcast_in_dim3A_944 : vector<40x1xf32> to vector<40x128xf32>
    %eq3A_946 = arith.cmpf oeq, %add3A_941, %eq3A_945 : vector<40x128xf32>
    %jit3A_947 = arith.constant 128 : i32
    %broadcast_in_dim3A_948 = vector.broadcast %jit3A_947 : i32 to vector<40x128xi32>
    %select_n3A_949 = arith.select %eq3A_946, %iota3A, %broadcast_in_dim3A_948 : vector<40x128xi1>, vector<40x128xi32>
    %reduce_min3A_950 = arith.constant dense<2147483647> : vector<40xi32>
    %reduce_min3A_951 = vector.multi_reduction <minsi>, %select_n3A_949, %reduce_min3A_950 [1] : vector<40x128xi32> to vector<40xi32>
    %broadcast_in_dim3A_952 = vector.shape_cast %reduce_min3A_951 : vector<40xi32> to vector<40x1xi32>
    %convert_element_type3A_953 = arith.sitofp %broadcast_in_dim3A_952 : vector<40x1xi32> to vector<40x1xf32>
    %get3A_954 = arith.constant 0 : index
    %get3A_955 = arith.constant 7680 : index
    %get3A_956 = vector.load %arg1[%get3A_954, %get3A_955] : memref<40x16384xf32, #tpu.memory_space<vmem>>, vector<40x128xf32>
    %add3A_957 = arith.addf %get3A_956, %log3A : vector<40x128xf32>
    %reduce_max3A_958 = arith.constant dense<0xFF800000> : vector<40xf32>
    %reduce_max3A_959 = vector.multi_reduction <maximumf>, %add3A_957, %reduce_max3A_958 [1] : vector<40x128xf32> to vector<40xf32>
    %broadcast_in_dim3A_960 = vector.shape_cast %reduce_max3A_959 : vector<40xf32> to vector<40x1xf32>
    %eq3A_961 = vector.broadcast %broadcast_in_dim3A_960 : vector<40x1xf32> to vector<40x128xf32>
    %eq3A_962 = arith.cmpf oeq, %add3A_957, %eq3A_961 : vector<40x128xf32>
    %jit3A_963 = arith.constant 128 : i32
    %broadcast_in_dim3A_964 = vector.broadcast %jit3A_963 : i32 to vector<40x128xi32>
    %select_n3A_965 = arith.select %eq3A_962, %iota3A, %broadcast_in_dim3A_964 : vector<40x128xi1>, vector<40x128xi32>
    %reduce_min3A_966 = arith.constant dense<2147483647> : vector<40xi32>
    %reduce_min3A_967 = vector.multi_reduction <minsi>, %select_n3A_965, %reduce_min3A_966 [1] : vector<40x128xi32> to vector<40xi32>
    %broadcast_in_dim3A_968 = vector.shape_cast %reduce_min3A_967 : vector<40xi32> to vector<40x1xi32>
    %convert_element_type3A_969 = arith.sitofp %broadcast_in_dim3A_968 : vector<40x1xi32> to vector<40x1xf32>
    %get3A_970 = arith.constant 0 : index
    %get3A_971 = arith.constant 7808 : index
    %get3A_972 = vector.load %arg1[%get3A_970, %get3A_971] : memref<40x16384xf32, #tpu.memory_space<vmem>>, vector<40x128xf32>
    %add3A_973 = arith.addf %get3A_972, %log3A : vector<40x128xf32>
    %reduce_max3A_974 = arith.constant dense<0xFF800000> : vector<40xf32>
    %reduce_max3A_975 = vector.multi_reduction <maximumf>, %add3A_973, %reduce_max3A_974 [1] : vector<40x128xf32> to vector<40xf32>
    %broadcast_in_dim3A_976 = vector.shape_cast %reduce_max3A_975 : vector<40xf32> to vector<40x1xf32>
    %eq3A_977 = vector.broadcast %broadcast_in_dim3A_976 : vector<40x1xf32> to vector<40x128xf32>
    %eq3A_978 = arith.cmpf oeq, %add3A_973, %eq3A_977 : vector<40x128xf32>
    %jit3A_979 = arith.constant 128 : i32
    %broadcast_in_dim3A_980 = vector.broadcast %jit3A_979 : i32 to vector<40x128xi32>
    %select_n3A_981 = arith.select %eq3A_978, %iota3A, %broadcast_in_dim3A_980 : vector<40x128xi1>, vector<40x128xi32>
    %reduce_min3A_982 = arith.constant dense<2147483647> : vector<40xi32>
    %reduce_min3A_983 = vector.multi_reduction <minsi>, %select_n3A_981, %reduce_min3A_982 [1] : vector<40x128xi32> to vector<40xi32>
    %broadcast_in_dim3A_984 = vector.shape_cast %reduce_min3A_983 : vector<40xi32> to vector<40x1xi32>
    %convert_element_type3A_985 = arith.sitofp %broadcast_in_dim3A_984 : vector<40x1xi32> to vector<40x1xf32>
    %get3A_986 = arith.constant 0 : index
    %get3A_987 = arith.constant 7936 : index
    %get3A_988 = vector.load %arg1[%get3A_986, %get3A_987] : memref<40x16384xf32, #tpu.memory_space<vmem>>, vector<40x128xf32>
    %add3A_989 = arith.addf %get3A_988, %log3A : vector<40x128xf32>
    %reduce_max3A_990 = arith.constant dense<0xFF800000> : vector<40xf32>
    %reduce_max3A_991 = vector.multi_reduction <maximumf>, %add3A_989, %reduce_max3A_990 [1] : vector<40x128xf32> to vector<40xf32>
    %broadcast_in_dim3A_992 = vector.shape_cast %reduce_max3A_991 : vector<40xf32> to vector<40x1xf32>
    %eq3A_993 = vector.broadcast %broadcast_in_dim3A_992 : vector<40x1xf32> to vector<40x128xf32>
    %eq3A_994 = arith.cmpf oeq, %add3A_989, %eq3A_993 : vector<40x128xf32>
    %jit3A_995 = arith.constant 128 : i32
    %broadcast_in_dim3A_996 = vector.broadcast %jit3A_995 : i32 to vector<40x128xi32>
    %select_n3A_997 = arith.select %eq3A_994, %iota3A, %broadcast_in_dim3A_996 : vector<40x128xi1>, vector<40x128xi32>
    %reduce_min3A_998 = arith.constant dense<2147483647> : vector<40xi32>
    %reduce_min3A_999 = vector.multi_reduction <minsi>, %select_n3A_997, %reduce_min3A_998 [1] : vector<40x128xi32> to vector<40xi32>
    %broadcast_in_dim3A_1000 = vector.shape_cast %reduce_min3A_999 : vector<40xi32> to vector<40x1xi32>
    %convert_element_type3A_1001 = arith.sitofp %broadcast_in_dim3A_1000 : vector<40x1xi32> to vector<40x1xf32>
    %get3A_1002 = arith.constant 0 : index
    %get3A_1003 = arith.constant 8064 : index
    %get3A_1004 = vector.load %arg1[%get3A_1002, %get3A_1003] : memref<40x16384xf32, #tpu.memory_space<vmem>>, vector<40x128xf32>
    %add3A_1005 = arith.addf %get3A_1004, %log3A : vector<40x128xf32>
    %reduce_max3A_1006 = arith.constant dense<0xFF800000> : vector<40xf32>
    %reduce_max3A_1007 = vector.multi_reduction <maximumf>, %add3A_1005, %reduce_max3A_1006 [1] : vector<40x128xf32> to vector<40xf32>
    %broadcast_in_dim3A_1008 = vector.shape_cast %reduce_max3A_1007 : vector<40xf32> to vector<40x1xf32>
    %eq3A_1009 = vector.broadcast %broadcast_in_dim3A_1008 : vector<40x1xf32> to vector<40x128xf32>
    %eq3A_1010 = arith.cmpf oeq, %add3A_1005, %eq3A_1009 : vector<40x128xf32>
    %jit3A_1011 = arith.constant 128 : i32
    %broadcast_in_dim3A_1012 = vector.broadcast %jit3A_1011 : i32 to vector<40x128xi32>
    %select_n3A_1013 = arith.select %eq3A_1010, %iota3A, %broadcast_in_dim3A_1012 : vector<40x128xi1>, vector<40x128xi32>
    %reduce_min3A_1014 = arith.constant dense<2147483647> : vector<40xi32>
    %reduce_min3A_1015 = vector.multi_reduction <minsi>, %select_n3A_1013, %reduce_min3A_1014 [1] : vector<40x128xi32> to vector<40xi32>
    %broadcast_in_dim3A_1016 = vector.shape_cast %reduce_min3A_1015 : vector<40xi32> to vector<40x1xi32>
    %convert_element_type3A_1017 = arith.sitofp %broadcast_in_dim3A_1016 : vector<40x1xi32> to vector<40x1xf32>
    %get3A_1018 = arith.constant 0 : index
    %get3A_1019 = arith.constant 8192 : index
    %get3A_1020 = vector.load %arg1[%get3A_1018, %get3A_1019] : memref<40x16384xf32, #tpu.memory_space<vmem>>, vector<40x128xf32>
    %add3A_1021 = arith.addf %get3A_1020, %log3A : vector<40x128xf32>
    %reduce_max3A_1022 = arith.constant dense<0xFF800000> : vector<40xf32>
    %reduce_max3A_1023 = vector.multi_reduction <maximumf>, %add3A_1021, %reduce_max3A_1022 [1] : vector<40x128xf32> to vector<40xf32>
    %broadcast_in_dim3A_1024 = vector.shape_cast %reduce_max3A_1023 : vector<40xf32> to vector<40x1xf32>
    %eq3A_1025 = vector.broadcast %broadcast_in_dim3A_1024 : vector<40x1xf32> to vector<40x128xf32>
    %eq3A_1026 = arith.cmpf oeq, %add3A_1021, %eq3A_1025 : vector<40x128xf32>
    %jit3A_1027 = arith.constant 128 : i32
    %broadcast_in_dim3A_1028 = vector.broadcast %jit3A_1027 : i32 to vector<40x128xi32>
    %select_n3A_1029 = arith.select %eq3A_1026, %iota3A, %broadcast_in_dim3A_1028 : vector<40x128xi1>, vector<40x128xi32>
    %reduce_min3A_1030 = arith.constant dense<2147483647> : vector<40xi32>
    %reduce_min3A_1031 = vector.multi_reduction <minsi>, %select_n3A_1029, %reduce_min3A_1030 [1] : vector<40x128xi32> to vector<40xi32>
    %broadcast_in_dim3A_1032 = vector.shape_cast %reduce_min3A_1031 : vector<40xi32> to vector<40x1xi32>
    %convert_element_type3A_1033 = arith.sitofp %broadcast_in_dim3A_1032 : vector<40x1xi32> to vector<40x1xf32>
    %get3A_1034 = arith.constant 0 : index
    %get3A_1035 = arith.constant 8320 : index
    %get3A_1036 = vector.load %arg1[%get3A_1034, %get3A_1035] : memref<40x16384xf32, #tpu.memory_space<vmem>>, vector<40x128xf32>
    %add3A_1037 = arith.addf %get3A_1036, %log3A : vector<40x128xf32>
    %reduce_max3A_1038 = arith.constant dense<0xFF800000> : vector<40xf32>
    %reduce_max3A_1039 = vector.multi_reduction <maximumf>, %add3A_1037, %reduce_max3A_1038 [1] : vector<40x128xf32> to vector<40xf32>
    %broadcast_in_dim3A_1040 = vector.shape_cast %reduce_max3A_1039 : vector<40xf32> to vector<40x1xf32>
    %eq3A_1041 = vector.broadcast %broadcast_in_dim3A_1040 : vector<40x1xf32> to vector<40x128xf32>
    %eq3A_1042 = arith.cmpf oeq, %add3A_1037, %eq3A_1041 : vector<40x128xf32>
    %jit3A_1043 = arith.constant 128 : i32
    %broadcast_in_dim3A_1044 = vector.broadcast %jit3A_1043 : i32 to vector<40x128xi32>
    %select_n3A_1045 = arith.select %eq3A_1042, %iota3A, %broadcast_in_dim3A_1044 : vector<40x128xi1>, vector<40x128xi32>
    %reduce_min3A_1046 = arith.constant dense<2147483647> : vector<40xi32>
    %reduce_min3A_1047 = vector.multi_reduction <minsi>, %select_n3A_1045, %reduce_min3A_1046 [1] : vector<40x128xi32> to vector<40xi32>
    %broadcast_in_dim3A_1048 = vector.shape_cast %reduce_min3A_1047 : vector<40xi32> to vector<40x1xi32>
    %convert_element_type3A_1049 = arith.sitofp %broadcast_in_dim3A_1048 : vector<40x1xi32> to vector<40x1xf32>
    %get3A_1050 = arith.constant 0 : index
    %get3A_1051 = arith.constant 8448 : index
    %get3A_1052 = vector.load %arg1[%get3A_1050, %get3A_1051] : memref<40x16384xf32, #tpu.memory_space<vmem>>, vector<40x128xf32>
    %add3A_1053 = arith.addf %get3A_1052, %log3A : vector<40x128xf32>
    %reduce_max3A_1054 = arith.constant dense<0xFF800000> : vector<40xf32>
    %reduce_max3A_1055 = vector.multi_reduction <maximumf>, %add3A_1053, %reduce_max3A_1054 [1] : vector<40x128xf32> to vector<40xf32>
    %broadcast_in_dim3A_1056 = vector.shape_cast %reduce_max3A_1055 : vector<40xf32> to vector<40x1xf32>
    %eq3A_1057 = vector.broadcast %broadcast_in_dim3A_1056 : vector<40x1xf32> to vector<40x128xf32>
    %eq3A_1058 = arith.cmpf oeq, %add3A_1053, %eq3A_1057 : vector<40x128xf32>
    %jit3A_1059 = arith.constant 128 : i32
    %broadcast_in_dim3A_1060 = vector.broadcast %jit3A_1059 : i32 to vector<40x128xi32>
    %select_n3A_1061 = arith.select %eq3A_1058, %iota3A, %broadcast_in_dim3A_1060 : vector<40x128xi1>, vector<40x128xi32>
    %reduce_min3A_1062 = arith.constant dense<2147483647> : vector<40xi32>
    %reduce_min3A_1063 = vector.multi_reduction <minsi>, %select_n3A_1061, %reduce_min3A_1062 [1] : vector<40x128xi32> to vector<40xi32>
    %broadcast_in_dim3A_1064 = vector.shape_cast %reduce_min3A_1063 : vector<40xi32> to vector<40x1xi32>
    %convert_element_type3A_1065 = arith.sitofp %broadcast_in_dim3A_1064 : vector<40x1xi32> to vector<40x1xf32>
    %get3A_1066 = arith.constant 0 : index
    %get3A_1067 = arith.constant 8576 : index
    %get3A_1068 = vector.load %arg1[%get3A_1066, %get3A_1067] : memref<40x16384xf32, #tpu.memory_space<vmem>>, vector<40x128xf32>
    %add3A_1069 = arith.addf %get3A_1068, %log3A : vector<40x128xf32>
    %reduce_max3A_1070 = arith.constant dense<0xFF800000> : vector<40xf32>
    %reduce_max3A_1071 = vector.multi_reduction <maximumf>, %add3A_1069, %reduce_max3A_1070 [1] : vector<40x128xf32> to vector<40xf32>
    %broadcast_in_dim3A_1072 = vector.shape_cast %reduce_max3A_1071 : vector<40xf32> to vector<40x1xf32>
    %eq3A_1073 = vector.broadcast %broadcast_in_dim3A_1072 : vector<40x1xf32> to vector<40x128xf32>
    %eq3A_1074 = arith.cmpf oeq, %add3A_1069, %eq3A_1073 : vector<40x128xf32>
    %jit3A_1075 = arith.constant 128 : i32
    %broadcast_in_dim3A_1076 = vector.broadcast %jit3A_1075 : i32 to vector<40x128xi32>
    %select_n3A_1077 = arith.select %eq3A_1074, %iota3A, %broadcast_in_dim3A_1076 : vector<40x128xi1>, vector<40x128xi32>
    %reduce_min3A_1078 = arith.constant dense<2147483647> : vector<40xi32>
    %reduce_min3A_1079 = vector.multi_reduction <minsi>, %select_n3A_1077, %reduce_min3A_1078 [1] : vector<40x128xi32> to vector<40xi32>
    %broadcast_in_dim3A_1080 = vector.shape_cast %reduce_min3A_1079 : vector<40xi32> to vector<40x1xi32>
    %convert_element_type3A_1081 = arith.sitofp %broadcast_in_dim3A_1080 : vector<40x1xi32> to vector<40x1xf32>
    %get3A_1082 = arith.constant 0 : index
    %get3A_1083 = arith.constant 8704 : index
    %get3A_1084 = vector.load %arg1[%get3A_1082, %get3A_1083] : memref<40x16384xf32, #tpu.memory_space<vmem>>, vector<40x128xf32>
    %add3A_1085 = arith.addf %get3A_1084, %log3A : vector<40x128xf32>
    %reduce_max3A_1086 = arith.constant dense<0xFF800000> : vector<40xf32>
    %reduce_max3A_1087 = vector.multi_reduction <maximumf>, %add3A_1085, %reduce_max3A_1086 [1] : vector<40x128xf32> to vector<40xf32>
    %broadcast_in_dim3A_1088 = vector.shape_cast %reduce_max3A_1087 : vector<40xf32> to vector<40x1xf32>
    %eq3A_1089 = vector.broadcast %broadcast_in_dim3A_1088 : vector<40x1xf32> to vector<40x128xf32>
    %eq3A_1090 = arith.cmpf oeq, %add3A_1085, %eq3A_1089 : vector<40x128xf32>
    %jit3A_1091 = arith.constant 128 : i32
    %broadcast_in_dim3A_1092 = vector.broadcast %jit3A_1091 : i32 to vector<40x128xi32>
    %select_n3A_1093 = arith.select %eq3A_1090, %iota3A, %broadcast_in_dim3A_1092 : vector<40x128xi1>, vector<40x128xi32>
    %reduce_min3A_1094 = arith.constant dense<2147483647> : vector<40xi32>
    %reduce_min3A_1095 = vector.multi_reduction <minsi>, %select_n3A_1093, %reduce_min3A_1094 [1] : vector<40x128xi32> to vector<40xi32>
    %broadcast_in_dim3A_1096 = vector.shape_cast %reduce_min3A_1095 : vector<40xi32> to vector<40x1xi32>
    %convert_element_type3A_1097 = arith.sitofp %broadcast_in_dim3A_1096 : vector<40x1xi32> to vector<40x1xf32>
    %get3A_1098 = arith.constant 0 : index
    %get3A_1099 = arith.constant 8832 : index
    %get3A_1100 = vector.load %arg1[%get3A_1098, %get3A_1099] : memref<40x16384xf32, #tpu.memory_space<vmem>>, vector<40x128xf32>
    %add3A_1101 = arith.addf %get3A_1100, %log3A : vector<40x128xf32>
    %reduce_max3A_1102 = arith.constant dense<0xFF800000> : vector<40xf32>
    %reduce_max3A_1103 = vector.multi_reduction <maximumf>, %add3A_1101, %reduce_max3A_1102 [1] : vector<40x128xf32> to vector<40xf32>
    %broadcast_in_dim3A_1104 = vector.shape_cast %reduce_max3A_1103 : vector<40xf32> to vector<40x1xf32>
    %eq3A_1105 = vector.broadcast %broadcast_in_dim3A_1104 : vector<40x1xf32> to vector<40x128xf32>
    %eq3A_1106 = arith.cmpf oeq, %add3A_1101, %eq3A_1105 : vector<40x128xf32>
    %jit3A_1107 = arith.constant 128 : i32
    %broadcast_in_dim3A_1108 = vector.broadcast %jit3A_1107 : i32 to vector<40x128xi32>
    %select_n3A_1109 = arith.select %eq3A_1106, %iota3A, %broadcast_in_dim3A_1108 : vector<40x128xi1>, vector<40x128xi32>
    %reduce_min3A_1110 = arith.constant dense<2147483647> : vector<40xi32>
    %reduce_min3A_1111 = vector.multi_reduction <minsi>, %select_n3A_1109, %reduce_min3A_1110 [1] : vector<40x128xi32> to vector<40xi32>
    %broadcast_in_dim3A_1112 = vector.shape_cast %reduce_min3A_1111 : vector<40xi32> to vector<40x1xi32>
    %convert_element_type3A_1113 = arith.sitofp %broadcast_in_dim3A_1112 : vector<40x1xi32> to vector<40x1xf32>
    %get3A_1114 = arith.constant 0 : index
    %get3A_1115 = arith.constant 8960 : index
    %get3A_1116 = vector.load %arg1[%get3A_1114, %get3A_1115] : memref<40x16384xf32, #tpu.memory_space<vmem>>, vector<40x128xf32>
    %add3A_1117 = arith.addf %get3A_1116, %log3A : vector<40x128xf32>
    %reduce_max3A_1118 = arith.constant dense<0xFF800000> : vector<40xf32>
    %reduce_max3A_1119 = vector.multi_reduction <maximumf>, %add3A_1117, %reduce_max3A_1118 [1] : vector<40x128xf32> to vector<40xf32>
    %broadcast_in_dim3A_1120 = vector.shape_cast %reduce_max3A_1119 : vector<40xf32> to vector<40x1xf32>
    %eq3A_1121 = vector.broadcast %broadcast_in_dim3A_1120 : vector<40x1xf32> to vector<40x128xf32>
    %eq3A_1122 = arith.cmpf oeq, %add3A_1117, %eq3A_1121 : vector<40x128xf32>
    %jit3A_1123 = arith.constant 128 : i32
    %broadcast_in_dim3A_1124 = vector.broadcast %jit3A_1123 : i32 to vector<40x128xi32>
    %select_n3A_1125 = arith.select %eq3A_1122, %iota3A, %broadcast_in_dim3A_1124 : vector<40x128xi1>, vector<40x128xi32>
    %reduce_min3A_1126 = arith.constant dense<2147483647> : vector<40xi32>
    %reduce_min3A_1127 = vector.multi_reduction <minsi>, %select_n3A_1125, %reduce_min3A_1126 [1] : vector<40x128xi32> to vector<40xi32>
    %broadcast_in_dim3A_1128 = vector.shape_cast %reduce_min3A_1127 : vector<40xi32> to vector<40x1xi32>
    %convert_element_type3A_1129 = arith.sitofp %broadcast_in_dim3A_1128 : vector<40x1xi32> to vector<40x1xf32>
    %get3A_1130 = arith.constant 0 : index
    %get3A_1131 = arith.constant 9088 : index
    %get3A_1132 = vector.load %arg1[%get3A_1130, %get3A_1131] : memref<40x16384xf32, #tpu.memory_space<vmem>>, vector<40x128xf32>
    %add3A_1133 = arith.addf %get3A_1132, %log3A : vector<40x128xf32>
    %reduce_max3A_1134 = arith.constant dense<0xFF800000> : vector<40xf32>
    %reduce_max3A_1135 = vector.multi_reduction <maximumf>, %add3A_1133, %reduce_max3A_1134 [1] : vector<40x128xf32> to vector<40xf32>
    %broadcast_in_dim3A_1136 = vector.shape_cast %reduce_max3A_1135 : vector<40xf32> to vector<40x1xf32>
    %eq3A_1137 = vector.broadcast %broadcast_in_dim3A_1136 : vector<40x1xf32> to vector<40x128xf32>
    %eq3A_1138 = arith.cmpf oeq, %add3A_1133, %eq3A_1137 : vector<40x128xf32>
    %jit3A_1139 = arith.constant 128 : i32
    %broadcast_in_dim3A_1140 = vector.broadcast %jit3A_1139 : i32 to vector<40x128xi32>
    %select_n3A_1141 = arith.select %eq3A_1138, %iota3A, %broadcast_in_dim3A_1140 : vector<40x128xi1>, vector<40x128xi32>
    %reduce_min3A_1142 = arith.constant dense<2147483647> : vector<40xi32>
    %reduce_min3A_1143 = vector.multi_reduction <minsi>, %select_n3A_1141, %reduce_min3A_1142 [1] : vector<40x128xi32> to vector<40xi32>
    %broadcast_in_dim3A_1144 = vector.shape_cast %reduce_min3A_1143 : vector<40xi32> to vector<40x1xi32>
    %convert_element_type3A_1145 = arith.sitofp %broadcast_in_dim3A_1144 : vector<40x1xi32> to vector<40x1xf32>
    %get3A_1146 = arith.constant 0 : index
    %get3A_1147 = arith.constant 9216 : index
    %get3A_1148 = vector.load %arg1[%get3A_1146, %get3A_1147] : memref<40x16384xf32, #tpu.memory_space<vmem>>, vector<40x128xf32>
    %add3A_1149 = arith.addf %get3A_1148, %log3A : vector<40x128xf32>
    %reduce_max3A_1150 = arith.constant dense<0xFF800000> : vector<40xf32>
    %reduce_max3A_1151 = vector.multi_reduction <maximumf>, %add3A_1149, %reduce_max3A_1150 [1] : vector<40x128xf32> to vector<40xf32>
    %broadcast_in_dim3A_1152 = vector.shape_cast %reduce_max3A_1151 : vector<40xf32> to vector<40x1xf32>
    %eq3A_1153 = vector.broadcast %broadcast_in_dim3A_1152 : vector<40x1xf32> to vector<40x128xf32>
    %eq3A_1154 = arith.cmpf oeq, %add3A_1149, %eq3A_1153 : vector<40x128xf32>
    %jit3A_1155 = arith.constant 128 : i32
    %broadcast_in_dim3A_1156 = vector.broadcast %jit3A_1155 : i32 to vector<40x128xi32>
    %select_n3A_1157 = arith.select %eq3A_1154, %iota3A, %broadcast_in_dim3A_1156 : vector<40x128xi1>, vector<40x128xi32>
    %reduce_min3A_1158 = arith.constant dense<2147483647> : vector<40xi32>
    %reduce_min3A_1159 = vector.multi_reduction <minsi>, %select_n3A_1157, %reduce_min3A_1158 [1] : vector<40x128xi32> to vector<40xi32>
    %broadcast_in_dim3A_1160 = vector.shape_cast %reduce_min3A_1159 : vector<40xi32> to vector<40x1xi32>
    %convert_element_type3A_1161 = arith.sitofp %broadcast_in_dim3A_1160 : vector<40x1xi32> to vector<40x1xf32>
    %get3A_1162 = arith.constant 0 : index
    %get3A_1163 = arith.constant 9344 : index
    %get3A_1164 = vector.load %arg1[%get3A_1162, %get3A_1163] : memref<40x16384xf32, #tpu.memory_space<vmem>>, vector<40x128xf32>
    %add3A_1165 = arith.addf %get3A_1164, %log3A : vector<40x128xf32>
    %reduce_max3A_1166 = arith.constant dense<0xFF800000> : vector<40xf32>
    %reduce_max3A_1167 = vector.multi_reduction <maximumf>, %add3A_1165, %reduce_max3A_1166 [1] : vector<40x128xf32> to vector<40xf32>
    %broadcast_in_dim3A_1168 = vector.shape_cast %reduce_max3A_1167 : vector<40xf32> to vector<40x1xf32>
    %eq3A_1169 = vector.broadcast %broadcast_in_dim3A_1168 : vector<40x1xf32> to vector<40x128xf32>
    %eq3A_1170 = arith.cmpf oeq, %add3A_1165, %eq3A_1169 : vector<40x128xf32>
    %jit3A_1171 = arith.constant 128 : i32
    %broadcast_in_dim3A_1172 = vector.broadcast %jit3A_1171 : i32 to vector<40x128xi32>
    %select_n3A_1173 = arith.select %eq3A_1170, %iota3A, %broadcast_in_dim3A_1172 : vector<40x128xi1>, vector<40x128xi32>
    %reduce_min3A_1174 = arith.constant dense<2147483647> : vector<40xi32>
    %reduce_min3A_1175 = vector.multi_reduction <minsi>, %select_n3A_1173, %reduce_min3A_1174 [1] : vector<40x128xi32> to vector<40xi32>
    %broadcast_in_dim3A_1176 = vector.shape_cast %reduce_min3A_1175 : vector<40xi32> to vector<40x1xi32>
    %convert_element_type3A_1177 = arith.sitofp %broadcast_in_dim3A_1176 : vector<40x1xi32> to vector<40x1xf32>
    %get3A_1178 = arith.constant 0 : index
    %get3A_1179 = arith.constant 9472 : index
    %get3A_1180 = vector.load %arg1[%get3A_1178, %get3A_1179] : memref<40x16384xf32, #tpu.memory_space<vmem>>, vector<40x128xf32>
    %add3A_1181 = arith.addf %get3A_1180, %log3A : vector<40x128xf32>
    %reduce_max3A_1182 = arith.constant dense<0xFF800000> : vector<40xf32>
    %reduce_max3A_1183 = vector.multi_reduction <maximumf>, %add3A_1181, %reduce_max3A_1182 [1] : vector<40x128xf32> to vector<40xf32>
    %broadcast_in_dim3A_1184 = vector.shape_cast %reduce_max3A_1183 : vector<40xf32> to vector<40x1xf32>
    %eq3A_1185 = vector.broadcast %broadcast_in_dim3A_1184 : vector<40x1xf32> to vector<40x128xf32>
    %eq3A_1186 = arith.cmpf oeq, %add3A_1181, %eq3A_1185 : vector<40x128xf32>
    %jit3A_1187 = arith.constant 128 : i32
    %broadcast_in_dim3A_1188 = vector.broadcast %jit3A_1187 : i32 to vector<40x128xi32>
    %select_n3A_1189 = arith.select %eq3A_1186, %iota3A, %broadcast_in_dim3A_1188 : vector<40x128xi1>, vector<40x128xi32>
    %reduce_min3A_1190 = arith.constant dense<2147483647> : vector<40xi32>
    %reduce_min3A_1191 = vector.multi_reduction <minsi>, %select_n3A_1189, %reduce_min3A_1190 [1] : vector<40x128xi32> to vector<40xi32>
    %broadcast_in_dim3A_1192 = vector.shape_cast %reduce_min3A_1191 : vector<40xi32> to vector<40x1xi32>
    %convert_element_type3A_1193 = arith.sitofp %broadcast_in_dim3A_1192 : vector<40x1xi32> to vector<40x1xf32>
    %get3A_1194 = arith.constant 0 : index
    %get3A_1195 = arith.constant 9600 : index
    %get3A_1196 = vector.load %arg1[%get3A_1194, %get3A_1195] : memref<40x16384xf32, #tpu.memory_space<vmem>>, vector<40x128xf32>
    %add3A_1197 = arith.addf %get3A_1196, %log3A : vector<40x128xf32>
    %reduce_max3A_1198 = arith.constant dense<0xFF800000> : vector<40xf32>
    %reduce_max3A_1199 = vector.multi_reduction <maximumf>, %add3A_1197, %reduce_max3A_1198 [1] : vector<40x128xf32> to vector<40xf32>
    %broadcast_in_dim3A_1200 = vector.shape_cast %reduce_max3A_1199 : vector<40xf32> to vector<40x1xf32>
    %eq3A_1201 = vector.broadcast %broadcast_in_dim3A_1200 : vector<40x1xf32> to vector<40x128xf32>
    %eq3A_1202 = arith.cmpf oeq, %add3A_1197, %eq3A_1201 : vector<40x128xf32>
    %jit3A_1203 = arith.constant 128 : i32
    %broadcast_in_dim3A_1204 = vector.broadcast %jit3A_1203 : i32 to vector<40x128xi32>
    %select_n3A_1205 = arith.select %eq3A_1202, %iota3A, %broadcast_in_dim3A_1204 : vector<40x128xi1>, vector<40x128xi32>
    %reduce_min3A_1206 = arith.constant dense<2147483647> : vector<40xi32>
    %reduce_min3A_1207 = vector.multi_reduction <minsi>, %select_n3A_1205, %reduce_min3A_1206 [1] : vector<40x128xi32> to vector<40xi32>
    %broadcast_in_dim3A_1208 = vector.shape_cast %reduce_min3A_1207 : vector<40xi32> to vector<40x1xi32>
    %convert_element_type3A_1209 = arith.sitofp %broadcast_in_dim3A_1208 : vector<40x1xi32> to vector<40x1xf32>
    %get3A_1210 = arith.constant 0 : index
    %get3A_1211 = arith.constant 9728 : index
    %get3A_1212 = vector.load %arg1[%get3A_1210, %get3A_1211] : memref<40x16384xf32, #tpu.memory_space<vmem>>, vector<40x128xf32>
    %add3A_1213 = arith.addf %get3A_1212, %log3A : vector<40x128xf32>
    %reduce_max3A_1214 = arith.constant dense<0xFF800000> : vector<40xf32>
    %reduce_max3A_1215 = vector.multi_reduction <maximumf>, %add3A_1213, %reduce_max3A_1214 [1] : vector<40x128xf32> to vector<40xf32>
    %broadcast_in_dim3A_1216 = vector.shape_cast %reduce_max3A_1215 : vector<40xf32> to vector<40x1xf32>
    %eq3A_1217 = vector.broadcast %broadcast_in_dim3A_1216 : vector<40x1xf32> to vector<40x128xf32>
    %eq3A_1218 = arith.cmpf oeq, %add3A_1213, %eq3A_1217 : vector<40x128xf32>
    %jit3A_1219 = arith.constant 128 : i32
    %broadcast_in_dim3A_1220 = vector.broadcast %jit3A_1219 : i32 to vector<40x128xi32>
    %select_n3A_1221 = arith.select %eq3A_1218, %iota3A, %broadcast_in_dim3A_1220 : vector<40x128xi1>, vector<40x128xi32>
    %reduce_min3A_1222 = arith.constant dense<2147483647> : vector<40xi32>
    %reduce_min3A_1223 = vector.multi_reduction <minsi>, %select_n3A_1221, %reduce_min3A_1222 [1] : vector<40x128xi32> to vector<40xi32>
    %broadcast_in_dim3A_1224 = vector.shape_cast %reduce_min3A_1223 : vector<40xi32> to vector<40x1xi32>
    %convert_element_type3A_1225 = arith.sitofp %broadcast_in_dim3A_1224 : vector<40x1xi32> to vector<40x1xf32>
    %get3A_1226 = arith.constant 0 : index
    %get3A_1227 = arith.constant 9856 : index
    %get3A_1228 = vector.load %arg1[%get3A_1226, %get3A_1227] : memref<40x16384xf32, #tpu.memory_space<vmem>>, vector<40x128xf32>
    %add3A_1229 = arith.addf %get3A_1228, %log3A : vector<40x128xf32>
    %reduce_max3A_1230 = arith.constant dense<0xFF800000> : vector<40xf32>
    %reduce_max3A_1231 = vector.multi_reduction <maximumf>, %add3A_1229, %reduce_max3A_1230 [1] : vector<40x128xf32> to vector<40xf32>
    %broadcast_in_dim3A_1232 = vector.shape_cast %reduce_max3A_1231 : vector<40xf32> to vector<40x1xf32>
    %eq3A_1233 = vector.broadcast %broadcast_in_dim3A_1232 : vector<40x1xf32> to vector<40x128xf32>
    %eq3A_1234 = arith.cmpf oeq, %add3A_1229, %eq3A_1233 : vector<40x128xf32>
    %jit3A_1235 = arith.constant 128 : i32
    %broadcast_in_dim3A_1236 = vector.broadcast %jit3A_1235 : i32 to vector<40x128xi32>
    %select_n3A_1237 = arith.select %eq3A_1234, %iota3A, %broadcast_in_dim3A_1236 : vector<40x128xi1>, vector<40x128xi32>
    %reduce_min3A_1238 = arith.constant dense<2147483647> : vector<40xi32>
    %reduce_min3A_1239 = vector.multi_reduction <minsi>, %select_n3A_1237, %reduce_min3A_1238 [1] : vector<40x128xi32> to vector<40xi32>
    %broadcast_in_dim3A_1240 = vector.shape_cast %reduce_min3A_1239 : vector<40xi32> to vector<40x1xi32>
    %convert_element_type3A_1241 = arith.sitofp %broadcast_in_dim3A_1240 : vector<40x1xi32> to vector<40x1xf32>
    %get3A_1242 = arith.constant 0 : index
    %get3A_1243 = arith.constant 9984 : index
    %get3A_1244 = vector.load %arg1[%get3A_1242, %get3A_1243] : memref<40x16384xf32, #tpu.memory_space<vmem>>, vector<40x128xf32>
    %add3A_1245 = arith.addf %get3A_1244, %log3A : vector<40x128xf32>
    %reduce_max3A_1246 = arith.constant dense<0xFF800000> : vector<40xf32>
    %reduce_max3A_1247 = vector.multi_reduction <maximumf>, %add3A_1245, %reduce_max3A_1246 [1] : vector<40x128xf32> to vector<40xf32>
    %broadcast_in_dim3A_1248 = vector.shape_cast %reduce_max3A_1247 : vector<40xf32> to vector<40x1xf32>
    %eq3A_1249 = vector.broadcast %broadcast_in_dim3A_1248 : vector<40x1xf32> to vector<40x128xf32>
    %eq3A_1250 = arith.cmpf oeq, %add3A_1245, %eq3A_1249 : vector<40x128xf32>
    %jit3A_1251 = arith.constant 128 : i32
    %broadcast_in_dim3A_1252 = vector.broadcast %jit3A_1251 : i32 to vector<40x128xi32>
    %select_n3A_1253 = arith.select %eq3A_1250, %iota3A, %broadcast_in_dim3A_1252 : vector<40x128xi1>, vector<40x128xi32>
    %reduce_min3A_1254 = arith.constant dense<2147483647> : vector<40xi32>
    %reduce_min3A_1255 = vector.multi_reduction <minsi>, %select_n3A_1253, %reduce_min3A_1254 [1] : vector<40x128xi32> to vector<40xi32>
    %broadcast_in_dim3A_1256 = vector.shape_cast %reduce_min3A_1255 : vector<40xi32> to vector<40x1xi32>
    %convert_element_type3A_1257 = arith.sitofp %broadcast_in_dim3A_1256 : vector<40x1xi32> to vector<40x1xf32>
    %get3A_1258 = arith.constant 0 : index
    %get3A_1259 = arith.constant 10112 : index
    %get3A_1260 = vector.load %arg1[%get3A_1258, %get3A_1259] : memref<40x16384xf32, #tpu.memory_space<vmem>>, vector<40x128xf32>
    %add3A_1261 = arith.addf %get3A_1260, %log3A : vector<40x128xf32>
    %reduce_max3A_1262 = arith.constant dense<0xFF800000> : vector<40xf32>
    %reduce_max3A_1263 = vector.multi_reduction <maximumf>, %add3A_1261, %reduce_max3A_1262 [1] : vector<40x128xf32> to vector<40xf32>
    %broadcast_in_dim3A_1264 = vector.shape_cast %reduce_max3A_1263 : vector<40xf32> to vector<40x1xf32>
    %eq3A_1265 = vector.broadcast %broadcast_in_dim3A_1264 : vector<40x1xf32> to vector<40x128xf32>
    %eq3A_1266 = arith.cmpf oeq, %add3A_1261, %eq3A_1265 : vector<40x128xf32>
    %jit3A_1267 = arith.constant 128 : i32
    %broadcast_in_dim3A_1268 = vector.broadcast %jit3A_1267 : i32 to vector<40x128xi32>
    %select_n3A_1269 = arith.select %eq3A_1266, %iota3A, %broadcast_in_dim3A_1268 : vector<40x128xi1>, vector<40x128xi32>
    %reduce_min3A_1270 = arith.constant dense<2147483647> : vector<40xi32>
    %reduce_min3A_1271 = vector.multi_reduction <minsi>, %select_n3A_1269, %reduce_min3A_1270 [1] : vector<40x128xi32> to vector<40xi32>
    %broadcast_in_dim3A_1272 = vector.shape_cast %reduce_min3A_1271 : vector<40xi32> to vector<40x1xi32>
    %convert_element_type3A_1273 = arith.sitofp %broadcast_in_dim3A_1272 : vector<40x1xi32> to vector<40x1xf32>
    %get3A_1274 = arith.constant 0 : index
    %get3A_1275 = arith.constant 10240 : index
    %get3A_1276 = vector.load %arg1[%get3A_1274, %get3A_1275] : memref<40x16384xf32, #tpu.memory_space<vmem>>, vector<40x128xf32>
    %add3A_1277 = arith.addf %get3A_1276, %log3A : vector<40x128xf32>
    %reduce_max3A_1278 = arith.constant dense<0xFF800000> : vector<40xf32>
    %reduce_max3A_1279 = vector.multi_reduction <maximumf>, %add3A_1277, %reduce_max3A_1278 [1] : vector<40x128xf32> to vector<40xf32>
    %broadcast_in_dim3A_1280 = vector.shape_cast %reduce_max3A_1279 : vector<40xf32> to vector<40x1xf32>
    %eq3A_1281 = vector.broadcast %broadcast_in_dim3A_1280 : vector<40x1xf32> to vector<40x128xf32>
    %eq3A_1282 = arith.cmpf oeq, %add3A_1277, %eq3A_1281 : vector<40x128xf32>
    %jit3A_1283 = arith.constant 128 : i32
    %broadcast_in_dim3A_1284 = vector.broadcast %jit3A_1283 : i32 to vector<40x128xi32>
    %select_n3A_1285 = arith.select %eq3A_1282, %iota3A, %broadcast_in_dim3A_1284 : vector<40x128xi1>, vector<40x128xi32>
    %reduce_min3A_1286 = arith.constant dense<2147483647> : vector<40xi32>
    %reduce_min3A_1287 = vector.multi_reduction <minsi>, %select_n3A_1285, %reduce_min3A_1286 [1] : vector<40x128xi32> to vector<40xi32>
    %broadcast_in_dim3A_1288 = vector.shape_cast %reduce_min3A_1287 : vector<40xi32> to vector<40x1xi32>
    %convert_element_type3A_1289 = arith.sitofp %broadcast_in_dim3A_1288 : vector<40x1xi32> to vector<40x1xf32>
    %get3A_1290 = arith.constant 0 : index
    %get3A_1291 = arith.constant 10368 : index
    %get3A_1292 = vector.load %arg1[%get3A_1290, %get3A_1291] : memref<40x16384xf32, #tpu.memory_space<vmem>>, vector<40x128xf32>
    %add3A_1293 = arith.addf %get3A_1292, %log3A : vector<40x128xf32>
    %reduce_max3A_1294 = arith.constant dense<0xFF800000> : vector<40xf32>
    %reduce_max3A_1295 = vector.multi_reduction <maximumf>, %add3A_1293, %reduce_max3A_1294 [1] : vector<40x128xf32> to vector<40xf32>
    %broadcast_in_dim3A_1296 = vector.shape_cast %reduce_max3A_1295 : vector<40xf32> to vector<40x1xf32>
    %eq3A_1297 = vector.broadcast %broadcast_in_dim3A_1296 : vector<40x1xf32> to vector<40x128xf32>
    %eq3A_1298 = arith.cmpf oeq, %add3A_1293, %eq3A_1297 : vector<40x128xf32>
    %jit3A_1299 = arith.constant 128 : i32
    %broadcast_in_dim3A_1300 = vector.broadcast %jit3A_1299 : i32 to vector<40x128xi32>
    %select_n3A_1301 = arith.select %eq3A_1298, %iota3A, %broadcast_in_dim3A_1300 : vector<40x128xi1>, vector<40x128xi32>
    %reduce_min3A_1302 = arith.constant dense<2147483647> : vector<40xi32>
    %reduce_min3A_1303 = vector.multi_reduction <minsi>, %select_n3A_1301, %reduce_min3A_1302 [1] : vector<40x128xi32> to vector<40xi32>
    %broadcast_in_dim3A_1304 = vector.shape_cast %reduce_min3A_1303 : vector<40xi32> to vector<40x1xi32>
    %convert_element_type3A_1305 = arith.sitofp %broadcast_in_dim3A_1304 : vector<40x1xi32> to vector<40x1xf32>
    %get3A_1306 = arith.constant 0 : index
    %get3A_1307 = arith.constant 10496 : index
    %get3A_1308 = vector.load %arg1[%get3A_1306, %get3A_1307] : memref<40x16384xf32, #tpu.memory_space<vmem>>, vector<40x128xf32>
    %add3A_1309 = arith.addf %get3A_1308, %log3A : vector<40x128xf32>
    %reduce_max3A_1310 = arith.constant dense<0xFF800000> : vector<40xf32>
    %reduce_max3A_1311 = vector.multi_reduction <maximumf>, %add3A_1309, %reduce_max3A_1310 [1] : vector<40x128xf32> to vector<40xf32>
    %broadcast_in_dim3A_1312 = vector.shape_cast %reduce_max3A_1311 : vector<40xf32> to vector<40x1xf32>
    %eq3A_1313 = vector.broadcast %broadcast_in_dim3A_1312 : vector<40x1xf32> to vector<40x128xf32>
    %eq3A_1314 = arith.cmpf oeq, %add3A_1309, %eq3A_1313 : vector<40x128xf32>
    %jit3A_1315 = arith.constant 128 : i32
    %broadcast_in_dim3A_1316 = vector.broadcast %jit3A_1315 : i32 to vector<40x128xi32>
    %select_n3A_1317 = arith.select %eq3A_1314, %iota3A, %broadcast_in_dim3A_1316 : vector<40x128xi1>, vector<40x128xi32>
    %reduce_min3A_1318 = arith.constant dense<2147483647> : vector<40xi32>
    %reduce_min3A_1319 = vector.multi_reduction <minsi>, %select_n3A_1317, %reduce_min3A_1318 [1] : vector<40x128xi32> to vector<40xi32>
    %broadcast_in_dim3A_1320 = vector.shape_cast %reduce_min3A_1319 : vector<40xi32> to vector<40x1xi32>
    %convert_element_type3A_1321 = arith.sitofp %broadcast_in_dim3A_1320 : vector<40x1xi32> to vector<40x1xf32>
    %get3A_1322 = arith.constant 0 : index
    %get3A_1323 = arith.constant 10624 : index
    %get3A_1324 = vector.load %arg1[%get3A_1322, %get3A_1323] : memref<40x16384xf32, #tpu.memory_space<vmem>>, vector<40x128xf32>
    %add3A_1325 = arith.addf %get3A_1324, %log3A : vector<40x128xf32>
    %reduce_max3A_1326 = arith.constant dense<0xFF800000> : vector<40xf32>
    %reduce_max3A_1327 = vector.multi_reduction <maximumf>, %add3A_1325, %reduce_max3A_1326 [1] : vector<40x128xf32> to vector<40xf32>
    %broadcast_in_dim3A_1328 = vector.shape_cast %reduce_max3A_1327 : vector<40xf32> to vector<40x1xf32>
    %eq3A_1329 = vector.broadcast %broadcast_in_dim3A_1328 : vector<40x1xf32> to vector<40x128xf32>
    %eq3A_1330 = arith.cmpf oeq, %add3A_1325, %eq3A_1329 : vector<40x128xf32>
    %jit3A_1331 = arith.constant 128 : i32
    %broadcast_in_dim3A_1332 = vector.broadcast %jit3A_1331 : i32 to vector<40x128xi32>
    %select_n3A_1333 = arith.select %eq3A_1330, %iota3A, %broadcast_in_dim3A_1332 : vector<40x128xi1>, vector<40x128xi32>
    %reduce_min3A_1334 = arith.constant dense<2147483647> : vector<40xi32>
    %reduce_min3A_1335 = vector.multi_reduction <minsi>, %select_n3A_1333, %reduce_min3A_1334 [1] : vector<40x128xi32> to vector<40xi32>
    %broadcast_in_dim3A_1336 = vector.shape_cast %reduce_min3A_1335 : vector<40xi32> to vector<40x1xi32>
    %convert_element_type3A_1337 = arith.sitofp %broadcast_in_dim3A_1336 : vector<40x1xi32> to vector<40x1xf32>
    %get3A_1338 = arith.constant 0 : index
    %get3A_1339 = arith.constant 10752 : index
    %get3A_1340 = vector.load %arg1[%get3A_1338, %get3A_1339] : memref<40x16384xf32, #tpu.memory_space<vmem>>, vector<40x128xf32>
    %add3A_1341 = arith.addf %get3A_1340, %log3A : vector<40x128xf32>
    %reduce_max3A_1342 = arith.constant dense<0xFF800000> : vector<40xf32>
    %reduce_max3A_1343 = vector.multi_reduction <maximumf>, %add3A_1341, %reduce_max3A_1342 [1] : vector<40x128xf32> to vector<40xf32>
    %broadcast_in_dim3A_1344 = vector.shape_cast %reduce_max3A_1343 : vector<40xf32> to vector<40x1xf32>
    %eq3A_1345 = vector.broadcast %broadcast_in_dim3A_1344 : vector<40x1xf32> to vector<40x128xf32>
    %eq3A_1346 = arith.cmpf oeq, %add3A_1341, %eq3A_1345 : vector<40x128xf32>
    %jit3A_1347 = arith.constant 128 : i32
    %broadcast_in_dim3A_1348 = vector.broadcast %jit3A_1347 : i32 to vector<40x128xi32>
    %select_n3A_1349 = arith.select %eq3A_1346, %iota3A, %broadcast_in_dim3A_1348 : vector<40x128xi1>, vector<40x128xi32>
    %reduce_min3A_1350 = arith.constant dense<2147483647> : vector<40xi32>
    %reduce_min3A_1351 = vector.multi_reduction <minsi>, %select_n3A_1349, %reduce_min3A_1350 [1] : vector<40x128xi32> to vector<40xi32>
    %broadcast_in_dim3A_1352 = vector.shape_cast %reduce_min3A_1351 : vector<40xi32> to vector<40x1xi32>
    %convert_element_type3A_1353 = arith.sitofp %broadcast_in_dim3A_1352 : vector<40x1xi32> to vector<40x1xf32>
    %get3A_1354 = arith.constant 0 : index
    %get3A_1355 = arith.constant 10880 : index
    %get3A_1356 = vector.load %arg1[%get3A_1354, %get3A_1355] : memref<40x16384xf32, #tpu.memory_space<vmem>>, vector<40x128xf32>
    %add3A_1357 = arith.addf %get3A_1356, %log3A : vector<40x128xf32>
    %reduce_max3A_1358 = arith.constant dense<0xFF800000> : vector<40xf32>
    %reduce_max3A_1359 = vector.multi_reduction <maximumf>, %add3A_1357, %reduce_max3A_1358 [1] : vector<40x128xf32> to vector<40xf32>
    %broadcast_in_dim3A_1360 = vector.shape_cast %reduce_max3A_1359 : vector<40xf32> to vector<40x1xf32>
    %eq3A_1361 = vector.broadcast %broadcast_in_dim3A_1360 : vector<40x1xf32> to vector<40x128xf32>
    %eq3A_1362 = arith.cmpf oeq, %add3A_1357, %eq3A_1361 : vector<40x128xf32>
    %jit3A_1363 = arith.constant 128 : i32
    %broadcast_in_dim3A_1364 = vector.broadcast %jit3A_1363 : i32 to vector<40x128xi32>
    %select_n3A_1365 = arith.select %eq3A_1362, %iota3A, %broadcast_in_dim3A_1364 : vector<40x128xi1>, vector<40x128xi32>
    %reduce_min3A_1366 = arith.constant dense<2147483647> : vector<40xi32>
    %reduce_min3A_1367 = vector.multi_reduction <minsi>, %select_n3A_1365, %reduce_min3A_1366 [1] : vector<40x128xi32> to vector<40xi32>
    %broadcast_in_dim3A_1368 = vector.shape_cast %reduce_min3A_1367 : vector<40xi32> to vector<40x1xi32>
    %convert_element_type3A_1369 = arith.sitofp %broadcast_in_dim3A_1368 : vector<40x1xi32> to vector<40x1xf32>
    %get3A_1370 = arith.constant 0 : index
    %get3A_1371 = arith.constant 11008 : index
    %get3A_1372 = vector.load %arg1[%get3A_1370, %get3A_1371] : memref<40x16384xf32, #tpu.memory_space<vmem>>, vector<40x128xf32>
    %add3A_1373 = arith.addf %get3A_1372, %log3A : vector<40x128xf32>
    %reduce_max3A_1374 = arith.constant dense<0xFF800000> : vector<40xf32>
    %reduce_max3A_1375 = vector.multi_reduction <maximumf>, %add3A_1373, %reduce_max3A_1374 [1] : vector<40x128xf32> to vector<40xf32>
    %broadcast_in_dim3A_1376 = vector.shape_cast %reduce_max3A_1375 : vector<40xf32> to vector<40x1xf32>
    %eq3A_1377 = vector.broadcast %broadcast_in_dim3A_1376 : vector<40x1xf32> to vector<40x128xf32>
    %eq3A_1378 = arith.cmpf oeq, %add3A_1373, %eq3A_1377 : vector<40x128xf32>
    %jit3A_1379 = arith.constant 128 : i32
    %broadcast_in_dim3A_1380 = vector.broadcast %jit3A_1379 : i32 to vector<40x128xi32>
    %select_n3A_1381 = arith.select %eq3A_1378, %iota3A, %broadcast_in_dim3A_1380 : vector<40x128xi1>, vector<40x128xi32>
    %reduce_min3A_1382 = arith.constant dense<2147483647> : vector<40xi32>
    %reduce_min3A_1383 = vector.multi_reduction <minsi>, %select_n3A_1381, %reduce_min3A_1382 [1] : vector<40x128xi32> to vector<40xi32>
    %broadcast_in_dim3A_1384 = vector.shape_cast %reduce_min3A_1383 : vector<40xi32> to vector<40x1xi32>
    %convert_element_type3A_1385 = arith.sitofp %broadcast_in_dim3A_1384 : vector<40x1xi32> to vector<40x1xf32>
    %get3A_1386 = arith.constant 0 : index
    %get3A_1387 = arith.constant 11136 : index
    %get3A_1388 = vector.load %arg1[%get3A_1386, %get3A_1387] : memref<40x16384xf32, #tpu.memory_space<vmem>>, vector<40x128xf32>
    %add3A_1389 = arith.addf %get3A_1388, %log3A : vector<40x128xf32>
    %reduce_max3A_1390 = arith.constant dense<0xFF800000> : vector<40xf32>
    %reduce_max3A_1391 = vector.multi_reduction <maximumf>, %add3A_1389, %reduce_max3A_1390 [1] : vector<40x128xf32> to vector<40xf32>
    %broadcast_in_dim3A_1392 = vector.shape_cast %reduce_max3A_1391 : vector<40xf32> to vector<40x1xf32>
    %eq3A_1393 = vector.broadcast %broadcast_in_dim3A_1392 : vector<40x1xf32> to vector<40x128xf32>
    %eq3A_1394 = arith.cmpf oeq, %add3A_1389, %eq3A_1393 : vector<40x128xf32>
    %jit3A_1395 = arith.constant 128 : i32
    %broadcast_in_dim3A_1396 = vector.broadcast %jit3A_1395 : i32 to vector<40x128xi32>
    %select_n3A_1397 = arith.select %eq3A_1394, %iota3A, %broadcast_in_dim3A_1396 : vector<40x128xi1>, vector<40x128xi32>
    %reduce_min3A_1398 = arith.constant dense<2147483647> : vector<40xi32>
    %reduce_min3A_1399 = vector.multi_reduction <minsi>, %select_n3A_1397, %reduce_min3A_1398 [1] : vector<40x128xi32> to vector<40xi32>
    %broadcast_in_dim3A_1400 = vector.shape_cast %reduce_min3A_1399 : vector<40xi32> to vector<40x1xi32>
    %convert_element_type3A_1401 = arith.sitofp %broadcast_in_dim3A_1400 : vector<40x1xi32> to vector<40x1xf32>
    %get3A_1402 = arith.constant 0 : index
    %get3A_1403 = arith.constant 11264 : index
    %get3A_1404 = vector.load %arg1[%get3A_1402, %get3A_1403] : memref<40x16384xf32, #tpu.memory_space<vmem>>, vector<40x128xf32>
    %add3A_1405 = arith.addf %get3A_1404, %log3A : vector<40x128xf32>
    %reduce_max3A_1406 = arith.constant dense<0xFF800000> : vector<40xf32>
    %reduce_max3A_1407 = vector.multi_reduction <maximumf>, %add3A_1405, %reduce_max3A_1406 [1] : vector<40x128xf32> to vector<40xf32>
    %broadcast_in_dim3A_1408 = vector.shape_cast %reduce_max3A_1407 : vector<40xf32> to vector<40x1xf32>
    %eq3A_1409 = vector.broadcast %broadcast_in_dim3A_1408 : vector<40x1xf32> to vector<40x128xf32>
    %eq3A_1410 = arith.cmpf oeq, %add3A_1405, %eq3A_1409 : vector<40x128xf32>
    %jit3A_1411 = arith.constant 128 : i32
    %broadcast_in_dim3A_1412 = vector.broadcast %jit3A_1411 : i32 to vector<40x128xi32>
    %select_n3A_1413 = arith.select %eq3A_1410, %iota3A, %broadcast_in_dim3A_1412 : vector<40x128xi1>, vector<40x128xi32>
    %reduce_min3A_1414 = arith.constant dense<2147483647> : vector<40xi32>
    %reduce_min3A_1415 = vector.multi_reduction <minsi>, %select_n3A_1413, %reduce_min3A_1414 [1] : vector<40x128xi32> to vector<40xi32>
    %broadcast_in_dim3A_1416 = vector.shape_cast %reduce_min3A_1415 : vector<40xi32> to vector<40x1xi32>
    %convert_element_type3A_1417 = arith.sitofp %broadcast_in_dim3A_1416 : vector<40x1xi32> to vector<40x1xf32>
    %get3A_1418 = arith.constant 0 : index
    %get3A_1419 = arith.constant 11392 : index
    %get3A_1420 = vector.load %arg1[%get3A_1418, %get3A_1419] : memref<40x16384xf32, #tpu.memory_space<vmem>>, vector<40x128xf32>
    %add3A_1421 = arith.addf %get3A_1420, %log3A : vector<40x128xf32>
    %reduce_max3A_1422 = arith.constant dense<0xFF800000> : vector<40xf32>
    %reduce_max3A_1423 = vector.multi_reduction <maximumf>, %add3A_1421, %reduce_max3A_1422 [1] : vector<40x128xf32> to vector<40xf32>
    %broadcast_in_dim3A_1424 = vector.shape_cast %reduce_max3A_1423 : vector<40xf32> to vector<40x1xf32>
    %eq3A_1425 = vector.broadcast %broadcast_in_dim3A_1424 : vector<40x1xf32> to vector<40x128xf32>
    %eq3A_1426 = arith.cmpf oeq, %add3A_1421, %eq3A_1425 : vector<40x128xf32>
    %jit3A_1427 = arith.constant 128 : i32
    %broadcast_in_dim3A_1428 = vector.broadcast %jit3A_1427 : i32 to vector<40x128xi32>
    %select_n3A_1429 = arith.select %eq3A_1426, %iota3A, %broadcast_in_dim3A_1428 : vector<40x128xi1>, vector<40x128xi32>
    %reduce_min3A_1430 = arith.constant dense<2147483647> : vector<40xi32>
    %reduce_min3A_1431 = vector.multi_reduction <minsi>, %select_n3A_1429, %reduce_min3A_1430 [1] : vector<40x128xi32> to vector<40xi32>
    %broadcast_in_dim3A_1432 = vector.shape_cast %reduce_min3A_1431 : vector<40xi32> to vector<40x1xi32>
    %convert_element_type3A_1433 = arith.sitofp %broadcast_in_dim3A_1432 : vector<40x1xi32> to vector<40x1xf32>
    %get3A_1434 = arith.constant 0 : index
    %get3A_1435 = arith.constant 11520 : index
    %get3A_1436 = vector.load %arg1[%get3A_1434, %get3A_1435] : memref<40x16384xf32, #tpu.memory_space<vmem>>, vector<40x128xf32>
    %add3A_1437 = arith.addf %get3A_1436, %log3A : vector<40x128xf32>
    %reduce_max3A_1438 = arith.constant dense<0xFF800000> : vector<40xf32>
    %reduce_max3A_1439 = vector.multi_reduction <maximumf>, %add3A_1437, %reduce_max3A_1438 [1] : vector<40x128xf32> to vector<40xf32>
    %broadcast_in_dim3A_1440 = vector.shape_cast %reduce_max3A_1439 : vector<40xf32> to vector<40x1xf32>
    %eq3A_1441 = vector.broadcast %broadcast_in_dim3A_1440 : vector<40x1xf32> to vector<40x128xf32>
    %eq3A_1442 = arith.cmpf oeq, %add3A_1437, %eq3A_1441 : vector<40x128xf32>
    %jit3A_1443 = arith.constant 128 : i32
    %broadcast_in_dim3A_1444 = vector.broadcast %jit3A_1443 : i32 to vector<40x128xi32>
    %select_n3A_1445 = arith.select %eq3A_1442, %iota3A, %broadcast_in_dim3A_1444 : vector<40x128xi1>, vector<40x128xi32>
    %reduce_min3A_1446 = arith.constant dense<2147483647> : vector<40xi32>
    %reduce_min3A_1447 = vector.multi_reduction <minsi>, %select_n3A_1445, %reduce_min3A_1446 [1] : vector<40x128xi32> to vector<40xi32>
    %broadcast_in_dim3A_1448 = vector.shape_cast %reduce_min3A_1447 : vector<40xi32> to vector<40x1xi32>
    %convert_element_type3A_1449 = arith.sitofp %broadcast_in_dim3A_1448 : vector<40x1xi32> to vector<40x1xf32>
    %get3A_1450 = arith.constant 0 : index
    %get3A_1451 = arith.constant 11648 : index
    %get3A_1452 = vector.load %arg1[%get3A_1450, %get3A_1451] : memref<40x16384xf32, #tpu.memory_space<vmem>>, vector<40x128xf32>
    %add3A_1453 = arith.addf %get3A_1452, %log3A : vector<40x128xf32>
    %reduce_max3A_1454 = arith.constant dense<0xFF800000> : vector<40xf32>
    %reduce_max3A_1455 = vector.multi_reduction <maximumf>, %add3A_1453, %reduce_max3A_1454 [1] : vector<40x128xf32> to vector<40xf32>
    %broadcast_in_dim3A_1456 = vector.shape_cast %reduce_max3A_1455 : vector<40xf32> to vector<40x1xf32>
    %eq3A_1457 = vector.broadcast %broadcast_in_dim3A_1456 : vector<40x1xf32> to vector<40x128xf32>
    %eq3A_1458 = arith.cmpf oeq, %add3A_1453, %eq3A_1457 : vector<40x128xf32>
    %jit3A_1459 = arith.constant 128 : i32
    %broadcast_in_dim3A_1460 = vector.broadcast %jit3A_1459 : i32 to vector<40x128xi32>
    %select_n3A_1461 = arith.select %eq3A_1458, %iota3A, %broadcast_in_dim3A_1460 : vector<40x128xi1>, vector<40x128xi32>
    %reduce_min3A_1462 = arith.constant dense<2147483647> : vector<40xi32>
    %reduce_min3A_1463 = vector.multi_reduction <minsi>, %select_n3A_1461, %reduce_min3A_1462 [1] : vector<40x128xi32> to vector<40xi32>
    %broadcast_in_dim3A_1464 = vector.shape_cast %reduce_min3A_1463 : vector<40xi32> to vector<40x1xi32>
    %convert_element_type3A_1465 = arith.sitofp %broadcast_in_dim3A_1464 : vector<40x1xi32> to vector<40x1xf32>
    %get3A_1466 = arith.constant 0 : index
    %get3A_1467 = arith.constant 11776 : index
    %get3A_1468 = vector.load %arg1[%get3A_1466, %get3A_1467] : memref<40x16384xf32, #tpu.memory_space<vmem>>, vector<40x128xf32>
    %add3A_1469 = arith.addf %get3A_1468, %log3A : vector<40x128xf32>
    %reduce_max3A_1470 = arith.constant dense<0xFF800000> : vector<40xf32>
    %reduce_max3A_1471 = vector.multi_reduction <maximumf>, %add3A_1469, %reduce_max3A_1470 [1] : vector<40x128xf32> to vector<40xf32>
    %broadcast_in_dim3A_1472 = vector.shape_cast %reduce_max3A_1471 : vector<40xf32> to vector<40x1xf32>
    %eq3A_1473 = vector.broadcast %broadcast_in_dim3A_1472 : vector<40x1xf32> to vector<40x128xf32>
    %eq3A_1474 = arith.cmpf oeq, %add3A_1469, %eq3A_1473 : vector<40x128xf32>
    %jit3A_1475 = arith.constant 128 : i32
    %broadcast_in_dim3A_1476 = vector.broadcast %jit3A_1475 : i32 to vector<40x128xi32>
    %select_n3A_1477 = arith.select %eq3A_1474, %iota3A, %broadcast_in_dim3A_1476 : vector<40x128xi1>, vector<40x128xi32>
    %reduce_min3A_1478 = arith.constant dense<2147483647> : vector<40xi32>
    %reduce_min3A_1479 = vector.multi_reduction <minsi>, %select_n3A_1477, %reduce_min3A_1478 [1] : vector<40x128xi32> to vector<40xi32>
    %broadcast_in_dim3A_1480 = vector.shape_cast %reduce_min3A_1479 : vector<40xi32> to vector<40x1xi32>
    %convert_element_type3A_1481 = arith.sitofp %broadcast_in_dim3A_1480 : vector<40x1xi32> to vector<40x1xf32>
    %get3A_1482 = arith.constant 0 : index
    %get3A_1483 = arith.constant 11904 : index
    %get3A_1484 = vector.load %arg1[%get3A_1482, %get3A_1483] : memref<40x16384xf32, #tpu.memory_space<vmem>>, vector<40x128xf32>
    %add3A_1485 = arith.addf %get3A_1484, %log3A : vector<40x128xf32>
    %reduce_max3A_1486 = arith.constant dense<0xFF800000> : vector<40xf32>
    %reduce_max3A_1487 = vector.multi_reduction <maximumf>, %add3A_1485, %reduce_max3A_1486 [1] : vector<40x128xf32> to vector<40xf32>
    %broadcast_in_dim3A_1488 = vector.shape_cast %reduce_max3A_1487 : vector<40xf32> to vector<40x1xf32>
    %eq3A_1489 = vector.broadcast %broadcast_in_dim3A_1488 : vector<40x1xf32> to vector<40x128xf32>
    %eq3A_1490 = arith.cmpf oeq, %add3A_1485, %eq3A_1489 : vector<40x128xf32>
    %jit3A_1491 = arith.constant 128 : i32
    %broadcast_in_dim3A_1492 = vector.broadcast %jit3A_1491 : i32 to vector<40x128xi32>
    %select_n3A_1493 = arith.select %eq3A_1490, %iota3A, %broadcast_in_dim3A_1492 : vector<40x128xi1>, vector<40x128xi32>
    %reduce_min3A_1494 = arith.constant dense<2147483647> : vector<40xi32>
    %reduce_min3A_1495 = vector.multi_reduction <minsi>, %select_n3A_1493, %reduce_min3A_1494 [1] : vector<40x128xi32> to vector<40xi32>
    %broadcast_in_dim3A_1496 = vector.shape_cast %reduce_min3A_1495 : vector<40xi32> to vector<40x1xi32>
    %convert_element_type3A_1497 = arith.sitofp %broadcast_in_dim3A_1496 : vector<40x1xi32> to vector<40x1xf32>
    %get3A_1498 = arith.constant 0 : index
    %get3A_1499 = arith.constant 12032 : index
    %get3A_1500 = vector.load %arg1[%get3A_1498, %get3A_1499] : memref<40x16384xf32, #tpu.memory_space<vmem>>, vector<40x128xf32>
    %add3A_1501 = arith.addf %get3A_1500, %log3A : vector<40x128xf32>
    %reduce_max3A_1502 = arith.constant dense<0xFF800000> : vector<40xf32>
    %reduce_max3A_1503 = vector.multi_reduction <maximumf>, %add3A_1501, %reduce_max3A_1502 [1] : vector<40x128xf32> to vector<40xf32>
    %broadcast_in_dim3A_1504 = vector.shape_cast %reduce_max3A_1503 : vector<40xf32> to vector<40x1xf32>
    %eq3A_1505 = vector.broadcast %broadcast_in_dim3A_1504 : vector<40x1xf32> to vector<40x128xf32>
    %eq3A_1506 = arith.cmpf oeq, %add3A_1501, %eq3A_1505 : vector<40x128xf32>
    %jit3A_1507 = arith.constant 128 : i32
    %broadcast_in_dim3A_1508 = vector.broadcast %jit3A_1507 : i32 to vector<40x128xi32>
    %select_n3A_1509 = arith.select %eq3A_1506, %iota3A, %broadcast_in_dim3A_1508 : vector<40x128xi1>, vector<40x128xi32>
    %reduce_min3A_1510 = arith.constant dense<2147483647> : vector<40xi32>
    %reduce_min3A_1511 = vector.multi_reduction <minsi>, %select_n3A_1509, %reduce_min3A_1510 [1] : vector<40x128xi32> to vector<40xi32>
    %broadcast_in_dim3A_1512 = vector.shape_cast %reduce_min3A_1511 : vector<40xi32> to vector<40x1xi32>
    %convert_element_type3A_1513 = arith.sitofp %broadcast_in_dim3A_1512 : vector<40x1xi32> to vector<40x1xf32>
    %get3A_1514 = arith.constant 0 : index
    %get3A_1515 = arith.constant 12160 : index
    %get3A_1516 = vector.load %arg1[%get3A_1514, %get3A_1515] : memref<40x16384xf32, #tpu.memory_space<vmem>>, vector<40x128xf32>
    %add3A_1517 = arith.addf %get3A_1516, %log3A : vector<40x128xf32>
    %reduce_max3A_1518 = arith.constant dense<0xFF800000> : vector<40xf32>
    %reduce_max3A_1519 = vector.multi_reduction <maximumf>, %add3A_1517, %reduce_max3A_1518 [1] : vector<40x128xf32> to vector<40xf32>
    %broadcast_in_dim3A_1520 = vector.shape_cast %reduce_max3A_1519 : vector<40xf32> to vector<40x1xf32>
    %eq3A_1521 = vector.broadcast %broadcast_in_dim3A_1520 : vector<40x1xf32> to vector<40x128xf32>
    %eq3A_1522 = arith.cmpf oeq, %add3A_1517, %eq3A_1521 : vector<40x128xf32>
    %jit3A_1523 = arith.constant 128 : i32
    %broadcast_in_dim3A_1524 = vector.broadcast %jit3A_1523 : i32 to vector<40x128xi32>
    %select_n3A_1525 = arith.select %eq3A_1522, %iota3A, %broadcast_in_dim3A_1524 : vector<40x128xi1>, vector<40x128xi32>
    %reduce_min3A_1526 = arith.constant dense<2147483647> : vector<40xi32>
    %reduce_min3A_1527 = vector.multi_reduction <minsi>, %select_n3A_1525, %reduce_min3A_1526 [1] : vector<40x128xi32> to vector<40xi32>
    %broadcast_in_dim3A_1528 = vector.shape_cast %reduce_min3A_1527 : vector<40xi32> to vector<40x1xi32>
    %convert_element_type3A_1529 = arith.sitofp %broadcast_in_dim3A_1528 : vector<40x1xi32> to vector<40x1xf32>
    %get3A_1530 = arith.constant 0 : index
    %get3A_1531 = arith.constant 12288 : index
    %get3A_1532 = vector.load %arg1[%get3A_1530, %get3A_1531] : memref<40x16384xf32, #tpu.memory_space<vmem>>, vector<40x128xf32>
    %add3A_1533 = arith.addf %get3A_1532, %log3A : vector<40x128xf32>
    %reduce_max3A_1534 = arith.constant dense<0xFF800000> : vector<40xf32>
    %reduce_max3A_1535 = vector.multi_reduction <maximumf>, %add3A_1533, %reduce_max3A_1534 [1] : vector<40x128xf32> to vector<40xf32>
    %broadcast_in_dim3A_1536 = vector.shape_cast %reduce_max3A_1535 : vector<40xf32> to vector<40x1xf32>
    %eq3A_1537 = vector.broadcast %broadcast_in_dim3A_1536 : vector<40x1xf32> to vector<40x128xf32>
    %eq3A_1538 = arith.cmpf oeq, %add3A_1533, %eq3A_1537 : vector<40x128xf32>
    %jit3A_1539 = arith.constant 128 : i32
    %broadcast_in_dim3A_1540 = vector.broadcast %jit3A_1539 : i32 to vector<40x128xi32>
    %select_n3A_1541 = arith.select %eq3A_1538, %iota3A, %broadcast_in_dim3A_1540 : vector<40x128xi1>, vector<40x128xi32>
    %reduce_min3A_1542 = arith.constant dense<2147483647> : vector<40xi32>
    %reduce_min3A_1543 = vector.multi_reduction <minsi>, %select_n3A_1541, %reduce_min3A_1542 [1] : vector<40x128xi32> to vector<40xi32>
    %broadcast_in_dim3A_1544 = vector.shape_cast %reduce_min3A_1543 : vector<40xi32> to vector<40x1xi32>
    %convert_element_type3A_1545 = arith.sitofp %broadcast_in_dim3A_1544 : vector<40x1xi32> to vector<40x1xf32>
    %get3A_1546 = arith.constant 0 : index
    %get3A_1547 = arith.constant 12416 : index
    %get3A_1548 = vector.load %arg1[%get3A_1546, %get3A_1547] : memref<40x16384xf32, #tpu.memory_space<vmem>>, vector<40x128xf32>
    %add3A_1549 = arith.addf %get3A_1548, %log3A : vector<40x128xf32>
    %reduce_max3A_1550 = arith.constant dense<0xFF800000> : vector<40xf32>
    %reduce_max3A_1551 = vector.multi_reduction <maximumf>, %add3A_1549, %reduce_max3A_1550 [1] : vector<40x128xf32> to vector<40xf32>
    %broadcast_in_dim3A_1552 = vector.shape_cast %reduce_max3A_1551 : vector<40xf32> to vector<40x1xf32>
    %eq3A_1553 = vector.broadcast %broadcast_in_dim3A_1552 : vector<40x1xf32> to vector<40x128xf32>
    %eq3A_1554 = arith.cmpf oeq, %add3A_1549, %eq3A_1553 : vector<40x128xf32>
    %jit3A_1555 = arith.constant 128 : i32
    %broadcast_in_dim3A_1556 = vector.broadcast %jit3A_1555 : i32 to vector<40x128xi32>
    %select_n3A_1557 = arith.select %eq3A_1554, %iota3A, %broadcast_in_dim3A_1556 : vector<40x128xi1>, vector<40x128xi32>
    %reduce_min3A_1558 = arith.constant dense<2147483647> : vector<40xi32>
    %reduce_min3A_1559 = vector.multi_reduction <minsi>, %select_n3A_1557, %reduce_min3A_1558 [1] : vector<40x128xi32> to vector<40xi32>
    %broadcast_in_dim3A_1560 = vector.shape_cast %reduce_min3A_1559 : vector<40xi32> to vector<40x1xi32>
    %convert_element_type3A_1561 = arith.sitofp %broadcast_in_dim3A_1560 : vector<40x1xi32> to vector<40x1xf32>
    %get3A_1562 = arith.constant 0 : index
    %get3A_1563 = arith.constant 12544 : index
    %get3A_1564 = vector.load %arg1[%get3A_1562, %get3A_1563] : memref<40x16384xf32, #tpu.memory_space<vmem>>, vector<40x128xf32>
    %add3A_1565 = arith.addf %get3A_1564, %log3A : vector<40x128xf32>
    %reduce_max3A_1566 = arith.constant dense<0xFF800000> : vector<40xf32>
    %reduce_max3A_1567 = vector.multi_reduction <maximumf>, %add3A_1565, %reduce_max3A_1566 [1] : vector<40x128xf32> to vector<40xf32>
    %broadcast_in_dim3A_1568 = vector.shape_cast %reduce_max3A_1567 : vector<40xf32> to vector<40x1xf32>
    %eq3A_1569 = vector.broadcast %broadcast_in_dim3A_1568 : vector<40x1xf32> to vector<40x128xf32>
    %eq3A_1570 = arith.cmpf oeq, %add3A_1565, %eq3A_1569 : vector<40x128xf32>
    %jit3A_1571 = arith.constant 128 : i32
    %broadcast_in_dim3A_1572 = vector.broadcast %jit3A_1571 : i32 to vector<40x128xi32>
    %select_n3A_1573 = arith.select %eq3A_1570, %iota3A, %broadcast_in_dim3A_1572 : vector<40x128xi1>, vector<40x128xi32>
    %reduce_min3A_1574 = arith.constant dense<2147483647> : vector<40xi32>
    %reduce_min3A_1575 = vector.multi_reduction <minsi>, %select_n3A_1573, %reduce_min3A_1574 [1] : vector<40x128xi32> to vector<40xi32>
    %broadcast_in_dim3A_1576 = vector.shape_cast %reduce_min3A_1575 : vector<40xi32> to vector<40x1xi32>
    %convert_element_type3A_1577 = arith.sitofp %broadcast_in_dim3A_1576 : vector<40x1xi32> to vector<40x1xf32>
    %get3A_1578 = arith.constant 0 : index
    %get3A_1579 = arith.constant 12672 : index
    %get3A_1580 = vector.load %arg1[%get3A_1578, %get3A_1579] : memref<40x16384xf32, #tpu.memory_space<vmem>>, vector<40x128xf32>
    %add3A_1581 = arith.addf %get3A_1580, %log3A : vector<40x128xf32>
    %reduce_max3A_1582 = arith.constant dense<0xFF800000> : vector<40xf32>
    %reduce_max3A_1583 = vector.multi_reduction <maximumf>, %add3A_1581, %reduce_max3A_1582 [1] : vector<40x128xf32> to vector<40xf32>
    %broadcast_in_dim3A_1584 = vector.shape_cast %reduce_max3A_1583 : vector<40xf32> to vector<40x1xf32>
    %eq3A_1585 = vector.broadcast %broadcast_in_dim3A_1584 : vector<40x1xf32> to vector<40x128xf32>
    %eq3A_1586 = arith.cmpf oeq, %add3A_1581, %eq3A_1585 : vector<40x128xf32>
    %jit3A_1587 = arith.constant 128 : i32
    %broadcast_in_dim3A_1588 = vector.broadcast %jit3A_1587 : i32 to vector<40x128xi32>
    %select_n3A_1589 = arith.select %eq3A_1586, %iota3A, %broadcast_in_dim3A_1588 : vector<40x128xi1>, vector<40x128xi32>
    %reduce_min3A_1590 = arith.constant dense<2147483647> : vector<40xi32>
    %reduce_min3A_1591 = vector.multi_reduction <minsi>, %select_n3A_1589, %reduce_min3A_1590 [1] : vector<40x128xi32> to vector<40xi32>
    %broadcast_in_dim3A_1592 = vector.shape_cast %reduce_min3A_1591 : vector<40xi32> to vector<40x1xi32>
    %convert_element_type3A_1593 = arith.sitofp %broadcast_in_dim3A_1592 : vector<40x1xi32> to vector<40x1xf32>
    %get3A_1594 = arith.constant 0 : index
    %get3A_1595 = arith.constant 12800 : index
    %get3A_1596 = vector.load %arg1[%get3A_1594, %get3A_1595] : memref<40x16384xf32, #tpu.memory_space<vmem>>, vector<40x128xf32>
    %add3A_1597 = arith.addf %get3A_1596, %log3A : vector<40x128xf32>
    %reduce_max3A_1598 = arith.constant dense<0xFF800000> : vector<40xf32>
    %reduce_max3A_1599 = vector.multi_reduction <maximumf>, %add3A_1597, %reduce_max3A_1598 [1] : vector<40x128xf32> to vector<40xf32>
    %broadcast_in_dim3A_1600 = vector.shape_cast %reduce_max3A_1599 : vector<40xf32> to vector<40x1xf32>
    %eq3A_1601 = vector.broadcast %broadcast_in_dim3A_1600 : vector<40x1xf32> to vector<40x128xf32>
    %eq3A_1602 = arith.cmpf oeq, %add3A_1597, %eq3A_1601 : vector<40x128xf32>
    %jit3A_1603 = arith.constant 128 : i32
    %broadcast_in_dim3A_1604 = vector.broadcast %jit3A_1603 : i32 to vector<40x128xi32>
    %select_n3A_1605 = arith.select %eq3A_1602, %iota3A, %broadcast_in_dim3A_1604 : vector<40x128xi1>, vector<40x128xi32>
    %reduce_min3A_1606 = arith.constant dense<2147483647> : vector<40xi32>
    %reduce_min3A_1607 = vector.multi_reduction <minsi>, %select_n3A_1605, %reduce_min3A_1606 [1] : vector<40x128xi32> to vector<40xi32>
    %broadcast_in_dim3A_1608 = vector.shape_cast %reduce_min3A_1607 : vector<40xi32> to vector<40x1xi32>
    %convert_element_type3A_1609 = arith.sitofp %broadcast_in_dim3A_1608 : vector<40x1xi32> to vector<40x1xf32>
    %get3A_1610 = arith.constant 0 : index
    %get3A_1611 = arith.constant 12928 : index
    %get3A_1612 = vector.load %arg1[%get3A_1610, %get3A_1611] : memref<40x16384xf32, #tpu.memory_space<vmem>>, vector<40x128xf32>
    %add3A_1613 = arith.addf %get3A_1612, %log3A : vector<40x128xf32>
    %reduce_max3A_1614 = arith.constant dense<0xFF800000> : vector<40xf32>
    %reduce_max3A_1615 = vector.multi_reduction <maximumf>, %add3A_1613, %reduce_max3A_1614 [1] : vector<40x128xf32> to vector<40xf32>
    %broadcast_in_dim3A_1616 = vector.shape_cast %reduce_max3A_1615 : vector<40xf32> to vector<40x1xf32>
    %eq3A_1617 = vector.broadcast %broadcast_in_dim3A_1616 : vector<40x1xf32> to vector<40x128xf32>
    %eq3A_1618 = arith.cmpf oeq, %add3A_1613, %eq3A_1617 : vector<40x128xf32>
    %jit3A_1619 = arith.constant 128 : i32
    %broadcast_in_dim3A_1620 = vector.broadcast %jit3A_1619 : i32 to vector<40x128xi32>
    %select_n3A_1621 = arith.select %eq3A_1618, %iota3A, %broadcast_in_dim3A_1620 : vector<40x128xi1>, vector<40x128xi32>
    %reduce_min3A_1622 = arith.constant dense<2147483647> : vector<40xi32>
    %reduce_min3A_1623 = vector.multi_reduction <minsi>, %select_n3A_1621, %reduce_min3A_1622 [1] : vector<40x128xi32> to vector<40xi32>
    %broadcast_in_dim3A_1624 = vector.shape_cast %reduce_min3A_1623 : vector<40xi32> to vector<40x1xi32>
    %convert_element_type3A_1625 = arith.sitofp %broadcast_in_dim3A_1624 : vector<40x1xi32> to vector<40x1xf32>
    %get3A_1626 = arith.constant 0 : index
    %get3A_1627 = arith.constant 13056 : index
    %get3A_1628 = vector.load %arg1[%get3A_1626, %get3A_1627] : memref<40x16384xf32, #tpu.memory_space<vmem>>, vector<40x128xf32>
    %add3A_1629 = arith.addf %get3A_1628, %log3A : vector<40x128xf32>
    %reduce_max3A_1630 = arith.constant dense<0xFF800000> : vector<40xf32>
    %reduce_max3A_1631 = vector.multi_reduction <maximumf>, %add3A_1629, %reduce_max3A_1630 [1] : vector<40x128xf32> to vector<40xf32>
    %broadcast_in_dim3A_1632 = vector.shape_cast %reduce_max3A_1631 : vector<40xf32> to vector<40x1xf32>
    %eq3A_1633 = vector.broadcast %broadcast_in_dim3A_1632 : vector<40x1xf32> to vector<40x128xf32>
    %eq3A_1634 = arith.cmpf oeq, %add3A_1629, %eq3A_1633 : vector<40x128xf32>
    %jit3A_1635 = arith.constant 128 : i32
    %broadcast_in_dim3A_1636 = vector.broadcast %jit3A_1635 : i32 to vector<40x128xi32>
    %select_n3A_1637 = arith.select %eq3A_1634, %iota3A, %broadcast_in_dim3A_1636 : vector<40x128xi1>, vector<40x128xi32>
    %reduce_min3A_1638 = arith.constant dense<2147483647> : vector<40xi32>
    %reduce_min3A_1639 = vector.multi_reduction <minsi>, %select_n3A_1637, %reduce_min3A_1638 [1] : vector<40x128xi32> to vector<40xi32>
    %broadcast_in_dim3A_1640 = vector.shape_cast %reduce_min3A_1639 : vector<40xi32> to vector<40x1xi32>
    %convert_element_type3A_1641 = arith.sitofp %broadcast_in_dim3A_1640 : vector<40x1xi32> to vector<40x1xf32>
    %get3A_1642 = arith.constant 0 : index
    %get3A_1643 = arith.constant 13184 : index
    %get3A_1644 = vector.load %arg1[%get3A_1642, %get3A_1643] : memref<40x16384xf32, #tpu.memory_space<vmem>>, vector<40x128xf32>
    %add3A_1645 = arith.addf %get3A_1644, %log3A : vector<40x128xf32>
    %reduce_max3A_1646 = arith.constant dense<0xFF800000> : vector<40xf32>
    %reduce_max3A_1647 = vector.multi_reduction <maximumf>, %add3A_1645, %reduce_max3A_1646 [1] : vector<40x128xf32> to vector<40xf32>
    %broadcast_in_dim3A_1648 = vector.shape_cast %reduce_max3A_1647 : vector<40xf32> to vector<40x1xf32>
    %eq3A_1649 = vector.broadcast %broadcast_in_dim3A_1648 : vector<40x1xf32> to vector<40x128xf32>
    %eq3A_1650 = arith.cmpf oeq, %add3A_1645, %eq3A_1649 : vector<40x128xf32>
    %jit3A_1651 = arith.constant 128 : i32
    %broadcast_in_dim3A_1652 = vector.broadcast %jit3A_1651 : i32 to vector<40x128xi32>
    %select_n3A_1653 = arith.select %eq3A_1650, %iota3A, %broadcast_in_dim3A_1652 : vector<40x128xi1>, vector<40x128xi32>
    %reduce_min3A_1654 = arith.constant dense<2147483647> : vector<40xi32>
    %reduce_min3A_1655 = vector.multi_reduction <minsi>, %select_n3A_1653, %reduce_min3A_1654 [1] : vector<40x128xi32> to vector<40xi32>
    %broadcast_in_dim3A_1656 = vector.shape_cast %reduce_min3A_1655 : vector<40xi32> to vector<40x1xi32>
    %convert_element_type3A_1657 = arith.sitofp %broadcast_in_dim3A_1656 : vector<40x1xi32> to vector<40x1xf32>
    %get3A_1658 = arith.constant 0 : index
    %get3A_1659 = arith.constant 13312 : index
    %get3A_1660 = vector.load %arg1[%get3A_1658, %get3A_1659] : memref<40x16384xf32, #tpu.memory_space<vmem>>, vector<40x128xf32>
    %add3A_1661 = arith.addf %get3A_1660, %log3A : vector<40x128xf32>
    %reduce_max3A_1662 = arith.constant dense<0xFF800000> : vector<40xf32>
    %reduce_max3A_1663 = vector.multi_reduction <maximumf>, %add3A_1661, %reduce_max3A_1662 [1] : vector<40x128xf32> to vector<40xf32>
    %broadcast_in_dim3A_1664 = vector.shape_cast %reduce_max3A_1663 : vector<40xf32> to vector<40x1xf32>
    %eq3A_1665 = vector.broadcast %broadcast_in_dim3A_1664 : vector<40x1xf32> to vector<40x128xf32>
    %eq3A_1666 = arith.cmpf oeq, %add3A_1661, %eq3A_1665 : vector<40x128xf32>
    %jit3A_1667 = arith.constant 128 : i32
    %broadcast_in_dim3A_1668 = vector.broadcast %jit3A_1667 : i32 to vector<40x128xi32>
    %select_n3A_1669 = arith.select %eq3A_1666, %iota3A, %broadcast_in_dim3A_1668 : vector<40x128xi1>, vector<40x128xi32>
    %reduce_min3A_1670 = arith.constant dense<2147483647> : vector<40xi32>
    %reduce_min3A_1671 = vector.multi_reduction <minsi>, %select_n3A_1669, %reduce_min3A_1670 [1] : vector<40x128xi32> to vector<40xi32>
    %broadcast_in_dim3A_1672 = vector.shape_cast %reduce_min3A_1671 : vector<40xi32> to vector<40x1xi32>
    %convert_element_type3A_1673 = arith.sitofp %broadcast_in_dim3A_1672 : vector<40x1xi32> to vector<40x1xf32>
    %get3A_1674 = arith.constant 0 : index
    %get3A_1675 = arith.constant 13440 : index
    %get3A_1676 = vector.load %arg1[%get3A_1674, %get3A_1675] : memref<40x16384xf32, #tpu.memory_space<vmem>>, vector<40x128xf32>
    %add3A_1677 = arith.addf %get3A_1676, %log3A : vector<40x128xf32>
    %reduce_max3A_1678 = arith.constant dense<0xFF800000> : vector<40xf32>
    %reduce_max3A_1679 = vector.multi_reduction <maximumf>, %add3A_1677, %reduce_max3A_1678 [1] : vector<40x128xf32> to vector<40xf32>
    %broadcast_in_dim3A_1680 = vector.shape_cast %reduce_max3A_1679 : vector<40xf32> to vector<40x1xf32>
    %eq3A_1681 = vector.broadcast %broadcast_in_dim3A_1680 : vector<40x1xf32> to vector<40x128xf32>
    %eq3A_1682 = arith.cmpf oeq, %add3A_1677, %eq3A_1681 : vector<40x128xf32>
    %jit3A_1683 = arith.constant 128 : i32
    %broadcast_in_dim3A_1684 = vector.broadcast %jit3A_1683 : i32 to vector<40x128xi32>
    %select_n3A_1685 = arith.select %eq3A_1682, %iota3A, %broadcast_in_dim3A_1684 : vector<40x128xi1>, vector<40x128xi32>
    %reduce_min3A_1686 = arith.constant dense<2147483647> : vector<40xi32>
    %reduce_min3A_1687 = vector.multi_reduction <minsi>, %select_n3A_1685, %reduce_min3A_1686 [1] : vector<40x128xi32> to vector<40xi32>
    %broadcast_in_dim3A_1688 = vector.shape_cast %reduce_min3A_1687 : vector<40xi32> to vector<40x1xi32>
    %convert_element_type3A_1689 = arith.sitofp %broadcast_in_dim3A_1688 : vector<40x1xi32> to vector<40x1xf32>
    %get3A_1690 = arith.constant 0 : index
    %get3A_1691 = arith.constant 13568 : index
    %get3A_1692 = vector.load %arg1[%get3A_1690, %get3A_1691] : memref<40x16384xf32, #tpu.memory_space<vmem>>, vector<40x128xf32>
    %add3A_1693 = arith.addf %get3A_1692, %log3A : vector<40x128xf32>
    %reduce_max3A_1694 = arith.constant dense<0xFF800000> : vector<40xf32>
    %reduce_max3A_1695 = vector.multi_reduction <maximumf>, %add3A_1693, %reduce_max3A_1694 [1] : vector<40x128xf32> to vector<40xf32>
    %broadcast_in_dim3A_1696 = vector.shape_cast %reduce_max3A_1695 : vector<40xf32> to vector<40x1xf32>
    %eq3A_1697 = vector.broadcast %broadcast_in_dim3A_1696 : vector<40x1xf32> to vector<40x128xf32>
    %eq3A_1698 = arith.cmpf oeq, %add3A_1693, %eq3A_1697 : vector<40x128xf32>
    %jit3A_1699 = arith.constant 128 : i32
    %broadcast_in_dim3A_1700 = vector.broadcast %jit3A_1699 : i32 to vector<40x128xi32>
    %select_n3A_1701 = arith.select %eq3A_1698, %iota3A, %broadcast_in_dim3A_1700 : vector<40x128xi1>, vector<40x128xi32>
    %reduce_min3A_1702 = arith.constant dense<2147483647> : vector<40xi32>
    %reduce_min3A_1703 = vector.multi_reduction <minsi>, %select_n3A_1701, %reduce_min3A_1702 [1] : vector<40x128xi32> to vector<40xi32>
    %broadcast_in_dim3A_1704 = vector.shape_cast %reduce_min3A_1703 : vector<40xi32> to vector<40x1xi32>
    %convert_element_type3A_1705 = arith.sitofp %broadcast_in_dim3A_1704 : vector<40x1xi32> to vector<40x1xf32>
    %get3A_1706 = arith.constant 0 : index
    %get3A_1707 = arith.constant 13696 : index
    %get3A_1708 = vector.load %arg1[%get3A_1706, %get3A_1707] : memref<40x16384xf32, #tpu.memory_space<vmem>>, vector<40x128xf32>
    %add3A_1709 = arith.addf %get3A_1708, %log3A : vector<40x128xf32>
    %reduce_max3A_1710 = arith.constant dense<0xFF800000> : vector<40xf32>
    %reduce_max3A_1711 = vector.multi_reduction <maximumf>, %add3A_1709, %reduce_max3A_1710 [1] : vector<40x128xf32> to vector<40xf32>
    %broadcast_in_dim3A_1712 = vector.shape_cast %reduce_max3A_1711 : vector<40xf32> to vector<40x1xf32>
    %eq3A_1713 = vector.broadcast %broadcast_in_dim3A_1712 : vector<40x1xf32> to vector<40x128xf32>
    %eq3A_1714 = arith.cmpf oeq, %add3A_1709, %eq3A_1713 : vector<40x128xf32>
    %jit3A_1715 = arith.constant 128 : i32
    %broadcast_in_dim3A_1716 = vector.broadcast %jit3A_1715 : i32 to vector<40x128xi32>
    %select_n3A_1717 = arith.select %eq3A_1714, %iota3A, %broadcast_in_dim3A_1716 : vector<40x128xi1>, vector<40x128xi32>
    %reduce_min3A_1718 = arith.constant dense<2147483647> : vector<40xi32>
    %reduce_min3A_1719 = vector.multi_reduction <minsi>, %select_n3A_1717, %reduce_min3A_1718 [1] : vector<40x128xi32> to vector<40xi32>
    %broadcast_in_dim3A_1720 = vector.shape_cast %reduce_min3A_1719 : vector<40xi32> to vector<40x1xi32>
    %convert_element_type3A_1721 = arith.sitofp %broadcast_in_dim3A_1720 : vector<40x1xi32> to vector<40x1xf32>
    %get3A_1722 = arith.constant 0 : index
    %get3A_1723 = arith.constant 13824 : index
    %get3A_1724 = vector.load %arg1[%get3A_1722, %get3A_1723] : memref<40x16384xf32, #tpu.memory_space<vmem>>, vector<40x128xf32>
    %add3A_1725 = arith.addf %get3A_1724, %log3A : vector<40x128xf32>
    %reduce_max3A_1726 = arith.constant dense<0xFF800000> : vector<40xf32>
    %reduce_max3A_1727 = vector.multi_reduction <maximumf>, %add3A_1725, %reduce_max3A_1726 [1] : vector<40x128xf32> to vector<40xf32>
    %broadcast_in_dim3A_1728 = vector.shape_cast %reduce_max3A_1727 : vector<40xf32> to vector<40x1xf32>
    %eq3A_1729 = vector.broadcast %broadcast_in_dim3A_1728 : vector<40x1xf32> to vector<40x128xf32>
    %eq3A_1730 = arith.cmpf oeq, %add3A_1725, %eq3A_1729 : vector<40x128xf32>
    %jit3A_1731 = arith.constant 128 : i32
    %broadcast_in_dim3A_1732 = vector.broadcast %jit3A_1731 : i32 to vector<40x128xi32>
    %select_n3A_1733 = arith.select %eq3A_1730, %iota3A, %broadcast_in_dim3A_1732 : vector<40x128xi1>, vector<40x128xi32>
    %reduce_min3A_1734 = arith.constant dense<2147483647> : vector<40xi32>
    %reduce_min3A_1735 = vector.multi_reduction <minsi>, %select_n3A_1733, %reduce_min3A_1734 [1] : vector<40x128xi32> to vector<40xi32>
    %broadcast_in_dim3A_1736 = vector.shape_cast %reduce_min3A_1735 : vector<40xi32> to vector<40x1xi32>
    %convert_element_type3A_1737 = arith.sitofp %broadcast_in_dim3A_1736 : vector<40x1xi32> to vector<40x1xf32>
    %get3A_1738 = arith.constant 0 : index
    %get3A_1739 = arith.constant 13952 : index
    %get3A_1740 = vector.load %arg1[%get3A_1738, %get3A_1739] : memref<40x16384xf32, #tpu.memory_space<vmem>>, vector<40x128xf32>
    %add3A_1741 = arith.addf %get3A_1740, %log3A : vector<40x128xf32>
    %reduce_max3A_1742 = arith.constant dense<0xFF800000> : vector<40xf32>
    %reduce_max3A_1743 = vector.multi_reduction <maximumf>, %add3A_1741, %reduce_max3A_1742 [1] : vector<40x128xf32> to vector<40xf32>
    %broadcast_in_dim3A_1744 = vector.shape_cast %reduce_max3A_1743 : vector<40xf32> to vector<40x1xf32>
    %eq3A_1745 = vector.broadcast %broadcast_in_dim3A_1744 : vector<40x1xf32> to vector<40x128xf32>
    %eq3A_1746 = arith.cmpf oeq, %add3A_1741, %eq3A_1745 : vector<40x128xf32>
    %jit3A_1747 = arith.constant 128 : i32
    %broadcast_in_dim3A_1748 = vector.broadcast %jit3A_1747 : i32 to vector<40x128xi32>
    %select_n3A_1749 = arith.select %eq3A_1746, %iota3A, %broadcast_in_dim3A_1748 : vector<40x128xi1>, vector<40x128xi32>
    %reduce_min3A_1750 = arith.constant dense<2147483647> : vector<40xi32>
    %reduce_min3A_1751 = vector.multi_reduction <minsi>, %select_n3A_1749, %reduce_min3A_1750 [1] : vector<40x128xi32> to vector<40xi32>
    %broadcast_in_dim3A_1752 = vector.shape_cast %reduce_min3A_1751 : vector<40xi32> to vector<40x1xi32>
    %convert_element_type3A_1753 = arith.sitofp %broadcast_in_dim3A_1752 : vector<40x1xi32> to vector<40x1xf32>
    %get3A_1754 = arith.constant 0 : index
    %get3A_1755 = arith.constant 14080 : index
    %get3A_1756 = vector.load %arg1[%get3A_1754, %get3A_1755] : memref<40x16384xf32, #tpu.memory_space<vmem>>, vector<40x128xf32>
    %add3A_1757 = arith.addf %get3A_1756, %log3A : vector<40x128xf32>
    %reduce_max3A_1758 = arith.constant dense<0xFF800000> : vector<40xf32>
    %reduce_max3A_1759 = vector.multi_reduction <maximumf>, %add3A_1757, %reduce_max3A_1758 [1] : vector<40x128xf32> to vector<40xf32>
    %broadcast_in_dim3A_1760 = vector.shape_cast %reduce_max3A_1759 : vector<40xf32> to vector<40x1xf32>
    %eq3A_1761 = vector.broadcast %broadcast_in_dim3A_1760 : vector<40x1xf32> to vector<40x128xf32>
    %eq3A_1762 = arith.cmpf oeq, %add3A_1757, %eq3A_1761 : vector<40x128xf32>
    %jit3A_1763 = arith.constant 128 : i32
    %broadcast_in_dim3A_1764 = vector.broadcast %jit3A_1763 : i32 to vector<40x128xi32>
    %select_n3A_1765 = arith.select %eq3A_1762, %iota3A, %broadcast_in_dim3A_1764 : vector<40x128xi1>, vector<40x128xi32>
    %reduce_min3A_1766 = arith.constant dense<2147483647> : vector<40xi32>
    %reduce_min3A_1767 = vector.multi_reduction <minsi>, %select_n3A_1765, %reduce_min3A_1766 [1] : vector<40x128xi32> to vector<40xi32>
    %broadcast_in_dim3A_1768 = vector.shape_cast %reduce_min3A_1767 : vector<40xi32> to vector<40x1xi32>
    %convert_element_type3A_1769 = arith.sitofp %broadcast_in_dim3A_1768 : vector<40x1xi32> to vector<40x1xf32>
    %get3A_1770 = arith.constant 0 : index
    %get3A_1771 = arith.constant 14208 : index
    %get3A_1772 = vector.load %arg1[%get3A_1770, %get3A_1771] : memref<40x16384xf32, #tpu.memory_space<vmem>>, vector<40x128xf32>
    %add3A_1773 = arith.addf %get3A_1772, %log3A : vector<40x128xf32>
    %reduce_max3A_1774 = arith.constant dense<0xFF800000> : vector<40xf32>
    %reduce_max3A_1775 = vector.multi_reduction <maximumf>, %add3A_1773, %reduce_max3A_1774 [1] : vector<40x128xf32> to vector<40xf32>
    %broadcast_in_dim3A_1776 = vector.shape_cast %reduce_max3A_1775 : vector<40xf32> to vector<40x1xf32>
    %eq3A_1777 = vector.broadcast %broadcast_in_dim3A_1776 : vector<40x1xf32> to vector<40x128xf32>
    %eq3A_1778 = arith.cmpf oeq, %add3A_1773, %eq3A_1777 : vector<40x128xf32>
    %jit3A_1779 = arith.constant 128 : i32
    %broadcast_in_dim3A_1780 = vector.broadcast %jit3A_1779 : i32 to vector<40x128xi32>
    %select_n3A_1781 = arith.select %eq3A_1778, %iota3A, %broadcast_in_dim3A_1780 : vector<40x128xi1>, vector<40x128xi32>
    %reduce_min3A_1782 = arith.constant dense<2147483647> : vector<40xi32>
    %reduce_min3A_1783 = vector.multi_reduction <minsi>, %select_n3A_1781, %reduce_min3A_1782 [1] : vector<40x128xi32> to vector<40xi32>
    %broadcast_in_dim3A_1784 = vector.shape_cast %reduce_min3A_1783 : vector<40xi32> to vector<40x1xi32>
    %convert_element_type3A_1785 = arith.sitofp %broadcast_in_dim3A_1784 : vector<40x1xi32> to vector<40x1xf32>
    %get3A_1786 = arith.constant 0 : index
    %get3A_1787 = arith.constant 14336 : index
    %get3A_1788 = vector.load %arg1[%get3A_1786, %get3A_1787] : memref<40x16384xf32, #tpu.memory_space<vmem>>, vector<40x128xf32>
    %add3A_1789 = arith.addf %get3A_1788, %log3A : vector<40x128xf32>
    %reduce_max3A_1790 = arith.constant dense<0xFF800000> : vector<40xf32>
    %reduce_max3A_1791 = vector.multi_reduction <maximumf>, %add3A_1789, %reduce_max3A_1790 [1] : vector<40x128xf32> to vector<40xf32>
    %broadcast_in_dim3A_1792 = vector.shape_cast %reduce_max3A_1791 : vector<40xf32> to vector<40x1xf32>
    %eq3A_1793 = vector.broadcast %broadcast_in_dim3A_1792 : vector<40x1xf32> to vector<40x128xf32>
    %eq3A_1794 = arith.cmpf oeq, %add3A_1789, %eq3A_1793 : vector<40x128xf32>
    %jit3A_1795 = arith.constant 128 : i32
    %broadcast_in_dim3A_1796 = vector.broadcast %jit3A_1795 : i32 to vector<40x128xi32>
    %select_n3A_1797 = arith.select %eq3A_1794, %iota3A, %broadcast_in_dim3A_1796 : vector<40x128xi1>, vector<40x128xi32>
    %reduce_min3A_1798 = arith.constant dense<2147483647> : vector<40xi32>
    %reduce_min3A_1799 = vector.multi_reduction <minsi>, %select_n3A_1797, %reduce_min3A_1798 [1] : vector<40x128xi32> to vector<40xi32>
    %broadcast_in_dim3A_1800 = vector.shape_cast %reduce_min3A_1799 : vector<40xi32> to vector<40x1xi32>
    %convert_element_type3A_1801 = arith.sitofp %broadcast_in_dim3A_1800 : vector<40x1xi32> to vector<40x1xf32>
    %get3A_1802 = arith.constant 0 : index
    %get3A_1803 = arith.constant 14464 : index
    %get3A_1804 = vector.load %arg1[%get3A_1802, %get3A_1803] : memref<40x16384xf32, #tpu.memory_space<vmem>>, vector<40x128xf32>
    %add3A_1805 = arith.addf %get3A_1804, %log3A : vector<40x128xf32>
    %reduce_max3A_1806 = arith.constant dense<0xFF800000> : vector<40xf32>
    %reduce_max3A_1807 = vector.multi_reduction <maximumf>, %add3A_1805, %reduce_max3A_1806 [1] : vector<40x128xf32> to vector<40xf32>
    %broadcast_in_dim3A_1808 = vector.shape_cast %reduce_max3A_1807 : vector<40xf32> to vector<40x1xf32>
    %eq3A_1809 = vector.broadcast %broadcast_in_dim3A_1808 : vector<40x1xf32> to vector<40x128xf32>
    %eq3A_1810 = arith.cmpf oeq, %add3A_1805, %eq3A_1809 : vector<40x128xf32>
    %jit3A_1811 = arith.constant 128 : i32
    %broadcast_in_dim3A_1812 = vector.broadcast %jit3A_1811 : i32 to vector<40x128xi32>
    %select_n3A_1813 = arith.select %eq3A_1810, %iota3A, %broadcast_in_dim3A_1812 : vector<40x128xi1>, vector<40x128xi32>
    %reduce_min3A_1814 = arith.constant dense<2147483647> : vector<40xi32>
    %reduce_min3A_1815 = vector.multi_reduction <minsi>, %select_n3A_1813, %reduce_min3A_1814 [1] : vector<40x128xi32> to vector<40xi32>
    %broadcast_in_dim3A_1816 = vector.shape_cast %reduce_min3A_1815 : vector<40xi32> to vector<40x1xi32>
    %convert_element_type3A_1817 = arith.sitofp %broadcast_in_dim3A_1816 : vector<40x1xi32> to vector<40x1xf32>
    %get3A_1818 = arith.constant 0 : index
    %get3A_1819 = arith.constant 14592 : index
    %get3A_1820 = vector.load %arg1[%get3A_1818, %get3A_1819] : memref<40x16384xf32, #tpu.memory_space<vmem>>, vector<40x128xf32>
    %add3A_1821 = arith.addf %get3A_1820, %log3A : vector<40x128xf32>
    %reduce_max3A_1822 = arith.constant dense<0xFF800000> : vector<40xf32>
    %reduce_max3A_1823 = vector.multi_reduction <maximumf>, %add3A_1821, %reduce_max3A_1822 [1] : vector<40x128xf32> to vector<40xf32>
    %broadcast_in_dim3A_1824 = vector.shape_cast %reduce_max3A_1823 : vector<40xf32> to vector<40x1xf32>
    %eq3A_1825 = vector.broadcast %broadcast_in_dim3A_1824 : vector<40x1xf32> to vector<40x128xf32>
    %eq3A_1826 = arith.cmpf oeq, %add3A_1821, %eq3A_1825 : vector<40x128xf32>
    %jit3A_1827 = arith.constant 128 : i32
    %broadcast_in_dim3A_1828 = vector.broadcast %jit3A_1827 : i32 to vector<40x128xi32>
    %select_n3A_1829 = arith.select %eq3A_1826, %iota3A, %broadcast_in_dim3A_1828 : vector<40x128xi1>, vector<40x128xi32>
    %reduce_min3A_1830 = arith.constant dense<2147483647> : vector<40xi32>
    %reduce_min3A_1831 = vector.multi_reduction <minsi>, %select_n3A_1829, %reduce_min3A_1830 [1] : vector<40x128xi32> to vector<40xi32>
    %broadcast_in_dim3A_1832 = vector.shape_cast %reduce_min3A_1831 : vector<40xi32> to vector<40x1xi32>
    %convert_element_type3A_1833 = arith.sitofp %broadcast_in_dim3A_1832 : vector<40x1xi32> to vector<40x1xf32>
    %get3A_1834 = arith.constant 0 : index
    %get3A_1835 = arith.constant 14720 : index
    %get3A_1836 = vector.load %arg1[%get3A_1834, %get3A_1835] : memref<40x16384xf32, #tpu.memory_space<vmem>>, vector<40x128xf32>
    %add3A_1837 = arith.addf %get3A_1836, %log3A : vector<40x128xf32>
    %reduce_max3A_1838 = arith.constant dense<0xFF800000> : vector<40xf32>
    %reduce_max3A_1839 = vector.multi_reduction <maximumf>, %add3A_1837, %reduce_max3A_1838 [1] : vector<40x128xf32> to vector<40xf32>
    %broadcast_in_dim3A_1840 = vector.shape_cast %reduce_max3A_1839 : vector<40xf32> to vector<40x1xf32>
    %eq3A_1841 = vector.broadcast %broadcast_in_dim3A_1840 : vector<40x1xf32> to vector<40x128xf32>
    %eq3A_1842 = arith.cmpf oeq, %add3A_1837, %eq3A_1841 : vector<40x128xf32>
    %jit3A_1843 = arith.constant 128 : i32
    %broadcast_in_dim3A_1844 = vector.broadcast %jit3A_1843 : i32 to vector<40x128xi32>
    %select_n3A_1845 = arith.select %eq3A_1842, %iota3A, %broadcast_in_dim3A_1844 : vector<40x128xi1>, vector<40x128xi32>
    %reduce_min3A_1846 = arith.constant dense<2147483647> : vector<40xi32>
    %reduce_min3A_1847 = vector.multi_reduction <minsi>, %select_n3A_1845, %reduce_min3A_1846 [1] : vector<40x128xi32> to vector<40xi32>
    %broadcast_in_dim3A_1848 = vector.shape_cast %reduce_min3A_1847 : vector<40xi32> to vector<40x1xi32>
    %convert_element_type3A_1849 = arith.sitofp %broadcast_in_dim3A_1848 : vector<40x1xi32> to vector<40x1xf32>
    %get3A_1850 = arith.constant 0 : index
    %get3A_1851 = arith.constant 14848 : index
    %get3A_1852 = vector.load %arg1[%get3A_1850, %get3A_1851] : memref<40x16384xf32, #tpu.memory_space<vmem>>, vector<40x128xf32>
    %add3A_1853 = arith.addf %get3A_1852, %log3A : vector<40x128xf32>
    %reduce_max3A_1854 = arith.constant dense<0xFF800000> : vector<40xf32>
    %reduce_max3A_1855 = vector.multi_reduction <maximumf>, %add3A_1853, %reduce_max3A_1854 [1] : vector<40x128xf32> to vector<40xf32>
    %broadcast_in_dim3A_1856 = vector.shape_cast %reduce_max3A_1855 : vector<40xf32> to vector<40x1xf32>
    %eq3A_1857 = vector.broadcast %broadcast_in_dim3A_1856 : vector<40x1xf32> to vector<40x128xf32>
    %eq3A_1858 = arith.cmpf oeq, %add3A_1853, %eq3A_1857 : vector<40x128xf32>
    %jit3A_1859 = arith.constant 128 : i32
    %broadcast_in_dim3A_1860 = vector.broadcast %jit3A_1859 : i32 to vector<40x128xi32>
    %select_n3A_1861 = arith.select %eq3A_1858, %iota3A, %broadcast_in_dim3A_1860 : vector<40x128xi1>, vector<40x128xi32>
    %reduce_min3A_1862 = arith.constant dense<2147483647> : vector<40xi32>
    %reduce_min3A_1863 = vector.multi_reduction <minsi>, %select_n3A_1861, %reduce_min3A_1862 [1] : vector<40x128xi32> to vector<40xi32>
    %broadcast_in_dim3A_1864 = vector.shape_cast %reduce_min3A_1863 : vector<40xi32> to vector<40x1xi32>
    %convert_element_type3A_1865 = arith.sitofp %broadcast_in_dim3A_1864 : vector<40x1xi32> to vector<40x1xf32>
    %get3A_1866 = arith.constant 0 : index
    %get3A_1867 = arith.constant 14976 : index
    %get3A_1868 = vector.load %arg1[%get3A_1866, %get3A_1867] : memref<40x16384xf32, #tpu.memory_space<vmem>>, vector<40x128xf32>
    %add3A_1869 = arith.addf %get3A_1868, %log3A : vector<40x128xf32>
    %reduce_max3A_1870 = arith.constant dense<0xFF800000> : vector<40xf32>
    %reduce_max3A_1871 = vector.multi_reduction <maximumf>, %add3A_1869, %reduce_max3A_1870 [1] : vector<40x128xf32> to vector<40xf32>
    %broadcast_in_dim3A_1872 = vector.shape_cast %reduce_max3A_1871 : vector<40xf32> to vector<40x1xf32>
    %eq3A_1873 = vector.broadcast %broadcast_in_dim3A_1872 : vector<40x1xf32> to vector<40x128xf32>
    %eq3A_1874 = arith.cmpf oeq, %add3A_1869, %eq3A_1873 : vector<40x128xf32>
    %jit3A_1875 = arith.constant 128 : i32
    %broadcast_in_dim3A_1876 = vector.broadcast %jit3A_1875 : i32 to vector<40x128xi32>
    %select_n3A_1877 = arith.select %eq3A_1874, %iota3A, %broadcast_in_dim3A_1876 : vector<40x128xi1>, vector<40x128xi32>
    %reduce_min3A_1878 = arith.constant dense<2147483647> : vector<40xi32>
    %reduce_min3A_1879 = vector.multi_reduction <minsi>, %select_n3A_1877, %reduce_min3A_1878 [1] : vector<40x128xi32> to vector<40xi32>
    %broadcast_in_dim3A_1880 = vector.shape_cast %reduce_min3A_1879 : vector<40xi32> to vector<40x1xi32>
    %convert_element_type3A_1881 = arith.sitofp %broadcast_in_dim3A_1880 : vector<40x1xi32> to vector<40x1xf32>
    %get3A_1882 = arith.constant 0 : index
    %get3A_1883 = arith.constant 15104 : index
    %get3A_1884 = vector.load %arg1[%get3A_1882, %get3A_1883] : memref<40x16384xf32, #tpu.memory_space<vmem>>, vector<40x128xf32>
    %add3A_1885 = arith.addf %get3A_1884, %log3A : vector<40x128xf32>
    %reduce_max3A_1886 = arith.constant dense<0xFF800000> : vector<40xf32>
    %reduce_max3A_1887 = vector.multi_reduction <maximumf>, %add3A_1885, %reduce_max3A_1886 [1] : vector<40x128xf32> to vector<40xf32>
    %broadcast_in_dim3A_1888 = vector.shape_cast %reduce_max3A_1887 : vector<40xf32> to vector<40x1xf32>
    %eq3A_1889 = vector.broadcast %broadcast_in_dim3A_1888 : vector<40x1xf32> to vector<40x128xf32>
    %eq3A_1890 = arith.cmpf oeq, %add3A_1885, %eq3A_1889 : vector<40x128xf32>
    %jit3A_1891 = arith.constant 128 : i32
    %broadcast_in_dim3A_1892 = vector.broadcast %jit3A_1891 : i32 to vector<40x128xi32>
    %select_n3A_1893 = arith.select %eq3A_1890, %iota3A, %broadcast_in_dim3A_1892 : vector<40x128xi1>, vector<40x128xi32>
    %reduce_min3A_1894 = arith.constant dense<2147483647> : vector<40xi32>
    %reduce_min3A_1895 = vector.multi_reduction <minsi>, %select_n3A_1893, %reduce_min3A_1894 [1] : vector<40x128xi32> to vector<40xi32>
    %broadcast_in_dim3A_1896 = vector.shape_cast %reduce_min3A_1895 : vector<40xi32> to vector<40x1xi32>
    %convert_element_type3A_1897 = arith.sitofp %broadcast_in_dim3A_1896 : vector<40x1xi32> to vector<40x1xf32>
    %get3A_1898 = arith.constant 0 : index
    %get3A_1899 = arith.constant 15232 : index
    %get3A_1900 = vector.load %arg1[%get3A_1898, %get3A_1899] : memref<40x16384xf32, #tpu.memory_space<vmem>>, vector<40x128xf32>
    %add3A_1901 = arith.addf %get3A_1900, %log3A : vector<40x128xf32>
    %reduce_max3A_1902 = arith.constant dense<0xFF800000> : vector<40xf32>
    %reduce_max3A_1903 = vector.multi_reduction <maximumf>, %add3A_1901, %reduce_max3A_1902 [1] : vector<40x128xf32> to vector<40xf32>
    %broadcast_in_dim3A_1904 = vector.shape_cast %reduce_max3A_1903 : vector<40xf32> to vector<40x1xf32>
    %eq3A_1905 = vector.broadcast %broadcast_in_dim3A_1904 : vector<40x1xf32> to vector<40x128xf32>
    %eq3A_1906 = arith.cmpf oeq, %add3A_1901, %eq3A_1905 : vector<40x128xf32>
    %jit3A_1907 = arith.constant 128 : i32
    %broadcast_in_dim3A_1908 = vector.broadcast %jit3A_1907 : i32 to vector<40x128xi32>
    %select_n3A_1909 = arith.select %eq3A_1906, %iota3A, %broadcast_in_dim3A_1908 : vector<40x128xi1>, vector<40x128xi32>
    %reduce_min3A_1910 = arith.constant dense<2147483647> : vector<40xi32>
    %reduce_min3A_1911 = vector.multi_reduction <minsi>, %select_n3A_1909, %reduce_min3A_1910 [1] : vector<40x128xi32> to vector<40xi32>
    %broadcast_in_dim3A_1912 = vector.shape_cast %reduce_min3A_1911 : vector<40xi32> to vector<40x1xi32>
    %convert_element_type3A_1913 = arith.sitofp %broadcast_in_dim3A_1912 : vector<40x1xi32> to vector<40x1xf32>
    %get3A_1914 = arith.constant 0 : index
    %get3A_1915 = arith.constant 15360 : index
    %get3A_1916 = vector.load %arg1[%get3A_1914, %get3A_1915] : memref<40x16384xf32, #tpu.memory_space<vmem>>, vector<40x128xf32>
    %add3A_1917 = arith.addf %get3A_1916, %log3A : vector<40x128xf32>
    %reduce_max3A_1918 = arith.constant dense<0xFF800000> : vector<40xf32>
    %reduce_max3A_1919 = vector.multi_reduction <maximumf>, %add3A_1917, %reduce_max3A_1918 [1] : vector<40x128xf32> to vector<40xf32>
    %broadcast_in_dim3A_1920 = vector.shape_cast %reduce_max3A_1919 : vector<40xf32> to vector<40x1xf32>
    %eq3A_1921 = vector.broadcast %broadcast_in_dim3A_1920 : vector<40x1xf32> to vector<40x128xf32>
    %eq3A_1922 = arith.cmpf oeq, %add3A_1917, %eq3A_1921 : vector<40x128xf32>
    %jit3A_1923 = arith.constant 128 : i32
    %broadcast_in_dim3A_1924 = vector.broadcast %jit3A_1923 : i32 to vector<40x128xi32>
    %select_n3A_1925 = arith.select %eq3A_1922, %iota3A, %broadcast_in_dim3A_1924 : vector<40x128xi1>, vector<40x128xi32>
    %reduce_min3A_1926 = arith.constant dense<2147483647> : vector<40xi32>
    %reduce_min3A_1927 = vector.multi_reduction <minsi>, %select_n3A_1925, %reduce_min3A_1926 [1] : vector<40x128xi32> to vector<40xi32>
    %broadcast_in_dim3A_1928 = vector.shape_cast %reduce_min3A_1927 : vector<40xi32> to vector<40x1xi32>
    %convert_element_type3A_1929 = arith.sitofp %broadcast_in_dim3A_1928 : vector<40x1xi32> to vector<40x1xf32>
    %get3A_1930 = arith.constant 0 : index
    %get3A_1931 = arith.constant 15488 : index
    %get3A_1932 = vector.load %arg1[%get3A_1930, %get3A_1931] : memref<40x16384xf32, #tpu.memory_space<vmem>>, vector<40x128xf32>
    %add3A_1933 = arith.addf %get3A_1932, %log3A : vector<40x128xf32>
    %reduce_max3A_1934 = arith.constant dense<0xFF800000> : vector<40xf32>
    %reduce_max3A_1935 = vector.multi_reduction <maximumf>, %add3A_1933, %reduce_max3A_1934 [1] : vector<40x128xf32> to vector<40xf32>
    %broadcast_in_dim3A_1936 = vector.shape_cast %reduce_max3A_1935 : vector<40xf32> to vector<40x1xf32>
    %eq3A_1937 = vector.broadcast %broadcast_in_dim3A_1936 : vector<40x1xf32> to vector<40x128xf32>
    %eq3A_1938 = arith.cmpf oeq, %add3A_1933, %eq3A_1937 : vector<40x128xf32>
    %jit3A_1939 = arith.constant 128 : i32
    %broadcast_in_dim3A_1940 = vector.broadcast %jit3A_1939 : i32 to vector<40x128xi32>
    %select_n3A_1941 = arith.select %eq3A_1938, %iota3A, %broadcast_in_dim3A_1940 : vector<40x128xi1>, vector<40x128xi32>
    %reduce_min3A_1942 = arith.constant dense<2147483647> : vector<40xi32>
    %reduce_min3A_1943 = vector.multi_reduction <minsi>, %select_n3A_1941, %reduce_min3A_1942 [1] : vector<40x128xi32> to vector<40xi32>
    %broadcast_in_dim3A_1944 = vector.shape_cast %reduce_min3A_1943 : vector<40xi32> to vector<40x1xi32>
    %convert_element_type3A_1945 = arith.sitofp %broadcast_in_dim3A_1944 : vector<40x1xi32> to vector<40x1xf32>
    %get3A_1946 = arith.constant 0 : index
    %get3A_1947 = arith.constant 15616 : index
    %get3A_1948 = vector.load %arg1[%get3A_1946, %get3A_1947] : memref<40x16384xf32, #tpu.memory_space<vmem>>, vector<40x128xf32>
    %add3A_1949 = arith.addf %get3A_1948, %log3A : vector<40x128xf32>
    %reduce_max3A_1950 = arith.constant dense<0xFF800000> : vector<40xf32>
    %reduce_max3A_1951 = vector.multi_reduction <maximumf>, %add3A_1949, %reduce_max3A_1950 [1] : vector<40x128xf32> to vector<40xf32>
    %broadcast_in_dim3A_1952 = vector.shape_cast %reduce_max3A_1951 : vector<40xf32> to vector<40x1xf32>
    %eq3A_1953 = vector.broadcast %broadcast_in_dim3A_1952 : vector<40x1xf32> to vector<40x128xf32>
    %eq3A_1954 = arith.cmpf oeq, %add3A_1949, %eq3A_1953 : vector<40x128xf32>
    %jit3A_1955 = arith.constant 128 : i32
    %broadcast_in_dim3A_1956 = vector.broadcast %jit3A_1955 : i32 to vector<40x128xi32>
    %select_n3A_1957 = arith.select %eq3A_1954, %iota3A, %broadcast_in_dim3A_1956 : vector<40x128xi1>, vector<40x128xi32>
    %reduce_min3A_1958 = arith.constant dense<2147483647> : vector<40xi32>
    %reduce_min3A_1959 = vector.multi_reduction <minsi>, %select_n3A_1957, %reduce_min3A_1958 [1] : vector<40x128xi32> to vector<40xi32>
    %broadcast_in_dim3A_1960 = vector.shape_cast %reduce_min3A_1959 : vector<40xi32> to vector<40x1xi32>
    %convert_element_type3A_1961 = arith.sitofp %broadcast_in_dim3A_1960 : vector<40x1xi32> to vector<40x1xf32>
    %get3A_1962 = arith.constant 0 : index
    %get3A_1963 = arith.constant 15744 : index
    %get3A_1964 = vector.load %arg1[%get3A_1962, %get3A_1963] : memref<40x16384xf32, #tpu.memory_space<vmem>>, vector<40x128xf32>
    %add3A_1965 = arith.addf %get3A_1964, %log3A : vector<40x128xf32>
    %reduce_max3A_1966 = arith.constant dense<0xFF800000> : vector<40xf32>
    %reduce_max3A_1967 = vector.multi_reduction <maximumf>, %add3A_1965, %reduce_max3A_1966 [1] : vector<40x128xf32> to vector<40xf32>
    %broadcast_in_dim3A_1968 = vector.shape_cast %reduce_max3A_1967 : vector<40xf32> to vector<40x1xf32>
    %eq3A_1969 = vector.broadcast %broadcast_in_dim3A_1968 : vector<40x1xf32> to vector<40x128xf32>
    %eq3A_1970 = arith.cmpf oeq, %add3A_1965, %eq3A_1969 : vector<40x128xf32>
    %jit3A_1971 = arith.constant 128 : i32
    %broadcast_in_dim3A_1972 = vector.broadcast %jit3A_1971 : i32 to vector<40x128xi32>
    %select_n3A_1973 = arith.select %eq3A_1970, %iota3A, %broadcast_in_dim3A_1972 : vector<40x128xi1>, vector<40x128xi32>
    %reduce_min3A_1974 = arith.constant dense<2147483647> : vector<40xi32>
    %reduce_min3A_1975 = vector.multi_reduction <minsi>, %select_n3A_1973, %reduce_min3A_1974 [1] : vector<40x128xi32> to vector<40xi32>
    %broadcast_in_dim3A_1976 = vector.shape_cast %reduce_min3A_1975 : vector<40xi32> to vector<40x1xi32>
    %convert_element_type3A_1977 = arith.sitofp %broadcast_in_dim3A_1976 : vector<40x1xi32> to vector<40x1xf32>
    %get3A_1978 = arith.constant 0 : index
    %get3A_1979 = arith.constant 15872 : index
    %get3A_1980 = vector.load %arg1[%get3A_1978, %get3A_1979] : memref<40x16384xf32, #tpu.memory_space<vmem>>, vector<40x128xf32>
    %add3A_1981 = arith.addf %get3A_1980, %log3A : vector<40x128xf32>
    %reduce_max3A_1982 = arith.constant dense<0xFF800000> : vector<40xf32>
    %reduce_max3A_1983 = vector.multi_reduction <maximumf>, %add3A_1981, %reduce_max3A_1982 [1] : vector<40x128xf32> to vector<40xf32>
    %broadcast_in_dim3A_1984 = vector.shape_cast %reduce_max3A_1983 : vector<40xf32> to vector<40x1xf32>
    %eq3A_1985 = vector.broadcast %broadcast_in_dim3A_1984 : vector<40x1xf32> to vector<40x128xf32>
    %eq3A_1986 = arith.cmpf oeq, %add3A_1981, %eq3A_1985 : vector<40x128xf32>
    %jit3A_1987 = arith.constant 128 : i32
    %broadcast_in_dim3A_1988 = vector.broadcast %jit3A_1987 : i32 to vector<40x128xi32>
    %select_n3A_1989 = arith.select %eq3A_1986, %iota3A, %broadcast_in_dim3A_1988 : vector<40x128xi1>, vector<40x128xi32>
    %reduce_min3A_1990 = arith.constant dense<2147483647> : vector<40xi32>
    %reduce_min3A_1991 = vector.multi_reduction <minsi>, %select_n3A_1989, %reduce_min3A_1990 [1] : vector<40x128xi32> to vector<40xi32>
    %broadcast_in_dim3A_1992 = vector.shape_cast %reduce_min3A_1991 : vector<40xi32> to vector<40x1xi32>
    %convert_element_type3A_1993 = arith.sitofp %broadcast_in_dim3A_1992 : vector<40x1xi32> to vector<40x1xf32>
    %get3A_1994 = arith.constant 0 : index
    %get3A_1995 = arith.constant 16000 : index
    %get3A_1996 = vector.load %arg1[%get3A_1994, %get3A_1995] : memref<40x16384xf32, #tpu.memory_space<vmem>>, vector<40x128xf32>
    %add3A_1997 = arith.addf %get3A_1996, %log3A : vector<40x128xf32>
    %reduce_max3A_1998 = arith.constant dense<0xFF800000> : vector<40xf32>
    %reduce_max3A_1999 = vector.multi_reduction <maximumf>, %add3A_1997, %reduce_max3A_1998 [1] : vector<40x128xf32> to vector<40xf32>
    %broadcast_in_dim3A_2000 = vector.shape_cast %reduce_max3A_1999 : vector<40xf32> to vector<40x1xf32>
    %eq3A_2001 = vector.broadcast %broadcast_in_dim3A_2000 : vector<40x1xf32> to vector<40x128xf32>
    %eq3A_2002 = arith.cmpf oeq, %add3A_1997, %eq3A_2001 : vector<40x128xf32>
    %jit3A_2003 = arith.constant 128 : i32
    %broadcast_in_dim3A_2004 = vector.broadcast %jit3A_2003 : i32 to vector<40x128xi32>
    %select_n3A_2005 = arith.select %eq3A_2002, %iota3A, %broadcast_in_dim3A_2004 : vector<40x128xi1>, vector<40x128xi32>
    %reduce_min3A_2006 = arith.constant dense<2147483647> : vector<40xi32>
    %reduce_min3A_2007 = vector.multi_reduction <minsi>, %select_n3A_2005, %reduce_min3A_2006 [1] : vector<40x128xi32> to vector<40xi32>
    %broadcast_in_dim3A_2008 = vector.shape_cast %reduce_min3A_2007 : vector<40xi32> to vector<40x1xi32>
    %convert_element_type3A_2009 = arith.sitofp %broadcast_in_dim3A_2008 : vector<40x1xi32> to vector<40x1xf32>
    %get3A_2010 = arith.constant 0 : index
    %get3A_2011 = arith.constant 16128 : index
    %get3A_2012 = vector.load %arg1[%get3A_2010, %get3A_2011] : memref<40x16384xf32, #tpu.memory_space<vmem>>, vector<40x128xf32>
    %add3A_2013 = arith.addf %get3A_2012, %log3A : vector<40x128xf32>
    %reduce_max3A_2014 = arith.constant dense<0xFF800000> : vector<40xf32>
    %reduce_max3A_2015 = vector.multi_reduction <maximumf>, %add3A_2013, %reduce_max3A_2014 [1] : vector<40x128xf32> to vector<40xf32>
    %broadcast_in_dim3A_2016 = vector.shape_cast %reduce_max3A_2015 : vector<40xf32> to vector<40x1xf32>
    %eq3A_2017 = vector.broadcast %broadcast_in_dim3A_2016 : vector<40x1xf32> to vector<40x128xf32>
    %eq3A_2018 = arith.cmpf oeq, %add3A_2013, %eq3A_2017 : vector<40x128xf32>
    %jit3A_2019 = arith.constant 128 : i32
    %broadcast_in_dim3A_2020 = vector.broadcast %jit3A_2019 : i32 to vector<40x128xi32>
    %select_n3A_2021 = arith.select %eq3A_2018, %iota3A, %broadcast_in_dim3A_2020 : vector<40x128xi1>, vector<40x128xi32>
    %reduce_min3A_2022 = arith.constant dense<2147483647> : vector<40xi32>
    %reduce_min3A_2023 = vector.multi_reduction <minsi>, %select_n3A_2021, %reduce_min3A_2022 [1] : vector<40x128xi32> to vector<40xi32>
    %broadcast_in_dim3A_2024 = vector.shape_cast %reduce_min3A_2023 : vector<40xi32> to vector<40x1xi32>
    %convert_element_type3A_2025 = arith.sitofp %broadcast_in_dim3A_2024 : vector<40x1xi32> to vector<40x1xf32>
    %get3A_2026 = arith.constant 0 : index
    %get3A_2027 = arith.constant 16256 : index
    %get3A_2028 = vector.load %arg1[%get3A_2026, %get3A_2027] : memref<40x16384xf32, #tpu.memory_space<vmem>>, vector<40x128xf32>
    %add3A_2029 = arith.addf %get3A_2028, %log3A : vector<40x128xf32>
    %reduce_max3A_2030 = arith.constant dense<0xFF800000> : vector<40xf32>
    %reduce_max3A_2031 = vector.multi_reduction <maximumf>, %add3A_2029, %reduce_max3A_2030 [1] : vector<40x128xf32> to vector<40xf32>
    %broadcast_in_dim3A_2032 = vector.shape_cast %reduce_max3A_2031 : vector<40xf32> to vector<40x1xf32>
    %eq3A_2033 = vector.broadcast %broadcast_in_dim3A_2032 : vector<40x1xf32> to vector<40x128xf32>
    %eq3A_2034 = arith.cmpf oeq, %add3A_2029, %eq3A_2033 : vector<40x128xf32>
    %jit3A_2035 = arith.constant 128 : i32
    %broadcast_in_dim3A_2036 = vector.broadcast %jit3A_2035 : i32 to vector<40x128xi32>
    %select_n3A_2037 = arith.select %eq3A_2034, %iota3A, %broadcast_in_dim3A_2036 : vector<40x128xi1>, vector<40x128xi32>
    %reduce_min3A_2038 = arith.constant dense<2147483647> : vector<40xi32>
    %reduce_min3A_2039 = vector.multi_reduction <minsi>, %select_n3A_2037, %reduce_min3A_2038 [1] : vector<40x128xi32> to vector<40xi32>
    %broadcast_in_dim3A_2040 = vector.shape_cast %reduce_min3A_2039 : vector<40xi32> to vector<40x1xi32>
    %convert_element_type3A_2041 = arith.sitofp %broadcast_in_dim3A_2040 : vector<40x1xi32> to vector<40x1xf32>
    %concatenate3A = tpu.concatenate %convert_element_type3A, %convert_element_type3A_25, %convert_element_type3A_41, %convert_element_type3A_57, %convert_element_type3A_73, %convert_element_type3A_89, %convert_element_type3A_105, %convert_element_type3A_121, %convert_element_type3A_137, %convert_element_type3A_153, %convert_element_type3A_169, %convert_element_type3A_185, %convert_element_type3A_201, %convert_element_type3A_217, %convert_element_type3A_233, %convert_element_type3A_249, %convert_element_type3A_265, %convert_element_type3A_281, %convert_element_type3A_297, %convert_element_type3A_313, %convert_element_type3A_329, %convert_element_type3A_345, %convert_element_type3A_361, %convert_element_type3A_377, %convert_element_type3A_393, %convert_element_type3A_409, %convert_element_type3A_425, %convert_element_type3A_441, %convert_element_type3A_457, %convert_element_type3A_473, %convert_element_type3A_489, %convert_element_type3A_505, %convert_element_type3A_521, %convert_element_type3A_537, %convert_element_type3A_553, %convert_element_type3A_569, %convert_element_type3A_585, %convert_element_type3A_601, %convert_element_type3A_617, %convert_element_type3A_633, %convert_element_type3A_649, %convert_element_type3A_665, %convert_element_type3A_681, %convert_element_type3A_697, %convert_element_type3A_713, %convert_element_type3A_729, %convert_element_type3A_745, %convert_element_type3A_761, %convert_element_type3A_777, %convert_element_type3A_793, %convert_element_type3A_809, %convert_element_type3A_825, %convert_element_type3A_841, %convert_element_type3A_857, %convert_element_type3A_873, %convert_element_type3A_889, %convert_element_type3A_905, %convert_element_type3A_921, %convert_element_type3A_937, %convert_element_type3A_953, %convert_element_type3A_969, %convert_element_type3A_985, %convert_element_type3A_1001, %convert_element_type3A_1017, %convert_element_type3A_1033, %convert_element_type3A_1049, %convert_element_type3A_1065, %convert_element_type3A_1081, %convert_element_type3A_1097, %convert_element_type3A_1113, %convert_element_type3A_1129, %convert_element_type3A_1145, %convert_element_type3A_1161, %convert_element_type3A_1177, %convert_element_type3A_1193, %convert_element_type3A_1209, %convert_element_type3A_1225, %convert_element_type3A_1241, %convert_element_type3A_1257, %convert_element_type3A_1273, %convert_element_type3A_1289, %convert_element_type3A_1305, %convert_element_type3A_1321, %convert_element_type3A_1337, %convert_element_type3A_1353, %convert_element_type3A_1369, %convert_element_type3A_1385, %convert_element_type3A_1401, %convert_element_type3A_1417, %convert_element_type3A_1433, %convert_element_type3A_1449, %convert_element_type3A_1465, %convert_element_type3A_1481, %convert_element_type3A_1497, %convert_element_type3A_1513, %convert_element_type3A_1529, %convert_element_type3A_1545, %convert_element_type3A_1561, %convert_element_type3A_1577, %convert_element_type3A_1593, %convert_element_type3A_1609, %convert_element_type3A_1625, %convert_element_type3A_1641, %convert_element_type3A_1657, %convert_element_type3A_1673, %convert_element_type3A_1689, %convert_element_type3A_1705, %convert_element_type3A_1721, %convert_element_type3A_1737, %convert_element_type3A_1753, %convert_element_type3A_1769, %convert_element_type3A_1785, %convert_element_type3A_1801, %convert_element_type3A_1817, %convert_element_type3A_1833, %convert_element_type3A_1849, %convert_element_type3A_1865, %convert_element_type3A_1881, %convert_element_type3A_1897, %convert_element_type3A_1913, %convert_element_type3A_1929, %convert_element_type3A_1945, %convert_element_type3A_1961, %convert_element_type3A_1977, %convert_element_type3A_1993, %convert_element_type3A_2009, %convert_element_type3A_2025, %convert_element_type3A_2041 in 1 : vector<40x1xf32>, vector<40x1xf32>, vector<40x1xf32>, vector<40x1xf32>, vector<40x1xf32>, vector<40x1xf32>, vector<40x1xf32>, vector<40x1xf32>, vector<40x1xf32>, vector<40x1xf32>, vector<40x1xf32>, vector<40x1xf32>, vector<40x1xf32>, vector<40x1xf32>, vector<40x1xf32>, vector<40x1xf32>, vector<40x1xf32>, vector<40x1xf32>, vector<40x1xf32>, vector<40x1xf32>, vector<40x1xf32>, vector<40x1xf32>, vector<40x1xf32>, vector<40x1xf32>, vector<40x1xf32>, vector<40x1xf32>, vector<40x1xf32>, vector<40x1xf32>, vector<40x1xf32>, vector<40x1xf32>, vector<40x1xf32>, vector<40x1xf32>, vector<40x1xf32>, vector<40x1xf32>, vector<40x1xf32>, vector<40x1xf32>, vector<40x1xf32>, vector<40x1xf32>, vector<40x1xf32>, vector<40x1xf32>, vector<40x1xf32>, vector<40x1xf32>, vector<40x1xf32>, vector<40x1xf32>, vector<40x1xf32>, vector<40x1xf32>, vector<40x1xf32>, vector<40x1xf32>, vector<40x1xf32>, vector<40x1xf32>, vector<40x1xf32>, vector<40x1xf32>, vector<40x1xf32>, vector<40x1xf32>, vector<40x1xf32>, vector<40x1xf32>, vector<40x1xf32>, vector<40x1xf32>, vector<40x1xf32>, vector<40x1xf32>, vector<40x1xf32>, vector<40x1xf32>, vector<40x1xf32>, vector<40x1xf32>, vector<40x1xf32>, vector<40x1xf32>, vector<40x1xf32>, vector<40x1xf32>, vector<40x1xf32>, vector<40x1xf32>, vector<40x1xf32>, vector<40x1xf32>, vector<40x1xf32>, vector<40x1xf32>, vector<40x1xf32>, vector<40x1xf32>, vector<40x1xf32>, vector<40x1xf32>, vector<40x1xf32>, vector<40x1xf32>, vector<40x1xf32>, vector<40x1xf32>, vector<40x1xf32>, vector<40x1xf32>, vector<40x1xf32>, vector<40x1xf32>, vector<40x1xf32>, vector<40x1xf32>, vector<40x1xf32>, vector<40x1xf32>, vector<40x1xf32>, vector<40x1xf32>, vector<40x1xf32>, vector<40x1xf32>, vector<40x1xf32>, vector<40x1xf32>, vector<40x1xf32>, vector<40x1xf32>, vector<40x1xf32>, vector<40x1xf32>, vector<40x1xf32>, vector<40x1xf32>, vector<40x1xf32>, vector<40x1xf32>, vector<40x1xf32>, vector<40x1xf32>, vector<40x1xf32>, vector<40x1xf32>, vector<40x1xf32>, vector<40x1xf32>, vector<40x1xf32>, vector<40x1xf32>, vector<40x1xf32>, vector<40x1xf32>, vector<40x1xf32>, vector<40x1xf32>, vector<40x1xf32>, vector<40x1xf32>, vector<40x1xf32>, vector<40x1xf32>, vector<40x1xf32>, vector<40x1xf32>, vector<40x1xf32>, vector<40x1xf32>, vector<40x1xf32>, vector<40x1xf32>, vector<40x1xf32>, vector<40x1xf32> -> vector<40x128xf32>
    %swap3A = arith.constant 0 : index
    %swap3A_2042 = arith.constant 0 : index
    %swap3A_2043 = vector.load %arg3[%swap3A, %swap3A_2042] : memref<40x128xf32, #tpu.memory_space<vmem>>, vector<40x128xf32>
    tpu.vector_store %arg3[%swap3A, %swap3A_2042], %concatenate3A {strides = array<i32>} : memref<40x128xf32, #tpu.memory_space<vmem>>, vector<40x128xf32>,
    return
  }
  func.func @transform_0(%arg0: i32) -> (i32, i32) {
    %c0_i32 = arith.constant 0 : i32
    %c0_i32_0 = arith.constant 0 : i32
    return %arg0, %c0_i32 : i32, i32
  }
  func.func @transform_1(%arg0: i32) -> (i32, i32) {
    %c0_i32 = arith.constant 0 : i32
    %c0_i32_0 = arith.constant 0 : i32
    return %arg0, %c0_i32 : i32, i32
  }
  func.func @transform_2(%arg0: i32) -> (i32, i32) {
    %c0_i32 = arith.constant 0 : i32
    %c0_i32_0 = arith.constant 0 : i32
    return %arg0, %c0_i32 : i32, i32
  }
}

</mosaic_0001>

<sc_bundles>
// kernel: gather_offload_async_start
scs
__scs_entry_jumppad:
0x0: {  	(pc) =	sbr.rel $0x88, $3  }
0x1: {  	(tag) =	ssettag $0x0;
	lr =	simm.s32 $0x1  }
0x2: {  	[smem:$0x3F9B] =	sst lr;
	_ =	strace $0xD0000000  }
0x3: {  	_ = 	snop  }
0x4: {  	_ = 	snop  }
0x5: {  	_ = 	snop  }
0x6: {  	_ = 	snop  }
0x7: {  	_ = 	snop  }
__scs_overlays_trampoline_lowered:
0x8: {  	[smem:$0x3FAA] =	sst s0  }
0x9: {  	[smem:$0x3FAB] =	sst s1  }
0xa: {  	[smem:$0x3FAC] =	sst s2  }
0xb: {  	[smem:$0x3FAD] =	sst s3  }
0xc: {  	[smem:$0x3FAE] =	sst s4  }
0xd: {  	[smem:$0x3FAF] =	sst s5  }
0xe: {  	[smem:$0x3FB0] =	sst s6  }
0xf: {  	[smem:$0x3FB1] =	sst s7  }
0x10: {  	[smem:$0x3FB2] =	sst s8  }
0x11: {  	[smem:$0x3FB3] =	sst s9;
	s0 =	simm.s32 @!p0 $0x0  }
0x12: {  	s1 =	sld [smem:$0x3F99];
	s0 =	simm.s32 @p0 $0x1  }
0x13: {  	[smem:$0x3FB4] =	sst s0;
	s0 =	simm.s32 @!p1 $0x0  }
0x14: {  	s2 =	sld [smem:$0x3F98];
	s0 =	simm.s32 @p1 $0x1  }
0x15: {  	[smem:$0x3FB5] =	sst s0;
	s0 =	simm.s32 @!p2 $0x0  }
0x16: {  	s3 =	sld [smem:$0x3FDB];
	s0 =	simm.s32 @p2 $0x1  }
0x17: {  	s4 =	simm.s32 $0x1BF5;
	[smem:$0x3FB7] =	sst s0  }
0x18: {  	s0 =	sld [smem:$0x3F9A];
	_ =	swait.ge [sflag:s4], $0x0  }
0x19: {  	s7 =	sld [smem:$0x3F9B]  }
0x1a: {  	s8 =	sadd.s32 $0xFFFFE003, lr  }
0x1b: {  	s9 =	sadd.s32 $0xFFFFFEF7, lr;
	s5 =	simm.s32 $0xFFFFFFFF;
	p2 =	slt.u32 s8, $0xFFFFF086  }
0x1c: {  	p1 =	slt.u32 s9, $0xF7A;
	s5 =	simm.s32 @!p2 $0x0  }
0x1d: {  	s5 =	simm.s32 @p1 $0x1;
	p0 =	seq.s32 s7, s2  }
0x1e: {  	s7 =	smul.u32 @!p0 $0xF7A, s2;
	p2 =	seq.s32 @!p0 s5, $0x0  }
0x1f: {  	s9 =	smul.u32 $0xF7A, s1;
	s8 =	simm.s32 @!p0 $0x1BF5;
	p2 =	por !p2, p0  }
0x20: {  	[sflag:s8] =	ssyncset.s32 @!p0 $0xFFFFF086;
	s6 =	sadd.s32 @!p0 s3, s7;
	s7 =	simm.s32 @!p0 $0x108  }
0x21: {  	s3 =	sadd.s32 s3, s9;
	s6 =	sadd.s32 @!p0 $0x88, s6;
	s7 =	simm.s32 @p2 $0x1082  }
0x22: {  	[simem:s7], [sflag:s8] =	dma.local @!p0 [hbm:s6], $0xF7A  }
0x23: {  	s9 =	sor.u32 $0xD0000000, s2;
	s6 =	simm.s32 $0x108;
	_ =	swait.ge @!p0 [sflag:s8], $0x0  }
0x24: {  	s3 =	sadd.s32 $0x88, s3;
	s6 =	simm.s32 @!p1 $0x1082;
	[sflag:s4] =	ssyncset.s32 $0xFFFFF086  }
0x25: {  	[simem:s6], [sflag:s4] =	dma.local [hbm:s3], $0xF7A  }
0x26: {  	[smem:$0x3F9B] =	sst s1;
	(tag) =	ssettag s2;
	_ =	strace s9  }
0x27: {  	s1 =	sld [smem:$0x3FAB]  }
0x28: {  	s2 =	sld [smem:$0x3FAC]  }
0x29: {  	s4 =	sld [smem:$0x3FAE]  }
0x2a: {  	p0 =	seq.s32 s5, $0x0;
	s5 =	sld [smem:$0x3FAF]  }
0x2b: {  	s6 =	sld [smem:$0x3FB0]  }
0x2c: {  	s7 =	sld [smem:$0x3FB1]  }
0x2d: {  	s3 =	simm.s32 $0x108;
	s8 =	sld [smem:$0x3FB2]  }
0x2e: {  	s3 =	simm.s32 @!p0 $0x1082;
	s9 =	sld [smem:$0x3FB3]  }
0x2f: {  	lr =	sadd.s32 s0, s3;
	s0 =	sld [smem:$0x3FAA]  }
0x30: {  	s3 =	sld [smem:$0x3FAD]  }
0x31: {  	[smem:$0x3FB6] =	sst s10  }
0x32: {  	s10 =	sld [smem:$0x3FB4];
	_ =	sdelay $0x3  }
0x33: {  	p0 =	seq.s32 s10, $0x1;
	s10 =	sld [smem:$0x3FB6];
	_ =	sdelay $0x3  }
0x34: {  	[smem:$0x3FB6] =	sst s10  }
0x35: {  	s10 =	sld [smem:$0x3FB5];
	_ =	sdelay $0x3  }
0x36: {  	p1 =	seq.s32 s10, $0x1;
	s10 =	sld [smem:$0x3FB6];
	_ =	sdelay $0x3  }
0x37: {  	[smem:$0x3FB6] =	sst s10  }
0x38: {  	s10 =	sld [smem:$0x3FB7]  }
0x39: {  	_ = 	snop;
	(pc) =	sbr.ind lr, $3  }
0x3a: {  	_ = 	snop  }
0x3b: {  	_ = 	snop  }
0x3c: {  	p2 =	seq.s32 s10, $0x1;
	s10 =	sld [smem:$0x3FB6]  }
0x3d: {  	_ =	shalt  }
0x3e: {  	_ =	shalt  }
0x3f: {  	_ =	shalt  }
0x40: {  	_ =	shalt  }
0x41: {  	_ =	shalt  }
0x42: {  	_ =	shalt  }
0x43: {  	_ =	shalt  }
0x44: {  	_ =	shalt  }
0x45: {  	_ =	shalt  }
0x46: {  	_ =	shalt  }
0x47: {  	_ =	shalt  }
0x48: {  	_ =	shalt  }
0x49: {  	_ =	shalt  }
0x4a: {  	_ =	shalt  }
0x4b: {  	_ =	shalt  }
0x4c: {  	_ =	shalt  }
0x4d: {  	_ =	shalt  }
0x4e: {  	_ =	shalt  }
0x4f: {  	_ =	shalt  }
0x50: {  	_ =	shalt  }
0x51: {  	_ =	shalt  }
0x52: {  	_ =	shalt  }
0x53: {  	_ =	shalt  }
0x54: {  	_ =	shalt  }
0x55: {  	_ =	shalt  }
0x56: {  	_ =	shalt  }
0x57: {  	_ =	shalt  }
0x58: {  	_ =	shalt  }
0x59: {  	_ =	shalt  }
0x5a: {  	_ =	shalt  }
0x5b: {  	_ =	shalt  }
0x5c: {  	_ =	shalt  }
0x5d: {  	_ =	shalt  }
0x5e: {  	_ =	shalt  }
0x5f: {  	_ =	shalt  }
0x60: {  	_ =	shalt  }
0x61: {  	_ =	shalt  }
0x62: {  	_ =	shalt  }
0x63: {  	_ =	shalt  }
0x64: {  	_ =	shalt  }
0x65: {  	_ =	shalt  }
0x66: {  	_ =	shalt  }
0x67: {  	_ =	shalt  }
0x68: {  	_ =	shalt  }
0x69: {  	_ =	shalt  }
0x6a: {  	_ =	shalt  }
0x6b: {  	_ =	shalt  }
0x6c: {  	_ =	shalt  }
0x6d: {  	_ =	shalt  }
0x6e: {  	_ =	shalt  }
0x6f: {  	_ =	shalt  }
0x70: {  	_ =	shalt  }
0x71: {  	_ =	shalt  }
0x72: {  	_ =	shalt  }
0x73: {  	_ =	shalt  }
0x74: {  	_ =	shalt  }
0x75: {  	_ =	shalt  }
0x76: {  	_ =	shalt  }
0x77: {  	_ =	shalt  }
0x78: {  	_ =	shalt  }
0x79: {  	_ =	shalt  }
0x7a: {  	_ =	shalt  }
0x7b: {  	_ =	shalt  }
0x7c: {  	_ =	shalt  }
0x7d: {  	_ =	shalt  }
0x7e: {  	_ =	shalt  }
0x7f: {  	_ =	shalt  }
0x80: {  	_ =	shalt  }
0x81: {  	_ =	shalt  }
0x82: {  	_ =	shalt  }
0x83: {  	_ =	shalt  }
0x84: {  	_ =	shalt  }
0x85: {  	_ =	shalt  }
0x86: {  	_ =	shalt  }
0x87: {  	_ =	shalt  }
.Lfunc_end0:
.L_simem_size_0:
called_computation.1_lowered:
.L_overlay_start_0:
0x88: {  	s2 =	sld [smem:$0x3FD9]  }
0x89: {  	s3 =	sld [smem:$0x3FFE];
	_ =	sdelay $0x1  }
0x8a: {  	s1 =	srdreg.scid  }
0x8b: {  	s0 =	sand.u32 $0x1, s1  }
0x8c: {  	s14 =	sshll.u32 s0, $0xA;
	s2 =	sadd.s32 s3, s2  }
0x8d: {  	s2 =	sadd.s32 s2, s14  }
0x8e: {  	[smem:$0x3FC2] =	sst s2  }
0x8f: {  	_ = 	snop  }
0x90: {  	s2 =	sld [smem:$0x3FD0];
	_ =	sdelay $0x2  }
0x91: {  	s4 =	simm.s32 $0xA;
	s5 =	simm.s32 $0x10;
	s15 =	sld [smem:$0x3FC9]  }
0x92: {  	[smem:s5], [sflag:s4] =	dma.local [hbm:s2], $0x1  }
0x93: {  	_ =	swait.eq [sflag:s4], $0x1  }
0x94: {  	[sflag:s4] =	ssyncset.done $0x0  }
0x95: {  	[sflag:s4] =	ssyncadd.s32 $0xFFFFFFFF  }
0x96: {  	s16 =	sld [smem:$0x11];
	(tm) =	ssettm $0x1  }
0x97: {  	s17 =	sld [smem:$0x3FFB];
	_ =	sdelay $0x3  }
0x98: {  	_ =	strace s17  }
0x99: {  	s4 =	sld [smem:$0x3FFC];
	_ =	sdelay $0x3  }
0x9a: {  	_ =	strace s4  }
0x9b: {  	s4 =	sld [smem:$0x3FFD];
	_ =	sdelay $0x3  }
0x9c: {  	_ =	strace s4  }
0x9d: {  	_ =	strace $0x8FFFFFFF  }
0x9e: {  	s18 =	sld [smem:$0x3FDB];
	_ =	sdelay $0x1  }
0x9f: {  	s19 =	simm.s32 $_scs_section_size  }
0xa0: {  	s6 =	simm.s32 $_size__tile_overlayer_lowered;
	s7 =	simm.s32 $_tile_overlayer_lowered  }
0xa1: {  	s22 =	simm.s32 $0x1BFF;
	s21 =	sshll.u32 s7, $0x1;
	s4 =	sadd.s32 s19, s18  }
0xa2: {  	s8 =	simm.s32 $0x0;
	s20 =	sshll.u32 s6, $0x1;
	s6 =	sadd.s32 s21, s4  }
0xa3: {  	[timem:s8], [sflag:s22] =	dma.local [hbm:s6], s20  }
0xa4: {  	_ =	swait.ge [sflag:s22], s20  }
0xa5: {  	s5 =	ssub.s32 $0x0, s20;
	[sflag:s22] =	ssyncset.done $0x0  }
0xa6: {  	[sflag:s22] =	ssyncadd.s32 s5;
	_ =	sdelay $0x1  }
0xa7: {  	s23 =	simm.s32 $0x1B8B  }
0xa8: {  	_ =	swait.ge [sflag:s23], $0x1  }
0xa9: {  	[sflag:s23] =	ssyncset.done $0x0  }
0xaa: {  	s25 =	simm.s32 $0x1B8E;
	s24 =	sld [smem:$0x3FFE];
	[sflag:s23] =	ssyncadd.s32 $0xFFFFFFFF  }
0xab: {  	s26 =	simm.s32 $execute0_lowered;
	[smem:$0x3FD2] =	sst s25  }
0xac: {  	s6 =	sshll.u32 s26, $0x1;
	_ =	strace $0x80000049;
	[dreg:$0x1] =	wrdreg $0xFFFFFFFF  }
0xad: {  	s28 =	simm.s32 $_size_execute0_lowered;
	s4 =	sadd.s32 s4, s6;
	[dreg:$0x0] =	wrdreg $0x0  }
0xae: {  	s6 =	sshll.u32 s28, $0x1;
	[dreg:$0x2] =	wrdreg s4  }
0xaf: {  	[dreg:$0x3] =	wrdreg s6  }
0xb0: {  	[dreg:$0x4] =	wrdreg $0xC0  }
0xb1: {  	_ =	task [dreg:s8], $0x5FFFF  }
0xb2: {  	[dreg:$0x1] =	wrdreg $0xFFFFFFFF  }
0xb3: {  	[dreg:$0x0] =	wrdreg $0x60  }
0xb4: {  	[dreg:$0x2] =	wrdreg s15  }
0xb5: {  	[dreg:$0x3] =	wrdreg s16  }
0xb6: {  	[dreg:$0x4] =	wrdreg s24  }
0xb7: {  	[dreg:$0x5] =	wrdreg $0x9  }
0xb8: {  	_ =	task.clear_ibuf [dreg:s8], $0x6FFFF;
	_ =	strace $0x90000049  }
0xb9: {  	s29 =	simm.s32 $0x9;
	_ =	strace $0x8000004B  }
0xba: {  	_ =	swait.ge [sflag:s29], $0x1  }
0xbb: {  	[sflag:s29] =	ssyncadd.s32 $0xFFFFFFFF  }
0xbc: {  	_ =	strace $0x9000004B  }
0xbd: {  	_ =	sfence  }
0xbe: {  	s30 =	sld [smem:$0x0];
	_ =	sdelay $0x2  }
0xbf: {  	s31 =	sshll.u32 s1, $0xD;
	s1 =	sshrl.u32 s1, $0x2  }
0xc0: {  	s3 =	sand.u32 $0x4000, s31;
	s1 =	sadd.s32 s1, s30  }
0xc1: {  	s0 =	sor.u32 s3, s0;
	s1 =	sshll.u32 s1, $0x11  }
0xc2: {  	s0 =	sor.u32 s1, s0  }
0xc3: {  	s0 =	sadd.s32 $0x8F2B, s0  }
0xc4: {  	[sflag:s0] =	ssyncadd.remote.s32 $0x1  }
0xc5: {  	_ =	sfence.sel $0xFFFF  }
0xc6: {  	[dreg:$0x0] =	wrdreg $0xFFFFFFFF;
	(pc) =	sbr.abs _section_cstart, $3  }
0xc7: {  	[dreg:$0x1] =	wrdreg $0xFFFFFFFF  }
0xc8: {  	_ =	task.clear_ibuf [dreg:s8], $0x2FFFF;
	_ =	strace $0x9FFFFFFF  }
0xc9: {  	(tm) =	ssettm $0x7FFFFFFF  }
tec
execute0_lowered:
.L_overlay_start_1:
0x0: {  	(tag) =	ssettag $0x1  }
0x1: {  	s0 =	stileid.u32;
	s1 =	srdreg.scid  }
0x2: {  	s1 =	sand.u32 $0x1, s1;
	s2 =	sshll.u32 s0, $0x1  }
0x3: {  	s1 =	sor.u32 s2, s1  }
0x4: {  	s2 =	smul.u32 $0x7D00, s1;
	_ =	sdelay $0x1  }
0x5: {  	s3 =	rddreg [dreg:$0x0];
	s6 =	ssub.s32 $0x4E2000, s2  }
0x6: {  	s4 =	rddreg [dreg:$0x1];
	s31 =	smulhi.u32 $0x83126F, s6  }
0x7: {  	s8 =	rddreg [dreg:$0x2]  }
0x8: {  	s5 =	simm.s32 $0x1;
	s10 =	simm.s32 $0x3;
	s7 =	sshrl.u32 s31, $0xB  }
0x9: {  	s13 =	simm.s32 $0x0;
	s12 =	simm.s32 $0x0;
	s9 =	smul.u32 $0xFA000, s7  }
.Ltmp0:
0xa: {  	s8 =	sadd.s32 $0x7F400, s8;
	s1 =	rddreg [dreg:$0x3];
	(pc) =	sbr.rel .LBB2_1-.Ltmp0, $4  }
0xb: {  	_ =	strace $0x8000004A;
	p0 =	sne.s32 s6, s9;
	s9 =	simm.s32 $0x1  }
0xc: {  	[sflag:s5] =	ssyncpa.u1 $0x0;
	s6 =	simm.s32 $0x2;
	s9 =	simm.s32 @!p0 $0x0  }
0xd: {  	s11 =	smov.u32 s2;
	[sflag:s6] =	ssyncpa.u1 $0x0;
	s7 =	sadd.s32 s9, s7  }
0xe: {  	vm0 =	vmmov $0xffff;
	[sflag:s10] =	ssyncpa.u1 $0x0;
	s10 =	simm.s32 $0x0;
	s9 =	sadd.s32 $0x1, s7  }
.LBB2_4:
0xf: {  	v2 =	vand.u32 $0x3, v2;
	v3 =	vshrl.u32 v0, $0x10;
	v62 =	vshll.u32 v0, $0x9  }
0x10: {  	v2 =	vsel vm1, $0xFFFFFFFF, v2;
	v3 =	vand.u32 $0x7F, v3;
	v0 =	vand.u32 $0x7FFE00, v62  }
0x11: {  	v3 =	vsel vm1, $0xFFFFFFFF, v3;
	v0 =	vsel vm1, $0xFFFFFE00, v0;
	v4 =	vand.u32 $0xFFFFFE00, v2  }
0x12: {  	v0 =	vadd.s32 v0, v4;
	v63 =	vand.u32 $0xFFFFFE00, v3  }
0x13: {  	v2 =	vshll.u32 v2, $0x7;
	v3 =	vand.u32 $0x7F, v3;
	v0 =	vadd.s32 v63, v0  }
0x14: {  	v2 =	vand.u32 $0x180, v2;
	v0 =	vor.u32 v3, v0  }
0x15: {  	v0 =	vor.u32 v2, v0;
	_ =	sdelay $0x1  }
0x16: {  	(ifvalue) =	ssetifvalue $0x7FFFFFFF;
	s15 =	sadd.s32 $0x10, s15  }
0x17: {  	[tilespmem:s15], [sflag:$0x1] =	stream.indirect_vreg.gather [hbm4b:s3+s10], $0x1, v1, vm0, $0x4038;
	[tilespmem:$0x1F400] =	vst v63  }
0x18: {  	(ifvalue) =	ssetifvalue $0x7FFFFFFF;
	s15 =	sadd.s32 $0x10, s15  }
0x19: {  	[tilespmem:s15], [sflag:$0x1] =	stream.indirect_vreg.gather [hbm4b:s3+s10], $0x1, v0, vm0, $0x4038;
	[tilespmem:$0x1F400] =	vst v63  }
0x1a: {  	_ =	swait.ge [sflag:s5], $0x7D00  }
0x1b: {  	s30 =	sshrl.u32 s13, $0x3;
	[sflag:s5] =	ssyncset.done $0x0  }
0x1c: {  	s31 =	sand.u32 $0x7, s13;
	s15 =	sadd.s32 s8, s30;
	[sflag:s5] =	ssyncadd.s32 $0xFFFF8300  }
0x1d: {  	[hbm4b:s15+s31] =	stream.linear.scatter [tilespmem:s14], [sflag:$0x3], $0x7D00, $0x38;
	[tilespmem:$0x1F400] =	vst v63  }
.LBB2_5:
0x1e: {  	s15 =	sadd.s32 $0xFA000, s11  }
0x1f: {  	p1 =	sgt.s32 s15, $0x4E1FFF  }
0x20: {  	s15 =	smov.u32 @p1 s2;
	p1 =	sne.s32 s12, s9  }
.Ltmp1:
0x21: {  	p0 =	slt.u32 s12, $0x2;
	(pc) =	sbr.rel @!p1 .LBB2_6-.Ltmp1, $4  }
0x22: {  	s14 =	simm.s32 @!p0 $0x3  }
0x23: {  	_ =	swait.ge @!p0 [sflag:s14], $0x7D00  }
0x24: {  	s16 =	sadd.s32 $0x1, s12;
	s13 =	smov.u32 s11;
	[sflag:s14] =	ssyncset.done @!p0 $0x0  }
0x25: {  	s12 =	smov.u32 s16;
	s11 =	smov.u32 s15;
	[sflag:s14] =	ssyncadd.s32 @!p0 $0xFFFF8300  }
.LBB2_1:
0x26: {  	p0 =	sge.u32 s12, s7  }
0x27: {  	s14 =	sxor.u32 @!p0 $0xFFFFFFFF, s12  }
0x28: {  	s14 =	sand.u32 @!p0 $0x1, s14  }
0x29: {  	s14 =	smul.u32 @!p0 $0x1F400, s14  }
0x2a: {  	s31 =	sadd.s32 $0xFFFFFFFF, s12;
	s15 =	sshrl.u32 @!p0 s11, $0x3  }
0x2b: {  	s16 =	sand.u32 @!p0 $0x7, s11;
	s15 =	sadd.s32 @!p0 s4, s15;
	s14 =	sshrl.u32 @!p0 s14, $0x2  }
0x2c: {  	[tilespmem:s14], [sflag:$0x2] =	stream.linear.gather @!p0 [hbm4b:s15+s16], $0x7D00, $0x38;
	[tilespmem:$0x1F400] =	vst v63  }
0x2d: {  	p0 =	sge.u32 s31, s7  }
.Ltmp2:
0x2e: {  	_ = 	snop;
	(pc) =	sbr.rel @p0 .LBB2_5-.Ltmp2, $1  }
0x2f: {  	_ =	sdelay $0x3  }
0x30: {  	s14 =	sand.u32 $0x1, s12  }
0x31: {  	_ =	swait.ge [sflag:s6], $0x7D00;
	p0 =	seq.s32 s14, $0x1;
	s14 =	simm.s32 $0x7D00  }
0x32: {  	[sflag:s6] =	ssyncset.done $0x0;
	s14 =	simm.s32 @!p0 $0x0  }
0x33: {  	[sflag:s6] =	ssyncadd.s32 $0xFFFF8300;
	(ifvalue) =	ssetifvalue $0x7FFFFFFF;
	v0 =	vld.msk [tilespmem:s14+$0x0 ss:$0x1], $0xffff  }
0x34: {  	s15 =	sadd.s32 $0x10, s14  }
0x35: {  	v3 =	vld.msk [tilespmem:s15+$0x0 ss:$0x1], $0xffff;
	_ =	sdelay $0x2  }
0x36: {  	vm1 =	veq.s32 v0, $0x80000000;
	v1 =	vshrl.u32 v0, $0xE;
	v2 =	vshrl.u32 v0, $0x10  }
0x37: {  	v0 =	vshll.u32 v0, $0x9;
	v1 =	vand.u32 $0x3, v1;
	v2 =	vand.u32 $0x7F, v2  }
0x38: {  	v0 =	vand.u32 $0x7FFE00, v0;
	v62 =	vshrl.u32 v3, $0x10;
	v1 =	vsel vm1, $0xFFFFFFFF, v1  }
0x39: {  	v2 =	vsel vm1, $0xFFFFFFFF, v2;
	v0 =	vsel vm1, $0xFFFFFE00, v0;
	v4 =	vand.u32 $0xFFFFFE00, v1  }
0x3a: {  	vm1 =	veq.s32 v3, $0x80000000;
	v61 =	vand.u32 $0xFFFFFE00, v2;
	v0 =	vadd.s32 v0, v4  }
0x3b: {  	v2 =	vand.u32 $0x7F, v2;
	v1 =	vshll.u32 v1, $0x7;
	v0 =	vadd.s32 v61, v0  }
0x3c: {  	v1 =	vand.u32 $0x180, v1;
	v0 =	vor.u32 v2, v0;
	v2 =	vshrl.u32 v3, $0xE  }
0x3d: {  	s15 =	sadd.s32 $0x10, s15;
	v3 =	vshll.u32 v3, $0x9;
	v1 =	vor.u32 v1, v0;
	v2 =	vand.u32 $0x3, v2  }
0x3e: {  	v4 =	vand.u32 $0x7F, v62;
	v0 =	vld.msk [tilespmem:s15+$0x0 ss:$0x1], $0xffff;
	v3 =	vand.u32 $0x7FFE00, v3;
	v2 =	vsel vm1, $0xFFFFFFFF, v2  }
0x3f: {  	v4 =	vsel vm1, $0xFFFFFFFF, v4;
	v3 =	vsel vm1, $0xFFFFFE00, v3;
	v5 =	vand.u32 $0xFFFFFE00, v2  }
0x40: {  	v63 =	vand.u32 $0xFFFFFE00, v4;
	v3 =	vadd.s32 v3, v5  }
0x41: {  	s14 =	sadd.s32 $0xFA00, s14;
	v4 =	vand.u32 $0x7F, v4;
	(ifvalue) =	ssetifvalue $0x7FFFFFFF;
	v2 =	vshll.u32 v2, $0x7;
	v3 =	vadd.s32 v63, v3  }
0x42: {  	[tilespmem:s14], [sflag:$0x1] =	stream.indirect_vreg.gather [hbm4b:s3+s10], $0x1, v1, vm0, $0x4038;
	v1 =	vand.u32 $0x180, v2;
	v3 =	vor.u32 v4, v3;
	[tilespmem:$0x1F400] =	vst v63  }
0x43: {  	s16 =	simm.s32 $0x20;
	s17 =	sadd.s32 $0x10, s15;
	s15 =	smov.u32 s14;
	vm1 =	veq.s32 v0, $0x80000000;
	v2 =	vshrl.u32 v0, $0xE;
	v1 =	vor.u32 v1, v3  }
.LBB2_3:
0x44: {  	s16 =	sadd.s32 $0x10, s16;
	v2 =	vand.u32 $0x3, v2;
	v3 =	vshrl.u32 v0, $0x10;
	v4 =	vshll.u32 v0, $0x9;
	v0 =	vld.msk [tilespmem:s17+$0x0 ss:$0x1], $0xffff  }
0x45: {  	p0 =	slt.u32 s16, $0x7CF0;
	v2 =	vsel vm1, $0xFFFFFFFF, v2;
	v3 =	vand.u32 $0x7F, v3;
	v4 =	vand.u32 $0x7FFE00, v4  }
.Ltmp3:
0x46: {  	v3 =	vsel vm1, $0xFFFFFFFF, v3;
	v4 =	vsel vm1, $0xFFFFFE00, v4;
	v5 =	vand.u32 $0xFFFFFE00, v2;
	(pc) =	sbr.rel @p0 .LBB2_3-.Ltmp3, $4  }
0x47: {  	s15 =	sadd.s32 $0x10, s15;
	v4 =	vadd.s32 v4, v5;
	v5 =	vand.u32 $0xFFFFFE00, v3;
	(ifvalue) =	ssetifvalue $0x7FFFFFFF  }
0x48: {  	v2 =	vshll.u32 v2, $0x7;
	v3 =	vand.u32 $0x7F, v3;
	v4 =	vadd.s32 v5, v4;
	[tilespmem:s15], [sflag:$0x1] =	stream.indirect_vreg.gather [hbm4b:s3+s10], $0x1, v1, vm0, $0x4038;
	[tilespmem:$0x1F400] =	vst v63  }
0x49: {  	v1 =	vand.u32 $0x180, v2;
	v3 =	vor.u32 v3, v4  }
0x4a: {  	s17 =	sadd.s32 $0x10, s17;
	vm1 =	veq.s32 v0, $0x80000000;
	v2 =	vshrl.u32 v0, $0xE;
	v1 =	vor.u32 v1, v3  }
.Ltmp4:
0x4b: {  	_ = 	snop;
	(pc) =	sbr.rel .LBB2_4-.Ltmp4, $1  }
0x4c: {  	_ =	sdelay $0x3  }
.LBB2_6:
0x4d: {  	_ =	sfence.sel $0x180000  }
0x4e: {  	s2 =	simm.s32 $0x2;
	[bflag:$0x0] =	sbarrier.arrive $0xFFFF  }
0x4f: {  	s30 =	simm.s32 $0x3;
	[sflag:s2] =	ssyncpa.u1 $0x1  }
0x50: {  	s31 =	simm.s32 $0x1;
	[sflag:s30] =	ssyncpa.u1 $0x1  }
0x51: {  	[sflag:s31] =	ssyncpa.u1 $0x1  }
0x52: {  	p0 =	sne.s32 s0, $0x0;
	_ =	strace $0x9000004A  }
0x53: {  	s0 =	sadd.s32 @!p0 $0x100000, s1;
	[bflag:$0x2] =	sbarrier.arrive $0xFFFF  }
0x54: {  	[sflag:s0] =	ssyncadd.tile.s32 @!p0 $0x1;
	_ =	shalt  }
.Lfunc_end2:
_tile_overlayer_lowered:
.L_overlay_start_2:
0x55: {  	(tag) =	ssettag $0x2  }
0x56: {  	s0 =	rddreg [dreg:$0x0];
	s2 =	stileid.u32  }
0x57: {  	s1 =	rddreg [dreg:$0x1];
	p0 =	sne.s32 s2, $0x0  }
0x58: {  	s3 =	rddreg [dreg:$0x2];
	[bflag:$0x3] =	sbarrier.arrive $0xFFFF;
	s2 =	simm.s32 @!p0 $0x1C01  }
0x59: {  	[timem:s3], [sflag:s2] =	dma.local @!p0 [hbm:s0], s1  }
0x5a: {  	s0 =	simm.s32 @!p0 $0x1  }
0x5b: {  	_ =	swait.ge @!p0 [sflag:s0], s1  }
0x5c: {  	s1 =	ssub.s32 @!p0 $0x0, s1;
	[sflag:s0] =	ssyncset.done @!p0 $0x0  }
0x5d: {  	[sflag:s0] =	ssyncadd.s32 @!p0 s1  }
0x5e: {  	[bflag:$0x3] =	sbarrier.arrive $0xFFFF  }
0x5f: {  	_ =	shalt  }

// kernel: scatter_offload_async_start
scs
__scs_entry_jumppad:
0x0: {  	(pc) =	sbr.rel $0x88, $3  }
0x1: {  	(tag) =	ssettag $0x0;
	lr =	simm.s32 $0x1  }
0x2: {  	[smem:$0x3F9B] =	sst lr;
	_ =	strace $0xD0000000  }
0x3: {  	_ = 	snop  }
0x4: {  	_ = 	snop  }
0x5: {  	_ = 	snop  }
0x6: {  	_ = 	snop  }
0x7: {  	_ = 	snop  }
__scs_overlays_trampoline_lowered:
0x8: {  	[smem:$0x3FAA] =	sst s0  }
0x9: {  	[smem:$0x3FAB] =	sst s1  }
0xa: {  	[smem:$0x3FAC] =	sst s2  }
0xb: {  	[smem:$0x3FAD] =	sst s3  }
0xc: {  	[smem:$0x3FAE] =	sst s4  }
0xd: {  	[smem:$0x3FAF] =	sst s5  }
0xe: {  	[smem:$0x3FB0] =	sst s6  }
0xf: {  	[smem:$0x3FB1] =	sst s7  }
0x10: {  	[smem:$0x3FB2] =	sst s8  }
0x11: {  	[smem:$0x3FB3] =	sst s9;
	s0 =	simm.s32 @!p0 $0x0  }
0x12: {  	s1 =	sld [smem:$0x3F99];
	s0 =	simm.s32 @p0 $0x1  }
0x13: {  	[smem:$0x3FB4] =	sst s0;
	s0 =	simm.s32 @!p1 $0x0  }
0x14: {  	s2 =	sld [smem:$0x3F98];
	s0 =	simm.s32 @p1 $0x1  }
0x15: {  	[smem:$0x3FB5] =	sst s0;
	s0 =	simm.s32 @!p2 $0x0  }
0x16: {  	s3 =	sld [smem:$0x3FDB];
	s0 =	simm.s32 @p2 $0x1  }
0x17: {  	s4 =	simm.s32 $0x1BF5;
	[smem:$0x3FB7] =	sst s0  }
0x18: {  	s0 =	sld [smem:$0x3F9A];
	_ =	swait.ge [sflag:s4], $0x0  }
0x19: {  	s7 =	sld [smem:$0x3F9B]  }
0x1a: {  	s8 =	sadd.s32 $0xFFFFE003, lr  }
0x1b: {  	s9 =	sadd.s32 $0xFFFFFEF7, lr;
	s5 =	simm.s32 $0xFFFFFFFF;
	p2 =	slt.u32 s8, $0xFFFFF086  }
0x1c: {  	p1 =	slt.u32 s9, $0xF7A;
	s5 =	simm.s32 @!p2 $0x0  }
0x1d: {  	s5 =	simm.s32 @p1 $0x1;
	p0 =	seq.s32 s7, s2  }
0x1e: {  	s7 =	smul.u32 @!p0 $0xF7A, s2;
	p2 =	seq.s32 @!p0 s5, $0x0  }
0x1f: {  	s9 =	smul.u32 $0xF7A, s1;
	s8 =	simm.s32 @!p0 $0x1BF5;
	p2 =	por !p2, p0  }
0x20: {  	[sflag:s8] =	ssyncset.s32 @!p0 $0xFFFFF086;
	s6 =	sadd.s32 @!p0 s3, s7;
	s7 =	simm.s32 @!p0 $0x108  }
0x21: {  	s3 =	sadd.s32 s3, s9;
	s6 =	sadd.s32 @!p0 $0x88, s6;
	s7 =	simm.s32 @p2 $0x1082  }
0x22: {  	[simem:s7], [sflag:s8] =	dma.local @!p0 [hbm:s6], $0xF7A  }
0x23: {  	s9 =	sor.u32 $0xD0000000, s2;
	s6 =	simm.s32 $0x108;
	_ =	swait.ge @!p0 [sflag:s8], $0x0  }
0x24: {  	s3 =	sadd.s32 $0x88, s3;
	s6 =	simm.s32 @!p1 $0x1082;
	[sflag:s4] =	ssyncset.s32 $0xFFFFF086  }
0x25: {  	[simem:s6], [sflag:s4] =	dma.local [hbm:s3], $0xF7A  }
0x26: {  	[smem:$0x3F9B] =	sst s1;
	(tag) =	ssettag s2;
	_ =	strace s9  }
0x27: {  	s1 =	sld [smem:$0x3FAB]  }
0x28: {  	s2 =	sld [smem:$0x3FAC]  }
0x29: {  	s4 =	sld [smem:$0x3FAE]  }
0x2a: {  	p0 =	seq.s32 s5, $0x0;
	s5 =	sld [smem:$0x3FAF]  }
0x2b: {  	s6 =	sld [smem:$0x3FB0]  }
0x2c: {  	s7 =	sld [smem:$0x3FB1]  }
0x2d: {  	s3 =	simm.s32 $0x108;
	s8 =	sld [smem:$0x3FB2]  }
0x2e: {  	s3 =	simm.s32 @!p0 $0x1082;
	s9 =	sld [smem:$0x3FB3]  }
0x2f: {  	lr =	sadd.s32 s0, s3;
	s0 =	sld [smem:$0x3FAA]  }
0x30: {  	s3 =	sld [smem:$0x3FAD]  }
0x31: {  	[smem:$0x3FB6] =	sst s10  }
0x32: {  	s10 =	sld [smem:$0x3FB4];
	_ =	sdelay $0x3  }
0x33: {  	p0 =	seq.s32 s10, $0x1;
	s10 =	sld [smem:$0x3FB6];
	_ =	sdelay $0x3  }
0x34: {  	[smem:$0x3FB6] =	sst s10  }
0x35: {  	s10 =	sld [smem:$0x3FB5];
	_ =	sdelay $0x3  }
0x36: {  	p1 =	seq.s32 s10, $0x1;
	s10 =	sld [smem:$0x3FB6];
	_ =	sdelay $0x3  }
0x37: {  	[smem:$0x3FB6] =	sst s10  }
0x38: {  	s10 =	sld [smem:$0x3FB7]  }
0x39: {  	_ = 	snop;
	(pc) =	sbr.ind lr, $3  }
0x3a: {  	_ = 	snop  }
0x3b: {  	_ = 	snop  }
0x3c: {  	p2 =	seq.s32 s10, $0x1;
	s10 =	sld [smem:$0x3FB6]  }
0x3d: {  	_ =	shalt  }
0x3e: {  	_ =	shalt  }
0x3f: {  	_ =	shalt  }
0x40: {  	_ =	shalt  }
0x41: {  	_ =	shalt  }
0x42: {  	_ =	shalt  }
0x43: {  	_ =	shalt  }
0x44: {  	_ =	shalt  }
0x45: {  	_ =	shalt  }
0x46: {  	_ =	shalt  }
0x47: {  	_ =	shalt  }
0x48: {  	_ =	shalt  }
0x49: {  	_ =	shalt  }
0x4a: {  	_ =	shalt  }
0x4b: {  	_ =	shalt  }
0x4c: {  	_ =	shalt  }
0x4d: {  	_ =	shalt  }
0x4e: {  	_ =	shalt  }
0x4f: {  	_ =	shalt  }
0x50: {  	_ =	shalt  }
0x51: {  	_ =	shalt  }
0x52: {  	_ =	shalt  }
0x53: {  	_ =	shalt  }
0x54: {  	_ =	shalt  }
0x55: {  	_ =	shalt  }
0x56: {  	_ =	shalt  }
0x57: {  	_ =	shalt  }
0x58: {  	_ =	shalt  }
0x59: {  	_ =	shalt  }
0x5a: {  	_ =	shalt  }
0x5b: {  	_ =	shalt  }
0x5c: {  	_ =	shalt  }
0x5d: {  	_ =	shalt  }
0x5e: {  	_ =	shalt  }
0x5f: {  	_ =	shalt  }
0x60: {  	_ =	shalt  }
0x61: {  	_ =	shalt  }
0x62: {  	_ =	shalt  }
0x63: {  	_ =	shalt  }
0x64: {  	_ =	shalt  }
0x65: {  	_ =	shalt  }
0x66: {  	_ =	shalt  }
0x67: {  	_ =	shalt  }
0x68: {  	_ =	shalt  }
0x69: {  	_ =	shalt  }
0x6a: {  	_ =	shalt  }
0x6b: {  	_ =	shalt  }
0x6c: {  	_ =	shalt  }
0x6d: {  	_ =	shalt  }
0x6e: {  	_ =	shalt  }
0x6f: {  	_ =	shalt  }
0x70: {  	_ =	shalt  }
0x71: {  	_ =	shalt  }
0x72: {  	_ =	shalt  }
0x73: {  	_ =	shalt  }
0x74: {  	_ =	shalt  }
0x75: {  	_ =	shalt  }
0x76: {  	_ =	shalt  }
0x77: {  	_ =	shalt  }
0x78: {  	_ =	shalt  }
0x79: {  	_ =	shalt  }
0x7a: {  	_ =	shalt  }
0x7b: {  	_ =	shalt  }
0x7c: {  	_ =	shalt  }
0x7d: {  	_ =	shalt  }
0x7e: {  	_ =	shalt  }
0x7f: {  	_ =	shalt  }
0x80: {  	_ =	shalt  }
0x81: {  	_ =	shalt  }
0x82: {  	_ =	shalt  }
0x83: {  	_ =	shalt  }
0x84: {  	_ =	shalt  }
0x85: {  	_ =	shalt  }
0x86: {  	_ =	shalt  }
0x87: {  	_ =	shalt  }
.Lfunc_end0:
.L_simem_size_0:
called_computation_lowered:
.L_overlay_start_0:
0x88: {  	s2 =	sld [smem:$0x3FD9]  }
0x89: {  	s3 =	sld [smem:$0x3FFE];
	_ =	sdelay $0x1  }
0x8a: {  	s1 =	srdreg.scid  }
0x8b: {  	s0 =	sand.u32 $0x1, s1  }
0x8c: {  	s13 =	sshll.u32 s0, $0xA;
	s2 =	sadd.s32 s3, s2  }
0x8d: {  	s2 =	sadd.s32 s2, s13  }
0x8e: {  	[smem:$0x3FC2] =	sst s2  }
0x8f: {  	_ = 	snop  }
0x90: {  	s2 =	sld [smem:$0x3FD0];
	_ =	sdelay $0x2  }
0x91: {  	s14 =	simm.s32 $0xA;
	s4 =	simm.s32 $0x10  }
0x92: {  	[smem:s4], [sflag:s14] =	dma.local [hbm:s2], $0x1  }
0x93: {  	_ =	swait.eq [sflag:s14], $0x1  }
0x94: {  	[sflag:s14] =	ssyncset.done $0x0  }
0x95: {  	[sflag:s14] =	ssyncadd.s32 $0xFFFFFFFF  }
0x96: {  	s15 =	sld [smem:$0x12];
	(tm) =	ssettm $0x1  }
0x97: {  	s16 =	sld [smem:$0x3FFB];
	_ =	sdelay $0x3  }
0x98: {  	_ =	strace s16  }
0x99: {  	s3 =	sld [smem:$0x3FFC];
	_ =	sdelay $0x3  }
0x9a: {  	_ =	strace s3  }
0x9b: {  	s3 =	sld [smem:$0x3FFD];
	_ =	sdelay $0x3  }
0x9c: {  	_ =	strace s3  }
0x9d: {  	_ =	strace $0x8FFFFFFF  }
0x9e: {  	s17 =	sld [smem:$0x3FDB];
	_ =	sdelay $0x1  }
0x9f: {  	s18 =	simm.s32 $_scs_section_size  }
0xa0: {  	s5 =	simm.s32 $_size__tile_overlayer_lowered;
	s6 =	simm.s32 $_tile_overlayer_lowered  }
0xa1: {  	s21 =	simm.s32 $0x1BFF;
	s20 =	sshll.u32 s6, $0x1;
	s3 =	sadd.s32 s18, s17  }
0xa2: {  	s7 =	simm.s32 $0x0;
	s19 =	sshll.u32 s5, $0x1;
	s5 =	sadd.s32 s20, s3  }
0xa3: {  	[timem:s7], [sflag:s21] =	dma.local [hbm:s5], s19  }
0xa4: {  	_ =	swait.ge [sflag:s21], s19  }
0xa5: {  	s4 =	ssub.s32 $0x0, s19;
	[sflag:s21] =	ssyncset.done $0x0  }
0xa6: {  	[sflag:s21] =	ssyncadd.s32 s4;
	_ =	sdelay $0x1  }
0xa7: {  	s22 =	simm.s32 $0x1B8B  }
0xa8: {  	_ =	swait.ge [sflag:s22], $0x1  }
0xa9: {  	[sflag:s22] =	ssyncset.done $0x0  }
0xaa: {  	s23 =	sld [smem:$0x3FFE];
	[sflag:s22] =	ssyncadd.s32 $0xFFFFFFFF  }
0xab: {  	s25 =	simm.s32 $0x1B8E;
	s24 =	sld [smem:$0x0]  }
0xac: {  	s26 =	simm.s32 $execute0_lowered;
	[smem:$0x3FD2] =	sst s25  }
0xad: {  	s6 =	sshll.u32 s26, $0x1;
	_ =	strace $0x80000046;
	[dreg:$0x1] =	wrdreg $0xFFFFFFFF  }
0xae: {  	s28 =	simm.s32 $_size_execute0_lowered;
	s3 =	sadd.s32 s3, s6;
	[dreg:$0x0] =	wrdreg $0x0  }
0xaf: {  	s6 =	sshll.u32 s28, $0x1;
	[dreg:$0x2] =	wrdreg s3  }
0xb0: {  	[dreg:$0x3] =	wrdreg s6  }
0xb1: {  	[dreg:$0x4] =	wrdreg $0xC0  }
0xb2: {  	_ =	task [dreg:s7], $0x5FFFF  }
0xb3: {  	[dreg:$0x1] =	wrdreg $0xFFFFFFFF  }
0xb4: {  	[dreg:$0x0] =	wrdreg $0x60  }
0xb5: {  	[dreg:$0x2] =	wrdreg s23  }
0xb6: {  	[dreg:$0x3] =	wrdreg s15  }
0xb7: {  	[dreg:$0x4] =	wrdreg s1  }
0xb8: {  	[dreg:$0x5] =	wrdreg s24  }
0xb9: {  	[dreg:$0x6] =	wrdreg $0x9  }
0xba: {  	_ =	task.clear_ibuf [dreg:s7], $0x7FFFF;
	_ =	strace $0x90000046  }
0xbb: {  	s29 =	simm.s32 $0x9;
	_ =	strace $0x80000048  }
0xbc: {  	_ =	swait.ge [sflag:s29], $0x1  }
0xbd: {  	[sflag:s29] =	ssyncadd.s32 $0xFFFFFFFF  }
0xbe: {  	_ =	strace $0x90000048  }
0xbf: {  	_ =	sfence  }
0xc0: {  	s30 =	sld [smem:$0x0];
	_ =	sdelay $0x2  }
0xc1: {  	s31 =	sshll.u32 s1, $0xD;
	s1 =	sshrl.u32 s1, $0x2  }
0xc2: {  	s3 =	sand.u32 $0x4000, s31;
	s1 =	sadd.s32 s1, s30  }
0xc3: {  	s0 =	sor.u32 s3, s0;
	s1 =	sshll.u32 s1, $0x11  }
0xc4: {  	s0 =	sor.u32 s1, s0  }
0xc5: {  	s0 =	sadd.s32 $0x8F2B, s0  }
0xc6: {  	[sflag:s0] =	ssyncadd.remote.s32 $0x1  }
0xc7: {  	_ =	sfence.sel $0xFFFF  }
0xc8: {  	[dreg:$0x0] =	wrdreg $0xFFFFFFFF;
	(pc) =	sbr.abs _section_cstart, $3  }
0xc9: {  	[dreg:$0x1] =	wrdreg $0xFFFFFFFF  }
0xca: {  	_ =	task.clear_ibuf [dreg:s7], $0x2FFFF;
	_ =	strace $0x9FFFFFFF  }
0xcb: {  	(tm) =	ssettm $0x7FFFFFFF  }
tec
execute0_lowered:
.L_overlay_start_1:
0x0: {  	(tag) =	ssettag $0x1  }
0x1: {  	s14 =	rddreg [dreg:$0x0]  }
0x2: {  	s15 =	rddreg [dreg:$0x1]  }
0x3: {  	s2 =	rddreg [dreg:$0x2];
	_ =	strace $0x80000047;
	s0 =	simm.s32 $0x1  }
0x4: {  	v0 =	vimm.s32 $0x0;
	[sflag:s0] =	ssyncpa.u1 $0x0;
	s0 =	simm.s32 $0x108  }
0x5: {  	[tilespmem:s0+$0x70] =	vst v0  }
0x6: {  	[tilespmem:s0+$0x60] =	vst v0  }
0x7: {  	[tilespmem:s0+$0x50] =	vst v0  }
0x8: {  	[tilespmem:s0+$0x40] =	vst v0  }
0x9: {  	[tilespmem:s0+$0x30] =	vst v0  }
0xa: {  	s3 =	simm.s32 $0x40;
	[tilespmem:s0+$0x20] =	vst v0  }
0xb: {  	s1 =	sadd.s32 $0x5000, s14;
	s6 =	sadd.s32 $0x9C4000, s14;
	s5 =	sand.u32 $0x1, s2;
	[tilespmem:s0+$0x10] =	vst v0  }
.LBB2_1:
0xc: {  	s3 =	sadd.s32 $0x40, s3;
	[tilespmem:s0+$0x0] =	vst v0;
	s0 =	sadd.s32 $0x80, s0  }
0xd: {  	p0 =	slt.u32 s3, $0x3C40;
	[tilespmem:s0+$0x70] =	vst v0  }
0xe: {  	[tilespmem:s0+$0x60] =	vst v0  }
.Ltmp0:
0xf: {  	[tilespmem:s0+$0x50] =	vst v0;
	(pc) =	sbr.rel @p0 .LBB2_1-.Ltmp0, $4  }
0x10: {  	[tilespmem:s0+$0x40] =	vst v0  }
0x11: {  	[tilespmem:s0+$0x30] =	vst v0  }
0x12: {  	[tilespmem:s0+$0x20] =	vst v0  }
0x13: {  	[tilespmem:s0+$0x10] =	vst v0  }
0x14: {  	s9 =	stileid.u32  }
0x15: {  	s2 =	smul.u32 $0x14, s9  }
0x16: {  	s3 =	smin.u32 s9, $0xE  }
0x17: {  	s2 =	sadd.s32 s3, s2  }
0x18: {  	p0 =	slt.u32 s9, $0xE;
	s7 =	smul.u32 $0xF0, s2;
	s2 =	simm.s32 $0x13B0  }
0x19: {  	s2 =	simm.s32 @!p0 $0x12C0  }
0x1a: {  	s2 =	sadd.s32 s2, s7  }
0x1b: {  	s8 =	smin.u32 s2, $0x13880  }
0x1c: {  	s2 =	ssub.s32 s8, s7  }
0x1d: {  	p0 =	sgt.s32 s2, $0x0  }
0x1e: {  	s29 =	simm.s32 $0x2;
	s10 =	simm.s32 $0x9;
	s2 =	simm.s32 @!p0 $0x0  }
0x1f: {  	s4 =	simm.s32 $0xA;
	s11 =	simm.s32 $0xB;
	s28 =	smulhi.u32 $0x88888889, s2  }
0x20: {  	[dreg:$0x5] =	wrdreg s5;
	s31 =	smul.u32 $0x2710, s5;
	s12 =	simm.s32 $0x1  }
0x21: {  	s22 =	simm.s32 $0x0;
	s18 =	simm.s32 $0xC;
	s30 =	sshrl.u32 s28, $0x7  }
0x22: {  	s20 =	simm.s32 $0x0;
	s21 =	simm.s32 $0x0;
	s3 =	smul.u32 $0xF0, s30  }
.Ltmp1:
0x23: {  	[tilespmem:s0+$0x0] =	vst v0;
	v0 =	vimm.s32 $0xFFFFFFFF;
	[sflag:s29] =	ssyncpa.u1 $0x0;
	s16 =	sshll.u32 s9, $0x8;
	(pc) =	sbr.rel .LBB2_3-.Ltmp1, $4  }
0x24: {  	[tilespmem:$0xF208] =	vst v0;
	[sflag:s10] =	ssyncpa.u1 $0x0;
	p0 =	sne.s32 s2, s3;
	s2 =	simm.s32 $0x1  }
0x25: {  	s14 =	sadd.s32 s31, s14;
	[sflag:s4] =	ssyncpa.u1 $0x0;
	s2 =	simm.s32 @!p0 $0x0  }
0x26: {  	s15 =	sadd.s32 s31, s15;
	[sflag:s11] =	ssyncpa.u1 $0x0;
	s13 =	sadd.s32 s2, s30  }
0x27: {  	v0 =	vlaneseq.u32;
	s19 =	smov.u32 s7;
	p0 =	por $0x0, $0x0;
	s17 =	sadd.s32 $0x1, s13  }
.LBB2_18:
0x28: {  	s0 =	sshrl.u32 s31, $0x2  }
.LBB2_20:
0x29: {  	_ =	swait.ge [sflag:s18], s0  }
0x2a: {  	s31 =	ssub.s32 $0x0, s0;
	v1 =	vmov s24;
	vm0 =	veq.s32 v0, $0x0;
	[sflag:s18] =	ssyncset.done $0x0  }
0x2b: {  	vm15 =	veq.s32 v0, $0x2;
	v1 =	vsel vm0, s30, v1;
	[sflag:s18] =	ssyncadd.s32 s31  }
0x2c: {  	v1 =	vsel vm15, s22, v1;
	[sflag:s18] =	ssyncpa.u1 $0x1  }
0x2d: {  	[tilespmem:$0xF208] =	vst v1  }
.LBB2_21:
0x2e: {  	s0 =	sadd.s32 $0xF0, s19  }
0x2f: {  	s2 =	smov.u32 s7;
	p1 =	slt.s32 s0, s8  }
0x30: {  	s2 =	smov.u32 @p1 s0;
	p1 =	sne.s32 s21, s17  }
.Ltmp2:
0x31: {  	_ = 	snop;
	(pc) =	sbr.rel @!p1 .LBB2_22-.Ltmp2, $3  }
0x32: {  	_ =	sdelay $0x1  }
0x33: {  	s22 =	smov.u32 s20;
	s31 =	sadd.s32 $0x1, s21;
	s20 =	smov.u32 s19  }
0x34: {  	p0 =	por !p0, !p0;
	s21 =	smov.u32 s31;
	s19 =	smov.u32 s2  }
.LBB2_3:
0x35: {  	p1 =	sge.u32 s21, s13  }
0x36: {  	s0 =	smulhi.u32 @!p1 $0xAAAAAAAB, s21  }
0x37: {  	s2 =	smov.u32 s19;
	p2 =	sgt.s32 @!p1 s19, $0x13790  }
0x38: {  	s3 =	sshra.s32 @!p1 s19, $0x1F;
	p2 =	por !p2, p1;
	s0 =	sshrl.u32 @!p1 s0, $0x1  }
0x39: {  	s3 =	sand.u32 @!p1 s3, s19;
	s2 =	simm.s32 @p2 $0x13790;
	s0 =	smul.u32 @!p1 $0x3, s0  }
0x3a: {  	s2 =	ssub.s32 @!p1 s2, s3  }
0x3b: {  	s2 =	sadd.s32 @!p1 $0xFFFEC870, s2;
	s0 =	ssub.s32 @!p1 s21, s0  }
0x3c: {  	s3 =	sshll.u32 @!p1 s2, $0x2;
	p2 =	sgt.s32 @!p1 s2, $0xEF;
	s0 =	smul.u32 @!p1 $0x3C0, s0  }
0x3d: {  	s4 =	sand.u32 @!p1 $0x7, s19;
	s2 =	ssub.s32 @!p1 $0x3C0, s3;
	p2 =	por !p2, p1  }
0x3e: {  	s3 =	sshrl.u32 @!p1 s19, $0x3;
	s2 =	sshrl.u32 @!p1 s2, $0x2;
	s0 =	sshrl.u32 @!p1 s0, $0x2  }
0x3f: {  	s3 =	sadd.s32 @!p1 s3, s14;
	s2 =	simm.s32 @!p2 $0x0;
	s0 =	sadd.s32 @!p1 $0x10248, s0  }
0x40: {  	[tilespmem:s0], [sflag:$0xA] =	stream.linear.gather @!p1 [hbm4b:s3+s4], s2, $0x38;
	[tilespmem:$0x1F6F8] =	vst v63  }
0x41: {  	s0 =	sadd.s32 $0xFFFFFFFF, s21  }
0x42: {  	p1 =	sge.u32 s0, s13  }
0x43: {  	p2 =	sgt.s32 @!p1 s20, $0x13790  }
0x44: {  	s2 =	smov.u32 s20;
	s3 =	sshra.s32 @!p1 s20, $0x1F;
	p2 =	por !p2, p1  }
0x45: {  	s3 =	sand.u32 @!p1 s3, s20;
	s2 =	simm.s32 @p2 $0x13790  }
0x46: {  	s2 =	ssub.s32 @!p1 s2, s3  }
0x47: {  	s2 =	sadd.s32 @!p1 $0xFFFEC870, s2  }
0x48: {  	s4 =	sand.u32 @!p1 $0x1, s0;
	s3 =	sshll.u32 @!p1 s2, $0x2  }
0x49: {  	p2 =	sgt.s32 @!p1 s2, $0xEF;
	s2 =	ssub.s32 @!p1 $0x3C0, s3;
	s3 =	smulhi.u32 @!p1 $0xAAAAAAAB, s0  }
0x4a: {  	s23 =	smul.u32 @!p1 $0x3C0, s4;
	p2 =	por !p2, p1;
	s2 =	sshrl.u32 @!p1 s2, $0x2  }
0x4b: {  	s5 =	simm.s32 @!p1 $0xA;
	s2 =	simm.s32 @!p2 $0x0;
	s3 =	sshrl.u32 @!p1 s3, $0x1  }
0x4c: {  	s23 =	sshrl.u32 @!p1 s23, $0x2;
	_ =	swait.ge @!p1 [sflag:s5], s2;
	s3 =	smul.u32 @!p1 $0x3, s3  }
0x4d: {  	s23 =	sadd.s32 @!p1 $0x10518, s23;
	s24 =	ssub.s32 @!p1 $0x0, s2;
	[sflag:s5] =	ssyncset.done @!p1 $0x0  }
0x4e: {  	[sflag:s5] =	ssyncadd.s32 @!p1 s24;
	s5 =	sshrl.u32 @!p1 s20, $0x3;
	s0 =	ssub.s32 @!p1 s0, s3  }
0x4f: {  	s24 =	sand.u32 @!p1 $0x7, s20;
	s5 =	sadd.s32 @!p1 s5, s15;
	s0 =	smul.u32 @!p1 $0x3C0, s0  }
0x50: {  	[tilespmem:s23], [sflag:$0xB] =	stream.linear.gather @!p1 [hbm4b:s5+s24], s2, $0x38;
	[tilespmem:$0x1F6F8] =	vst v63  }
0x51: {  	s3 =	ssub.s32 @!p1 $0x13880, s20;
	s2 =	smul.u32 @!p1 $0x1E000, s4  }
0x52: {  	p2 =	slt.s32 @!p1 s3, $0xF0  }
0x53: {  	p2 =	por !p2, p1;
	s0 =	sshrl.u32 @!p1 s0, $0x2;
	s2 =	sshrl.u32 @!p1 s2, $0x2  }
0x54: {  	s3 =	simm.s32 @p2 $0xF0;
	s0 =	sadd.s32 @!p1 $0x10248, s0;
	s2 =	sor.u32 @!p1 $0x106F8, s2  }
0x55: {  	[tilespmem:s2], [sflag:$0x9] =	stream.indirect.gather @!p1 [hbm4b:s6+s3], $0x80, s0, s3, $0xb8;
	[tilespmem:$0x1F6F8] =	vst v63  }
0x56: {  	p1 =	slt.u32 s21, $0x2  }
.Ltmp3:
0x57: {  	_ = 	snop;
	(pc) =	sbr.rel @p1 .LBB2_21-.Ltmp3, $1  }
0x58: {  	_ =	sdelay $0x3  }
0x59: {  	p1 =	sgt.s32 s22, $0x13790  }
0x5a: {  	s0 =	smov.u32 s22;
	s2 =	sshra.s32 s22, $0x1F;
	s3 =	ssub.s32 $0x13880, s22  }
0x5b: {  	s0 =	simm.s32 @!p1 $0x13790;
	s2 =	sand.u32 s2, s22;
	p1 =	slt.s32 s3, $0xF0  }
0x5c: {  	s0 =	ssub.s32 s0, s2;
	s3 =	simm.s32 @!p1 $0xF0  }
0x5d: {  	s0 =	sadd.s32 $0xFFFEC870, s0;
	s25 =	sshll.u32 s3, $0x7  }
0x5e: {  	s26 =	sshll.u32 s0, $0x2;
	s2 =	sand.u32 $0x3FFFFF80, s25  }
0x5f: {  	p1 =	sgt.s32 s0, $0xEF;
	s29 =	ssub.s32 $0x3C0, s26;
	_ =	swait.ge [sflag:s10], s2  }
0x60: {  	s2 =	ssub.s32 $0x0, s2;
	[sflag:s10] =	ssyncset.done $0x0;
	s0 =	sshrl.u32 s29, $0x2  }
0x61: {  	[sflag:s10] =	ssyncadd.s32 s2;
	s0 =	simm.s32 @p1 $0x0  }
0x62: {  	_ =	swait.ge [sflag:s11], s0  }
0x63: {  	s0 =	ssub.s32 $0x0, s0;
	[sflag:s11] =	ssyncset.done $0x0  }
0x64: {  	[sflag:s11] =	ssyncadd.s32 s0  }
0x65: {  	v1 =	vld [tilespmem:$0xF208];
	_ =	sdelay $0x4  }
0x66: {  	(v2sf) =	vpush v1, $0x0  }
0x67: {  	(v2sf) =	vpush v1, $0x1  }
0x68: {  	(v2sf) =	vpush v1, $0x2;
	_ =	sdelay $0x3  }
0x69: {  	s0 =	sadd.s32 $0xF0, s22  }
0x6a: {  	s2 =	ssub.s32 $0x27100, s22;
	p1 =	slt.s32 s8, s0  }
0x6b: {  	s0 =	smov.u32 @p1 s8;
	p1 =	sgt.s32 s2, $0x0  }
0x6c: {  	s26 =	ssub.s32 s0, s22;
	s2 =	simm.s32 @!p1 $0x0  }
0x6d: {  	p1 =	slt.s32 s2, s26  }
0x6e: {  	s26 =	smov.u32 @p1 s2  }
0x6f: {  	s25 =	simm.s32 $0x1;
	p1 =	slt.s32 s26, $0x1  }
.Ltmp4:
0x70: {  	s25 =	simm.s32 @!p0 $0x0;
	(pc) =	sbr.rel @p1 .LBB2_8-.Ltmp4, $4  }
0x71: {  	s31 =	smul.u32 $0x3C0, s25  }
0x72: {  	s28 =	spop (v2sf)  }
0x73: {  	s0 =	sshrl.u32 s31, $0x2;
	s30 =	spop (v2sf)  }
0x74: {  	s23 =	sadd.s32 $0x10518, s0;
	s22 =	spop (v2sf)  }
0x75: {  	s0 =	smin.u32 s26, $0x10  }
0x76: {  	v1 =	vmov s0  }
0x77: {  	p2 =	sgt.s32 s26, $0x10;
	vm1 =	vgt.u32 v1, v0  }
.Ltmp5:
0x78: {  	_ = 	snop;
	(pc) =	sbr.rel @!p2 .LBB2_7-.Ltmp5, $2  }
0x79: {  	_ =	sdelay $0x2  }
0x7a: {  	s4 =	simm.s32 $0x10;
	s24 =	sadd.s32 $0xFFFFFFF0, s26;
	s0 =	smov.u32 s23;
	vm0 =	vmmov vm1  }
.LBB2_6:
0x7b: {  	s2 =	smin.u32 s24, $0x10;
	s4 =	sadd.s32 $0x10, s4;
	v1 =	vld.msk [tilespmem:s0+$0x0 ss:$0x1], vm1  }
0x7c: {  	v2 =	vmov s2;
	p2 =	slt.s32 s4, s26  }
0x7d: {  	vm1 =	vgt.u32 v2, v0  }
.Ltmp6:
0x7e: {  	(pc) =	sbr.rel @p2 .LBB2_6-.Ltmp6, $3  }
0x7f: {  	_ =	sdelay $0x1  }
0x80: {  	v1 =	vshll.u32 v1, $0x4  }
0x81: {  	s24 =	sadd.s32 $0xFFFFFFF0, s24;
	[tilespmem:s0+$0x0] =	vst.msk vm0, v1;
	s0 =	sadd.s32 $0x10, s0;
	vm0 =	vmmov vm1  }
.LBB2_7:
0x82: {  	_ =	sdelay $0x4  }
0x83: {  	v1 =	vld.msk [tilespmem:s0+$0x0 ss:$0x1], vm1;
	_ =	sdelay $0x4  }
0x84: {  	v1 =	vshll.u32 v1, $0x4  }
0x85: {  	[tilespmem:s0+$0x0] =	vst.msk vm0, v1  }
.LBB2_8:
0x86: {  	s0 =	sand.u32 $0x1, s21  }
0x87: {  	s0 =	smul.u32 $0xF0, s0  }
0x88: {  	p2 =	sne.s32 s30, $0xFFFFFFFF  }
0x89: {  	v1 =	vld.msk @!p2 [tilespmem:s0+$0x10518], $0x1;
	_ =	sdelay $0x4  }
0x8a: {  	(v2sf) =	vpush @!p2 v1, $0x0;
	_ =	sdelay $0xc  }
.Ltmp7:
0x8b: {  	_ = 	snop;
	(pc) =	sbr.rel @p1 .LBB2_19-.Ltmp7, $4  }
0x8c: {  	_ = 	snop  }
0x8d: {  	s29 =	spop @!p2 (v2sf)  }
0x8e: {  	s22 =	simm.s32 @!p2 $0x0;
	s24 =	smov.u32 s29  }
0x8f: {  	[sflag:s18] =	ssyncpa.u1 $0x0;
	s29 =	smov.u32 @p2 s28;
	s24 =	smov.u32 @p2 s30  }
0x90: {  	v1 =	vld.msk [tilespmem:s23+$0x0], $0x1;
	_ =	sdelay $0x4  }
0x91: {  	(v2sf) =	vpush v1, $0x0;
	_ =	sdelay $0xe  }
0x92: {  	s2 =	smul.u32 $0x1E000, s25;
	s0 =	spop (v2sf)  }
0x93: {  	s26 =	ssub.s32 $0x0, s26;
	p1 =	seq.s32 s29, s0  }
0x94: {  	s30 =	sadd.s32 $0x1, s26;
	s2 =	sshrl.u32 s2, $0x2;
	p2 =	sgt.s32 @!p1 s29, $0x0  }
0x95: {  	s25 =	sor.u32 $0x10738, s2;
	s2 =	smov.u32 s29;
	p2 =	por !p2, p1  }
0x96: {  	s2 =	simm.s32 @p2 $0x0;
	p2 =	seq.s32 s30, $0x0  }
.Ltmp8:
0x97: {  	_ = 	snop;
	(pc) =	sbr.rel @p2 .LBB2_11-.Ltmp8, $4  }
0x98: {  	_ = 	snop  }
0x99: {  	s28 =	simm.s32 $0x0;
	s31 =	sadd.s32 $0x1, s23;
	s2 =	smin.u32 @!p1 s2, $0x270F0  }
0x9a: {  	s4 =	simm.s32 @!p1 $0x1;
	s5 =	simm.s32 @!p1 $0x7988;
	s3 =	sand.u32 @!p1 $0x3FFF8, s2  }
0x9b: {  	s4 =	smov.u32 @p1 s28;
	s2 =	sand.u32 @!p1 $0x7, s2;
	s3 =	sadd.s32 @!p1 s1, s3  }
.LBB2_10:
0x9c: {  	s9 =	smov.u32 s4  }
0x9d: {  	[tilespmem:s5], [sflag:$0x2] =	stream.linear.gather @!p1 [hbm4b:s3+s2], $0x80, $0x38;
	[tilespmem:$0x1F6F8] =	vst v63  }
0x9e: {  	s30 =	sadd.s32 $0x1, s30;
	s2 =	smov.u32 s0;
	v1 =	vld.msk [tilespmem:s31+$0x0], $0x1  }
0x9f: {  	p2 =	seq.s32 s30, $0x0;
	_ =	sdelay $0x3  }
0xa0: {  	(v2sf) =	vpush v1, $0x0;
	_ =	sdelay $0xe  }
0xa1: {  	s0 =	spop (v2sf)  }
0xa2: {  	p1 =	seq.s32 s2, s0  }
0xa3: {  	p3 =	sgt.s32 @!p1 s2, $0x0;
	s3 =	sshll.u32 @!p1 s4, $0x9;
	s4 =	sadd.s32 @!p1 $0x1, s4  }
.Ltmp9:
0xa4: {  	p3 =	por !p3, p1;
	s3 =	sshra.s32 @!p1 s3, $0x2;
	(pc) =	sbr.rel @!p2 .LBB2_10-.Ltmp9, $4  }
0xa5: {  	s4 =	smov.u32 @p1 s9;
	s2 =	simm.s32 @p3 $0x0;
	s5 =	sadd.s32 @!p1 $0x7988, s3  }
0xa6: {  	s2 =	smin.u32 @!p1 s2, $0x270F0  }
0xa7: {  	s3 =	sand.u32 @!p1 $0x3FFF8, s2;
	s2 =	sand.u32 @!p1 $0x7, s2  }
0xa8: {  	s31 =	sadd.s32 $0x1, s31;
	s3 =	sadd.s32 @!p1 s1, s3  }
.LBB2_11:
0xa9: {  	[tilespmem:s5], [sflag:$0x2] =	stream.linear.gather @!p1 [hbm4b:s3+s2], $0x80, $0x38;
	[tilespmem:$0x1F6F8] =	vst v63  }
.Ltmp10:
0xaa: {  	s0 =	sshll.u32 s4, $0x7;
	(pc) =	sbr.rel .LBB2_12-.Ltmp10, $4  }
0xab: {  	s30 =	simm.s32 $0x2;
	s0 =	sand.u32 $0x3FFFFF80, s0  }
0xac: {  	_ =	swait.ge [sflag:s30], s0  }
0xad: {  	s0 =	ssub.s32 $0x0, s0;
	[sflag:s30] =	ssyncset.done $0x0  }
0xae: {  	s31 =	simm.s32 $0x0;
	[sflag:s30] =	ssyncadd.s32 s0  }
.LBB2_13:
0xaf: {  	v1 =	vld [tilespmem:s25+$0xFFFFFFC0];
	_ =	sdelay $0x3  }
0xb0: {  	s0 =	sshra.s32 s0, $0x2  }
0xb1: {  	[tilespmem:s0+$0x108] =	vst.add.f32.msk $0xffff, v1  }
0xb2: {  	v1 =	vld [tilespmem:s25+$0xFFFFFFD0];
	_ =	sdelay $0x4  }
0xb3: {  	[tilespmem:s0+$0x118] =	vst.add.f32.msk $0xffff, v1  }
0xb4: {  	v1 =	vld [tilespmem:s25+$0xFFFFFFE0];
	_ =	sdelay $0x4  }
0xb5: {  	[tilespmem:s0+$0x128] =	vst.add.f32.msk $0xffff, v1  }
0xb6: {  	v1 =	vld [tilespmem:s25+$0xFFFFFFF0];
	_ =	sdelay $0x4  }
0xb7: {  	[tilespmem:s0+$0x138] =	vst.add.f32.msk $0xffff, v1  }
0xb8: {  	v1 =	vld [tilespmem:s25+$0x0];
	_ =	sdelay $0x4  }
0xb9: {  	[tilespmem:s0+$0x148] =	vst.add.f32.msk $0xffff, v1  }
0xba: {  	v1 =	vld [tilespmem:s25+$0x10];
	_ =	sdelay $0x4  }
0xbb: {  	[tilespmem:s0+$0x158] =	vst.add.f32.msk $0xffff, v1  }
0xbc: {  	v1 =	vld [tilespmem:s25+$0x20];
	_ =	sdelay $0x4  }
0xbd: {  	[tilespmem:s0+$0x168] =	vst.add.f32.msk $0xffff, v1  }
0xbe: {  	v1 =	vld [tilespmem:s25+$0x30];
	_ =	sdelay $0x4  }
0xbf: {  	[tilespmem:s0+$0x178] =	vst.add.f32.msk $0xffff, v1  }
.LBB2_17:
0xc0: {  	s26 =	sadd.s32 $0x1, s26  }
0xc1: {  	p1 =	seq.s32 s26, $0x0  }
.Ltmp11:
0xc2: {  	_ = 	snop;
	(pc) =	sbr.rel @p1 .LBB2_18-.Ltmp11, $2  }
0xc3: {  	_ =	sdelay $0x2  }
0xc4: {  	s23 =	sadd.s32 $0x1, s23;
	s25 =	sadd.s32 $0x80, s25;
	s29 =	smov.u32 s30  }
.LBB2_12:
0xc5: {  	v1 =	vld.msk [tilespmem:s23+$0x0], $0x1;
	_ =	sdelay $0x4  }
0xc6: {  	(v2sf) =	vpush v1, $0x0;
	_ =	sdelay $0xe  }
0xc7: {  	s30 =	spop (v2sf)  }
0xc8: {  	p1 =	sne.s32 s29, s30  }
.Ltmp12:
0xc9: {  	_ = 	snop;
	(pc) =	sbr.rel @!p1 .LBB2_13-.Ltmp12, $2  }
0xca: {  	_ =	sdelay $0x2  }
0xcb: {  	s0 =	sshll.u32 s22, $0x9  }
0xcc: {  	p1 =	seq.s32 s29, s24  }
.Ltmp13:
0xcd: {  	_ = 	snop;
	(pc) =	sbr.rel @!p1 .LBB2_15-.Ltmp13, $1  }
0xce: {  	_ =	sdelay $0x3  }
0xcf: {  	s0 =	sshra.s32 s0, $0x2  }
.Ltmp14:
0xd0: {  	s0 =	sadd.s32 $0x108, s0;
	(pc) =	sbr.rel .LBB2_16-.Ltmp14, $4  }
0xd1: {  	[spmem:s16] =	stream.linear.scatter [tilespmem:s0], [sflag:$0x1], $0x80, $0x38;
	[tilespmem:$0x1F6F8] =	vst v63  }
0xd2: {  	_ =	swait.ge [sflag:s12], $0x80  }
0xd3: {  	[sflag:s12] =	ssyncset.done $0x0  }
0xd4: {  	[sflag:s12] =	ssyncadd.s32 $0xFFFFFF80  }
.LBB2_15:
0xd5: {  	s2 =	sshll.u32 s28, $0x9  }
0xd6: {  	s2 =	sshra.s32 s2, $0x2  }
0xd7: {  	v1 =	vld [tilespmem:s2+$0x7988];
	_ =	sdelay $0x3  }
0xd8: {  	s0 =	sshra.s32 s0, $0x2  }
0xd9: {  	[tilespmem:s0+$0x108] =	vst.add.f32.msk $0xffff, v1  }
0xda: {  	v1 =	vld [tilespmem:s2+$0x7998];
	_ =	sdelay $0x4  }
0xdb: {  	[tilespmem:s0+$0x118] =	vst.add.f32.msk $0xffff, v1  }
0xdc: {  	v1 =	vld [tilespmem:s2+$0x79A8];
	_ =	sdelay $0x4  }
0xdd: {  	[tilespmem:s0+$0x128] =	vst.add.f32.msk $0xffff, v1  }
0xde: {  	v1 =	vld [tilespmem:s2+$0x79B8];
	_ =	sdelay $0x4  }
0xdf: {  	[tilespmem:s0+$0x138] =	vst.add.f32.msk $0xffff, v1  }
0xe0: {  	v1 =	vld [tilespmem:s2+$0x79C8];
	_ =	sdelay $0x4  }
0xe1: {  	[tilespmem:s0+$0x148] =	vst.add.f32.msk $0xffff, v1  }
0xe2: {  	v1 =	vld [tilespmem:s2+$0x79D8];
	_ =	sdelay $0x4  }
0xe3: {  	[tilespmem:s0+$0x158] =	vst.add.f32.msk $0xffff, v1  }
0xe4: {  	v1 =	vld [tilespmem:s2+$0x79E8];
	_ =	sdelay $0x4  }
0xe5: {  	[tilespmem:s0+$0x168] =	vst.add.f32.msk $0xffff, v1  }
0xe6: {  	v1 =	vld [tilespmem:s2+$0x79F8];
	_ =	sdelay $0x2  }
0xe7: {  	p1 =	sgt.u32 s29, $0x270F0  }
0xe8: {  	s2 =	sand.u32 @!p1 $0x3FFF8, s29  }
0xe9: {  	s3 =	sadd.s32 $0x108, s0;
	[tilespmem:s0+$0x178] =	vst.add.f32.msk $0xffff, v1;
	s0 =	sadd.s32 @!p1 s1, s2;
	s2 =	sand.u32 @!p1 $0x7, s29  }
0xea: {  	[hbm4b:s0+s2] =	stream.linear.scatter @!p1 [tilespmem:s3], [sflag:$0xC], $0x80, $0x38;
	[tilespmem:$0x1F6F8] =	vst v63  }
0xeb: {  	s0 =	simm.s32 $0x0  }
0xec: {  	s0 =	simm.s32 @!p1 $0x200  }
0xed: {  	s31 =	sadd.s32 s0, s31  }
.LBB2_16:
0xee: {  	s0 =	sadd.s32 $0x1, s22  }
0xef: {  	s2 =	smulhi.u32 $0x88888889, s0;
	_ =	sdelay $0x1  }
0xf0: {  	v1 =	vld [tilespmem:s25+$0xFFFFFFC0];
	s2 =	sshrl.u32 s2, $0x7  }
0xf1: {  	s2 =	smul.u32 $0xF0, s2;
	_ =	sdelay $0x1  }
0xf2: {  	s22 =	ssub.s32 s0, s2  }
0xf3: {  	s0 =	sshll.u32 s22, $0x7  }
0xf4: {  	[tilespmem:s0+$0x108] =	vst v1  }
0xf5: {  	v1 =	vld [tilespmem:s25+$0xFFFFFFD0];
	_ =	sdelay $0x4  }
0xf6: {  	[tilespmem:s0+$0x118] =	vst v1  }
0xf7: {  	v1 =	vld [tilespmem:s25+$0xFFFFFFE0];
	_ =	sdelay $0x4  }
0xf8: {  	[tilespmem:s0+$0x128] =	vst v1  }
0xf9: {  	v1 =	vld [tilespmem:s25+$0xFFFFFFF0];
	_ =	sdelay $0x4  }
0xfa: {  	[tilespmem:s0+$0x138] =	vst v1  }
0xfb: {  	v1 =	vld [tilespmem:s25+$0x0];
	_ =	sdelay $0x4  }
0xfc: {  	[tilespmem:s0+$0x148] =	vst v1  }
0xfd: {  	v1 =	vld [tilespmem:s25+$0x10];
	_ =	sdelay $0x4  }
0xfe: {  	[tilespmem:s0+$0x158] =	vst v1  }
0xff: {  	v1 =	vld [tilespmem:s25+$0x20];
	_ =	sdelay $0x4  }
0x100: {  	[tilespmem:s0+$0x168] =	vst v1  }
0x101: {  	v1 =	vld [tilespmem:s25+$0x30]  }
.Ltmp15:
0x102: {  	_ = 	snop;
	(pc) =	sbr.rel .LBB2_17-.Ltmp15, $2  }
0x103: {  	_ =	sdelay $0x2  }
0x104: {  	s28 =	sadd.s32 $0x1, s28;
	[tilespmem:s0+$0x178] =	vst v1  }
.LBB2_19:
.Ltmp16:
0x105: {  	(pc) =	sbr.rel .LBB2_20-.Ltmp16, $4  }
0x106: {  	_ = 	snop  }
0x107: {  	s0 =	simm.s32 $0x2  }
0x108: {  	_ =	swait.ge [sflag:s0], $0x0  }
0x109: {  	s30 =	smov.u32 s29;
	[sflag:s0] =	ssyncset.done $0x0;
	s0 =	simm.s32 $0x0  }
.LBB2_22:
0x10a: {  	_ =	sfence.sel $0x180000  }
0x10b: {  	s0 =	simm.s32 $0x9;
	[bflag:$0x0] =	sbarrier.arrive $0xFFFF  }
0x10c: {  	s24 =	simm.s32 $0xA;
	[sflag:s0] =	ssyncpa.u1 $0x1  }
0x10d: {  	s25 =	simm.s32 $0xB;
	[sflag:s24] =	ssyncpa.u1 $0x1  }
0x10e: {  	s26 =	simm.s32 $0x2;
	[sflag:s25] =	ssyncpa.u1 $0x1  }
0x10f: {  	[sflag:s26] =	ssyncpa.u1 $0x1  }
0x110: {  	v0 =	vld [tilespmem:$0xF208];
	_ =	sdelay $0x4  }
0x111: {  	(v2sf) =	vpush v0, $0x0  }
0x112: {  	(v2sf) =	vpush v0, $0x1;
	_ =	sdelay $0x1  }
0x113: {  	(v2sf) =	vpush v0, $0x2;
	_ =	sdelay $0xb  }
0x114: {  	s0 =	spop (v2sf)  }
0x115: {  	s2 =	spop (v2sf)  }
0x116: {  	s3 =	smov.u32 s0;
	p0 =	sne.s32 s0, s2  }
0x117: {  	s4 =	spop (v2sf);
	s3 =	simm.s32 @!p0 $0xFFFFFFFF  }
0x118: {  	v2 =	vimm.s32 $0x1;
	v3 =	vlaneseq.u32;
	p0 =	seq.s32 s4, $0xFFFFFFFF;
	v1 =	vmov s3  }
0x119: {  	s16 =	stileid.u32;
	v0 =	vperm.xlane v0, v2;
	p1 =	sne.s32 @!p0 s0, s2;
	v1 =	vperm.xlane v1, v3  }
0x11a: {  	vm0 =	vcmask $0x3F04;
	s6 =	simm.s32 $0xF208;
	s0 =	simm.s32 @!p0 $0x1;
	p1 =	por !p1, p0  }
0x11b: {  	s3 =	sshll.u32 s16, $0x1;
	s2 =	sshll.u32 @!p0 s4, $0x9;
	s0 =	simm.s32 @p1 $0x0;
	v0 =	vsel vm0, v1, v0  }
0x11c: {  	s5 =	sor.u32 $0x1000, s3;
	s2 =	sshra.s32 @!p0 s2, $0x2;
	s0 =	sor.u32 @!p0 s0, s3;
	[tilespmem:$0xF208] =	vst v0  }
0x11d: {  	[spmem:s5] =	stream.linear.scatter [tilespmem:s6], [sflag:$0x1], $0x2, $0x38;
	[tilespmem:$0x1F6F8] =	vst v63  }
0x11e: {  	s2 =	sadd.s32 @!p0 $0x108, s2;
	s0 =	sshll.u32 @!p0 s0, $0x7  }
0x11f: {  	[spmem:s0] =	stream.linear.scatter @!p0 [tilespmem:s2], [sflag:$0x1], $0x80, $0x38;
	[tilespmem:$0x1F6F8] =	vst v63  }
0x120: {  	s0 =	simm.s32 @!p0 $0x82  }
0x121: {  	s28 =	simm.s32 $0x1;
	s0 =	simm.s32 @p0 $0x2  }
0x122: {  	_ =	swait.ge [sflag:s28], s0  }
0x123: {  	s0 =	ssub.s32 $0x0, s0;
	[sflag:s28] =	ssyncset.done $0x0  }
0x124: {  	p0 =	sne.s32 s16, $0x0;
	[sflag:s28] =	ssyncadd.s32 s0  }
.Ltmp17:
0x125: {  	_ =	sfence.stream.spmem;
	(pc) =	sbr.rel @p0 .LBB2_39-.Ltmp17, $4  }
0x126: {  	s29 =	simm.s32 $0x3;
	[bflag:$0x0] =	sbarrier.arrive $0xFFFF  }
0x127: {  	s30 =	simm.s32 $0x4;
	[sflag:s29] =	ssyncpa.u1 $0x1  }
0x128: {  	s31 =	simm.s32 $0x3C;
	[sflag:s30] =	ssyncpa.u1 $0x1  }
0x129: {  	s15 =	rddreg [dreg:$0x5];
	[sflag:s31] =	ssyncpa.u1 $0x1  }
0x12a: {  	_ =	sfence.stream.spmem;
	s0 =	simm.s32 $0x5  }
0x12b: {  	s2 =	simm.s32 $0x1000;
	s3 =	simm.s32 $0xF218;
	[sflag:s0] =	ssyncpa.u1 $0x0  }
0x12c: {  	[tilespmem:s3], [sflag:$0x5] =	stream.linear.gather [spmem:s2], $0x20, $0x38;
	[tilespmem:$0x1F6F8] =	vst v63  }
0x12d: {  	s26 =	simm.s32 $0x0;
	s28 =	simm.s32 $0xF238  }
0x12e: {  	[tilespmem:s28], [sflag:$0x5] =	stream.linear.gather [spmem:s26], $0x1000, $0x38;
	[tilespmem:$0x1F6F8] =	vst v63  }
0x12f: {  	_ =	swait.ge [sflag:s0], $0x1020  }
0x130: {  	[sflag:s0] =	ssyncset.done $0x0  }
0x131: {  	s29 =	simm.s32 $0x0;
	[sflag:s0] =	ssyncadd.s32 $0xFFFFEFE0  }
0x132: {  	v0 =	vld.msk [tilespmem:s29+$0xF218], $0x1;
	_ =	sdelay $0x1  }
0x133: {  	s30 =	simm.s32 $0x1  }
0x134: {  	v1 =	vld.msk [tilespmem:s30+$0xF218], $0x1;
	_ =	sdelay $0x1  }
0x135: {  	(v2sf) =	vpush v0, $0x0;
	_ =	sdelay $0x2  }
0x136: {  	(v2sf) =	vpush v1, $0x0;
	_ =	sdelay $0x2  }
0x137: {  	s31 =	simm.s32 $0x2  }
0x138: {  	v0 =	vld.msk [tilespmem:s31+$0xF218], $0x1;
	_ =	sdelay $0x2  }
0x139: {  	s4 =	simm.s32 $0xFFFFFFFF;
	s5 =	simm.s32 $0xFFFFFFFF;
	s0 =	simm.s32 $0xC  }
.LBB2_24:
0x13a: {  	s2 =	smov.u32 s5;
	s3 =	smov.u32 s4  }
0x13b: {  	s4 =	sshra.s32 s0, $0x2;
	p1 =	sne.s32 s0, $0x7C;
	s0 =	sadd.s32 $0x4, s0;
	(v2sf) =	vpush v0, $0x0  }
0x13c: {  	v0 =	vld.msk [tilespmem:s4+$0xF218], $0x1  }
.Ltmp18:
0x13d: {  	(pc) =	sbr.rel @p1 .LBB2_24-.Ltmp18, $4  }
0x13e: {  	s5 =	spop (v2sf)  }
0x13f: {  	p2 =	sne.s32 s3, $0xFFFFFFFF;
	s4 =	smov.u32 s5  }
0x140: {  	p3 =	seq.s32 s5, $0xFFFFFFFF;
	s4 =	smov.u32 @p2 s3  }
0x141: {  	s5 =	smov.u32 @p3 s2;
	s4 =	smov.u32 @p3 s3  }
0x142: {  	(v2sf) =	vpush v0, $0x0;
	_ =	sdelay $0x8  }
0x143: {  	s0 =	spop (v2sf)  }
0x144: {  	p1 =	sne.s32 s4, $0xFFFFFFFF;
	s2 =	smov.u32 s0  }
0x145: {  	s9 =	simm.s32 $0x6;
	p2 =	seq.s32 s0, $0xFFFFFFFF;
	s2 =	smov.u32 @p1 s4  }
0x146: {  	s6 =	simm.s32 $0x0;
	s2 =	smov.u32 @p2 s4;
	s3 =	spop (v2sf)  }
0x147: {  	s0 =	smov.u32 @p2 s5;
	p1 =	sne.s32 s2, $0xFFFFFFFF;
	s4 =	smov.u32 s3  }
.Ltmp19:
0x148: {  	p2 =	seq.s32 s3, $0xFFFFFFFF;
	s4 =	smov.u32 @p1 s2;
	(pc) =	sbr.rel .LBB2_26-.Ltmp19, $4  }
0x149: {  	s10 =	simm.s32 $0xF188;
	s4 =	smov.u32 @p2 s2;
	s7 =	spop (v2sf)  }
0x14a: {  	s11 =	simm.s32 $0x0;
	p1 =	sne.s32 s4, $0xFFFFFFFF;
	s8 =	smov.u32 s7  }
0x14b: {  	s3 =	smov.u32 @p2 s0;
	p2 =	seq.s32 s7, $0xFFFFFFFF;
	s8 =	smov.u32 @p1 s4  }
0x14c: {  	[sflag:s9] =	ssyncpa.u1 $0x0;
	s7 =	smov.u32 @p2 s3;
	s8 =	smov.u32 @p2 s4  }
.LBB2_32:
0x14d: {  	p1 =	sgt.u32 s12, $0x270F0  }
0x14e: {  	p2 =	seq.s32 @!p1 s12, s8  }
0x14f: {  	p1 =	por p1, p2  }
0x150: {  	p2 =	sne.s32 @!p1 s12, s7  }
0x151: {  	p1 =	por p1, !p2  }
0x152: {  	s0 =	sshll.u32 @p1 s11, $0x9  }
0x153: {  	s0 =	sand.u32 @!p1 $0x3FFF8, s12  }
0x154: {  	s2 =	sand.u32 @!p1 $0x7, s12;
	s0 =	sadd.s32 @!p1 s1, s0  }
0x155: {  	[tilespmem:s10], [sflag:$0x6] =	stream.linear.gather @!p1 [hbm4b:s0+s2], $0x80, $0x38;
	[tilespmem:$0x1F6F8] =	vst v63  }
0x156: {  	_ =	swait.ge @!p1 [sflag:s9], $0x80  }
0x157: {  	[sflag:s9] =	ssyncset.done @!p1 $0x0  }
0x158: {  	[sflag:s9] =	ssyncadd.s32 @!p1 $0xFFFFFF80  }
0x159: {  	v1 =	vld @!p1 [tilespmem:$0xF188];
	_ =	sdelay $0x2  }
0x15a: {  	s0 =	sshll.u32 @!p1 s11, $0x9  }
0x15b: {  	s2 =	sshrl.u32 @!p1 s0, $0x2  }
0x15c: {  	[tilespmem:s2+$0xF238] =	vst.add.f32.msk @!p1 $0xffff, v1  }
0x15d: {  	v1 =	vld @!p1 [tilespmem:$0xF198];
	_ =	sdelay $0x4  }
0x15e: {  	[tilespmem:s2+$0xF248] =	vst.add.f32.msk @!p1 $0xffff, v1  }
0x15f: {  	v1 =	vld @!p1 [tilespmem:$0xF1A8];
	_ =	sdelay $0x4  }
0x160: {  	[tilespmem:s2+$0xF258] =	vst.add.f32.msk @!p1 $0xffff, v1  }
0x161: {  	v1 =	vld @!p1 [tilespmem:$0xF1B8];
	_ =	sdelay $0x4  }
0x162: {  	[tilespmem:s2+$0xF268] =	vst.add.f32.msk @!p1 $0xffff, v1  }
0x163: {  	v1 =	vld @!p1 [tilespmem:$0xF1C8];
	_ =	sdelay $0x4  }
0x164: {  	[tilespmem:s2+$0xF278] =	vst.add.f32.msk @!p1 $0xffff, v1  }
0x165: {  	v1 =	vld @!p1 [tilespmem:$0xF1D8];
	_ =	sdelay $0x4  }
0x166: {  	[tilespmem:s2+$0xF288] =	vst.add.f32.msk @!p1 $0xffff, v1  }
0x167: {  	v1 =	vld @!p1 [tilespmem:$0xF1E8];
	_ =	sdelay $0x4  }
0x168: {  	[tilespmem:s2+$0xF298] =	vst.add.f32.msk @!p1 $0xffff, v1  }
0x169: {  	v1 =	vld @!p1 [tilespmem:$0xF1F8];
	_ =	sdelay $0x4  }
0x16a: {  	[tilespmem:s2+$0xF2A8] =	vst.add.f32.msk @!p1 $0xffff, v1  }
0x16b: {  	s0 =	sshrl.u32 s0, $0x2;
	[tilespmem:s6+$0xF218] =	vst.msk $0x1, v0  }
0x16c: {  	v0 =	vld [tilespmem:s0+$0xF238];
	_ =	sdelay $0x2  }
0x16d: {  	s31 =	sshll.u32 s6, $0x9  }
0x16e: {  	s2 =	sshra.s32 s31, $0x2  }
0x16f: {  	[tilespmem:s2+$0xF238] =	vst v0  }
0x170: {  	v0 =	vld [tilespmem:s0+$0xF248];
	_ =	sdelay $0x4  }
0x171: {  	[tilespmem:s2+$0xF248] =	vst v0  }
0x172: {  	v0 =	vld [tilespmem:s0+$0xF258];
	_ =	sdelay $0x4  }
0x173: {  	[tilespmem:s2+$0xF258] =	vst v0  }
0x174: {  	v0 =	vld [tilespmem:s0+$0xF268];
	_ =	sdelay $0x4  }
0x175: {  	[tilespmem:s2+$0xF268] =	vst v0  }
0x176: {  	v0 =	vld [tilespmem:s0+$0xF278];
	_ =	sdelay $0x4  }
0x177: {  	[tilespmem:s2+$0xF278] =	vst v0  }
0x178: {  	v0 =	vld [tilespmem:s0+$0xF288];
	_ =	sdelay $0x4  }
0x179: {  	[tilespmem:s2+$0xF288] =	vst v0  }
0x17a: {  	v0 =	vld [tilespmem:s0+$0xF298];
	_ =	sdelay $0x4  }
0x17b: {  	[tilespmem:s2+$0xF298] =	vst v0  }
0x17c: {  	v0 =	vld [tilespmem:s0+$0xF2A8];
	_ =	sdelay $0x4  }
0x17d: {  	s6 =	sadd.s32 $0x1, s6;
	[tilespmem:s2+$0xF2A8] =	vst v0  }
.LBB2_33:
0x17e: {  	s11 =	sadd.s32 $0x1, s11  }
0x17f: {  	p1 =	sne.s32 s11, $0x20  }
.Ltmp20:
0x180: {  	_ = 	snop;
	(pc) =	sbr.rel @!p1 .LBB2_34-.Ltmp20, $1  }
0x181: {  	_ =	sdelay $0x3  }
.LBB2_26:
0x182: {  	v0 =	vld.msk [tilespmem:s11+$0xF218], $0x1;
	_ =	sdelay $0x4  }
0x183: {  	(v2sf) =	vpush v0, $0x0;
	_ =	sdelay $0xe  }
0x184: {  	s12 =	spop (v2sf)  }
0x185: {  	p1 =	seq.s32 s12, $0xFFFFFFFF  }
.Ltmp21:
0x186: {  	_ = 	snop;
	(pc) =	sbr.rel @p1 .LBB2_33-.Ltmp21, $1  }
0x187: {  	_ =	sdelay $0x3  }
0x188: {  	p1 =	slt.s32 s6, $0x1  }
.Ltmp22:
0x189: {  	_ = 	snop;
	(pc) =	sbr.rel @p1 .LBB2_32-.Ltmp22, $1  }
0x18a: {  	_ =	sdelay $0x3  }
0x18b: {  	s13 =	simm.s32 $0xF218;
	p1 =	por $0x0, $0x0  }
0x18c: {  	v1 =	vld.msk @!p1 [tilespmem:s13+$0x0], $0x1;
	_ =	sdelay $0x4  }
0x18d: {  	(v2sf) =	vpush @!p1 v1, $0x0;
	_ =	sdelay $0xd  }
0x18e: {  	p3 =	sne.s32 s6, $0x1  }
.Ltmp23:
0x18f: {  	s0 =	spop @!p1 (v2sf);
	(pc) =	sbr.rel @!p3 .LBB2_30-.Ltmp23, $4  }
0x190: {  	p2 =	seq.s32 @!p1 s12, s0  }
0x191: {  	s14 =	simm.s32 $0x0;
	p2 =	por !p2, p1  }
0x192: {  	s2 =	simm.s32 $0xFFFFFFFF;
	s14 =	simm.s32 @p2 $0xFFFFFFFF  }
0x193: {  	s0 =	simm.s32 $0x1;
	s14 =	smov.u32 @p1 s2  }
.LBB2_29:
0x194: {  	s2 =	smov.u32 s14;
	p1 =	sne.s32 s14, $0xFFFFFFFF  }
0x195: {  	s13 =	sadd.s32 $0x1, s13;
	s14 =	smov.u32 s0;
	s0 =	sadd.s32 $0x1, s0  }
0x196: {  	p2 =	sne.s32 s6, s0;
	v1 =	vld.msk @!p1 [tilespmem:s13+$0x0], $0x1;
	_ =	sdelay $0x4  }
0x197: {  	(v2sf) =	vpush @!p1 v1, $0x0;
	_ =	sdelay $0xe  }
.Ltmp24:
0x198: {  	s3 =	spop @!p1 (v2sf);
	(pc) =	sbr.rel @p2 .LBB2_29-.Ltmp24, $4  }
0x199: {  	p3 =	seq.s32 @!p1 s12, s3  }
0x19a: {  	p3 =	por !p3, p1  }
0x19b: {  	s14 =	simm.s32 @p3 $0xFFFFFFFF  }
0x19c: {  	s14 =	smov.u32 @p1 s2  }
.LBB2_30:
0x19d: {  	p1 =	seq.s32 s14, $0xFFFFFFFF  }
.Ltmp25:
0x19e: {  	_ = 	snop;
	(pc) =	sbr.rel @p1 .LBB2_32-.Ltmp25, $1  }
0x19f: {  	_ =	sdelay $0x3  }
0x1a0: {  	s0 =	sshll.u32 s11, $0x7  }
0x1a1: {  	s0 =	sand.u32 $0x3FFFFF80, s0  }
0x1a2: {  	v0 =	vld [tilespmem:s0+$0xF238];
	_ =	sdelay $0x2  }
0x1a3: {  	s2 =	sshll.u32 s14, $0x9  }
0x1a4: {  	s2 =	sshra.s32 s2, $0x2  }
0x1a5: {  	[tilespmem:s2+$0xF238] =	vst.add.f32.msk $0xffff, v0  }
0x1a6: {  	v0 =	vld [tilespmem:s0+$0xF248];
	_ =	sdelay $0x4  }
0x1a7: {  	[tilespmem:s2+$0xF248] =	vst.add.f32.msk $0xffff, v0  }
0x1a8: {  	v0 =	vld [tilespmem:s0+$0xF258];
	_ =	sdelay $0x4  }
0x1a9: {  	[tilespmem:s2+$0xF258] =	vst.add.f32.msk $0xffff, v0  }
0x1aa: {  	v0 =	vld [tilespmem:s0+$0xF268];
	_ =	sdelay $0x4  }
0x1ab: {  	[tilespmem:s2+$0xF268] =	vst.add.f32.msk $0xffff, v0  }
0x1ac: {  	v0 =	vld [tilespmem:s0+$0xF278];
	_ =	sdelay $0x4  }
0x1ad: {  	[tilespmem:s2+$0xF278] =	vst.add.f32.msk $0xffff, v0  }
0x1ae: {  	v0 =	vld [tilespmem:s0+$0xF288];
	_ =	sdelay $0x4  }
0x1af: {  	[tilespmem:s2+$0xF288] =	vst.add.f32.msk $0xffff, v0  }
0x1b0: {  	v0 =	vld [tilespmem:s0+$0xF298];
	_ =	sdelay $0x4  }
0x1b1: {  	[tilespmem:s2+$0xF298] =	vst.add.f32.msk $0xffff, v0  }
0x1b2: {  	v0 =	vld [tilespmem:s0+$0xF2A8]  }
.Ltmp26:
0x1b3: {  	_ = 	snop;
	(pc) =	sbr.rel .LBB2_33-.Ltmp26, $2  }
0x1b4: {  	_ =	sdelay $0x2  }
0x1b5: {  	[tilespmem:s2+$0xF2A8] =	vst.add.f32.msk $0xffff, v0  }
.LBB2_34:
0x1b6: {  	s0 =	simm.s32 $0x6;
	p1 =	seq.s32 s6, $0x0  }
0x1b7: {  	[sflag:s0] =	ssyncpa.u1 $0x1;
	v0 =	vimm.s32 @p1 $0xFFFFFFFF  }
0x1b8: {  	s9 =	sadd.s32 $0xFFFFFFFF, s6;
	[tilespmem:$0x10238] =	vst @p1 v0  }
0x1b9: {  	v0 =	vld.msk @!p1 [tilespmem:s9+$0xF218], $0x1;
	_ =	sdelay $0x1  }
0x1ba: {  	v1 =	vld.msk @!p1 [tilespmem:$0xF218], $0x1;
	_ =	sdelay $0x2  }
0x1bb: {  	p2 =	seq.s32 @!p1 s9, $0x0;
	v0 =	vbroadcast @!p1 v0, $0x0  }
0x1bc: {  	vm0 =	vmmov @!p1 $0x1;
	p2 =	por !p2, p1  }
0x1bd: {  	v1 =	vnsel @!p1 vm0, $0xFFFFFFFF, v1;
	vm0 =	vcmask @!p1 $0x308;
	v0 =	vpsel !p2, $0xFFFFFFFF, v0  }
0x1be: {  	p2 =	sne.s32 @!p1 s8, s7;
	v0 =	vsel @!p1 vm0, v1, v0  }
0x1bf: {  	s0 =	simm.s32 @!p1 $0xF238;
	s2 =	simm.s32 @!p1 $0x0;
	p3 =	por !p2, p1;
	[tilespmem:$0x10238] =	vst @!p1 v0  }
0x1c0: {  	[spmem:s2] =	stream.linear.scatter @!p1 [tilespmem:s0], [sflag:$0x1], $0x80, $0x38;
	[tilespmem:$0x1F6F8] =	vst v63  }
0x1c1: {  	s0 =	sshll.u32 @!p3 s9, $0x9  }
0x1c2: {  	s0 =	sshra.s32 @!p3 s0, $0x2  }
0x1c3: {  	s2 =	simm.s32 @!p3 $0x80;
	s0 =	sadd.s32 @!p3 $0xF238, s0  }
0x1c4: {  	[spmem:s2] =	stream.linear.scatter @!p3 [tilespmem:s0], [sflag:$0x1], $0x80, $0x38;
	[tilespmem:$0x1F6F8] =	vst v63  }
0x1c5: {  	s0 =	simm.s32 @!p3 $0x1  }
0x1c6: {  	_ =	swait.ge @!p3 [sflag:s0], $0x100  }
0x1c7: {  	p1 =	por p2, p1;
	[sflag:s0] =	ssyncset.done @!p3 $0x0  }
0x1c8: {  	[sflag:s0] =	ssyncadd.s32 @!p3 $0xFFFFFF00;
	s0 =	simm.s32 @!p1 $0x1  }
0x1c9: {  	_ =	swait.ge @!p1 [sflag:s0], $0x80  }
0x1ca: {  	s29 =	simm.s32 $0x10238;
	[sflag:s0] =	ssyncset.done @!p1 $0x0  }
0x1cb: {  	s30 =	simm.s32 $0x1000;
	s31 =	simm.s32 $0x1;
	[sflag:s0] =	ssyncadd.s32 @!p1 $0xFFFFFF80  }
0x1cc: {  	[spmem:s30] =	stream.linear.scatter [tilespmem:s29], [sflag:$0x1], $0x10, $0x38;
	[tilespmem:$0x1F6F8] =	vst v63  }
0x1cd: {  	_ =	swait.ge [sflag:s31], $0x10  }
0x1ce: {  	[sflag:s31] =	ssyncset.done $0x0  }
0x1cf: {  	p1 =	seq.s32 s15, $0x0;
	s8 =	rddreg [dreg:$0x2];
	[sflag:s31] =	ssyncadd.s32 $0xFFFFFFF0  }
0x1d0: {  	s2 =	sshll.u32 @p1 s8, $0xE;
	s7 =	rddreg [dreg:$0x3]  }
0x1d1: {  	s0 =	sadd.s32 @p1 $0x15C3C, s2;
	s2 =	sshll.u32 @p1 s7, $0x11  }
0x1d2: {  	_ =	sfence.stream.spmem;
	s0 =	sor.u32 @p1 s2, s0  }
0x1d3: {  	[sflag:s0] =	ssyncadd.remote.s32 @p1 $0x1;
	s0 =	simm.s32 @p1 $0x4  }
0x1d4: {  	s3 =	simm.s32 @!p1 $0x3C;
	s2 =	sand.u32 $0xFFFFFFFE, s8;
	_ =	swait.ge @p1 [sflag:s0], $0x22  }
0x1d5: {  	s4 =	simm.s32 @!p1 $0x0;
	s2 =	sadd.s32 @!p1 $0x4, s2;
	[sflag:s0] =	ssyncset.done @p1 $0x0  }
0x1d6: {  	s5 =	simm.s32 @!p1 $0x100;
	[sflag:s0] =	ssyncadd.s32 @p1 $0xFFFFFFDE;
	s0 =	sshll.u32 @!p1 s2, $0x1A  }
0x1d7: {  	s2 =	sshll.u32 @!p1 s2, $0xD;
	s0 =	sor.u32 @!p1 s0, s7;
	_ =	swait.eq @!p1 [sflag:s3], $0x1  }
0x1d8: {  	s2 =	sor.u32 @!p1 $0x1C04, s2;
	s3 =	simm.s32 @!p1 $0x1C03;
	s0 =	sor.u32 @!p1 $0x80004000, s0  }
0x1d9: {  	[spmem:s5], [sflag:s2] =	dma.general @!p1 [spmem:s4], [sflag:s3], length:$0x20, [dreg:$0x0], stride_count:$0x0, ici_dest:s0, dma_misc:DstOpCode:WRITE  }
0x1da: {  	p2 =	slt.s32 s9, $0x2;
	s4 =	simm.s32 @!p1 $0x200;
	s5 =	simm.s32 @!p1 $0x202  }
0x1db: {  	[spmem:s5], [sflag:s2] =	dma.general @!p1 [spmem:s4], [sflag:s3], length:$0x2, [dreg:$0x0], stride_count:$0x0, ici_dest:s0, dma_misc:DstOpCode:WRITE  }
.Ltmp27:
0x1dc: {  	s0 =	simm.s32 @!p1 $0x3;
	(pc) =	sbr.rel @p2 .LBB2_38-.Ltmp27, $4  }
0x1dd: {  	s2 =	sshll.u32 @!p1 s8, $0xE;
	_ =	swait.ge @!p1 [sflag:s0], $0x22  }
0x1de: {  	s3 =	sshll.u32 @!p1 s7, $0x11;
	s2 =	sadd.s32 @!p1 $0x11C3C, s2;
	[sflag:s0] =	ssyncset.done @!p1 $0x0  }
0x1df: {  	[sflag:s0] =	ssyncadd.s32 @!p1 $0xFFFFFFDE;
	s0 =	sor.u32 @!p1 s3, s2  }
0x1e0: {  	[sflag:s0] =	ssyncadd.remote.s32 @!p1 $0xFFFFFFFF;
	s0 =	simm.s32 $0x0  }
0x1e1: {  	s0 =	simm.s32 $0xF219  }
0x1e2: {  	v0 =	vld.msk [tilespmem:s0+$0x0], $0x1;
	_ =	sdelay $0x4  }
0x1e3: {  	(v2sf) =	vpush v0, $0x0;
	_ =	sdelay $0xb  }
0x1e4: {  	s31 =	sadd.s32 $0xFFFFFFFE, s6  }
0x1e5: {  	s0 =	sadd.s32 $0xFFFFFFFF, s31  }
0x1e6: {  	p2 =	sne.s32 s0, $0x0  }
.Ltmp28:
0x1e7: {  	s2 =	spop (v2sf);
	(pc) =	sbr.rel @!p2 .LBB2_37-.Ltmp28, $4  }
0x1e8: {  	s4 =	simm.s32 $0xF2B8;
	s7 =	simm.s32 $0x0;
	p1 =	sgt.u32 s2, $0x270F0  }
0x1e9: {  	s5 =	simm.s32 $0x0;
	s6 =	simm.s32 $0xF21A;
	s3 =	sand.u32 @!p1 $0x3FFF8, s2  }
0x1ea: {  	s2 =	sand.u32 @!p1 $0x7, s2;
	s7 =	simm.s32 @!p1 $0x200;
	s3 =	sadd.s32 @!p1 s1, s3  }
0x1eb: {  	[hbm4b:s3+s2] =	stream.linear.scatter @!p1 [tilespmem:s4], [sflag:$0x5], $0x80, $0x38;
	[tilespmem:$0x1F6F8] =	vst v63  }
.LBB2_36:
0x1ec: {  	v0 =	vld.msk [tilespmem:s6+$0x0], $0x1;
	s0 =	sadd.s32 $0xFFFFFFFF, s0;
	s5 =	sadd.s32 s5, s7  }
0x1ed: {  	p1 =	sne.s32 s0, $0x0;
	_ =	sdelay $0x3  }
0x1ee: {  	(v2sf) =	vpush v0, $0x0;
	_ =	sdelay $0xe  }
.Ltmp29:
0x1ef: {  	s2 =	spop (v2sf);
	(pc) =	sbr.rel @p1 .LBB2_36-.Ltmp29, $4  }
0x1f0: {  	s7 =	simm.s32 $0x0;
	p2 =	sgt.u32 s2, $0x270F0  }
0x1f1: {  	s4 =	sadd.s32 $0x80, s4;
	s7 =	simm.s32 @!p2 $0x200;
	s3 =	sand.u32 @!p2 $0x3FFF8, s2  }
0x1f2: {  	s6 =	sadd.s32 $0x1, s6;
	s2 =	sand.u32 @!p2 $0x7, s2;
	s3 =	sadd.s32 @!p2 s1, s3  }
0x1f3: {  	[hbm4b:s3+s2] =	stream.linear.scatter @!p2 [tilespmem:s4], [sflag:$0x5], $0x80, $0x38;
	[tilespmem:$0x1F6F8] =	vst v63  }
.LBB2_37:
0x1f4: {  	s0 =	sadd.s32 s5, s7  }
0x1f5: {  	s0 =	sshrl.u32 s0, $0x2  }
.LBB2_38:
0x1f6: {  	s2 =	simm.s32 $0x5  }
0x1f7: {  	_ =	swait.ge [sflag:s2], s0  }
0x1f8: {  	s31 =	ssub.s32 $0x0, s0;
	[sflag:s2] =	ssyncset.done $0x0  }
0x1f9: {  	[sflag:s2] =	ssyncadd.s32 s31  }
0x1fa: {  	[sflag:s2] =	ssyncpa.u1 $0x1  }
.LBB2_39:
0x1fb: {  	s0 =	sor.u32 s15, s16  }
0x1fc: {  	p1 =	sne.s32 s0, $0x0  }
.Ltmp30:
0x1fd: {  	_ = 	snop;
	(pc) =	sbr.rel @p1 .LBB2_54-.Ltmp30, $3  }
0x1fe: {  	_ =	sdelay $0x1  }
0x1ff: {  	[bflag:$0x0] =	sbarrier.arrive $0xFFFF  }
0x200: {  	_ =	sfence  }
0x201: {  	s0 =	simm.s32 $0x7  }
0x202: {  	s2 =	simm.s32 $0x1000;
	s3 =	simm.s32 $0xF218;
	[sflag:s0] =	ssyncpa.u1 $0x0  }
0x203: {  	[tilespmem:s3], [sflag:$0x7] =	stream.linear.gather [spmem:s2], $0x20, $0x38;
	[tilespmem:$0x1F6F8] =	vst v63  }
0x204: {  	s30 =	simm.s32 $0xF238;
	s2 =	simm.s32 $0x0  }
0x205: {  	[tilespmem:s30], [sflag:$0x7] =	stream.linear.gather [spmem:s2], $0x1000, $0x38;
	[tilespmem:$0x1F6F8] =	vst v63  }
.Ltmp31:
0x206: {  	_ = 	snop;
	(pc) =	sbr.rel .LBB2_41-.Ltmp31, $4  }
0x207: {  	_ =	swait.ge [sflag:s0], $0x1020  }
0x208: {  	[sflag:s0] =	ssyncset.done $0x0  }
0x209: {  	s31 =	simm.s32 $0x8;
	[sflag:s0] =	ssyncadd.s32 $0xFFFFEFE0  }
0x20a: {  	s3 =	simm.s32 $0x0;
	[sflag:s31] =	ssyncpa.u1 $0x0  }
.LBB2_47:
0x20b: {  	p1 =	slt.u32 s4, $0x270F1  }
0x20c: {  	s0 =	sand.u32 @p1 $0x3FFF8, s4  }
0x20d: {  	s4 =	sand.u32 @p1 $0x7, s4;
	s5 =	simm.s32 @p1 $0xF188;
	s0 =	sadd.s32 @p1 s1, s0  }
0x20e: {  	[tilespmem:s5], [sflag:$0x8] =	stream.linear.gather @p1 [hbm4b:s0+s4], $0x80, $0x38;
	[tilespmem:$0x1F6F8] =	vst v63  }
0x20f: {  	s0 =	simm.s32 @p1 $0x8  }
0x210: {  	_ =	swait.ge @p1 [sflag:s0], $0x80  }
0x211: {  	[sflag:s0] =	ssyncset.done @p1 $0x0  }
0x212: {  	[sflag:s0] =	ssyncadd.s32 @p1 $0xFFFFFF80  }
0x213: {  	v1 =	vld @p1 [tilespmem:$0xF188];
	_ =	sdelay $0x2  }
0x214: {  	s0 =	sshll.u32 @p1 s3, $0x9  }
0x215: {  	s4 =	sshrl.u32 @p1 s0, $0x2  }
0x216: {  	[tilespmem:s4+$0xF238] =	vst.add.f32.msk @p1 $0xffff, v1  }
0x217: {  	v1 =	vld @p1 [tilespmem:$0xF198];
	_ =	sdelay $0x4  }
0x218: {  	[tilespmem:s4+$0xF248] =	vst.add.f32.msk @p1 $0xffff, v1  }
0x219: {  	v1 =	vld @p1 [tilespmem:$0xF1A8];
	_ =	sdelay $0x4  }
0x21a: {  	[tilespmem:s4+$0xF258] =	vst.add.f32.msk @p1 $0xffff, v1  }
0x21b: {  	v1 =	vld @p1 [tilespmem:$0xF1B8];
	_ =	sdelay $0x4  }
0x21c: {  	[tilespmem:s4+$0xF268] =	vst.add.f32.msk @p1 $0xffff, v1  }
0x21d: {  	v1 =	vld @p1 [tilespmem:$0xF1C8];
	_ =	sdelay $0x4  }
0x21e: {  	[tilespmem:s4+$0xF278] =	vst.add.f32.msk @p1 $0xffff, v1  }
0x21f: {  	v1 =	vld @p1 [tilespmem:$0xF1D8];
	_ =	sdelay $0x4  }
0x220: {  	[tilespmem:s4+$0xF288] =	vst.add.f32.msk @p1 $0xffff, v1  }
0x221: {  	v1 =	vld @p1 [tilespmem:$0xF1E8];
	_ =	sdelay $0x4  }
0x222: {  	[tilespmem:s4+$0xF298] =	vst.add.f32.msk @p1 $0xffff, v1  }
0x223: {  	v1 =	vld @p1 [tilespmem:$0xF1F8];
	_ =	sdelay $0x3  }
0x224: {  	s5 =	sshll.u32 @!p1 s3, $0x9  }
0x225: {  	s5 =	smov.u32 @p1 s0;
	[tilespmem:s4+$0xF2A8] =	vst.add.f32.msk @p1 $0xffff, v1  }
0x226: {  	s0 =	sshrl.u32 s5, $0x2;
	[tilespmem:s2+$0xF218] =	vst.msk $0x1, v0  }
0x227: {  	v0 =	vld [tilespmem:s0+$0xF238];
	_ =	sdelay $0x2  }
0x228: {  	s31 =	sshll.u32 s2, $0x9  }
0x229: {  	s4 =	sshra.s32 s31, $0x2  }
0x22a: {  	[tilespmem:s4+$0xF238] =	vst v0  }
0x22b: {  	v0 =	vld [tilespmem:s0+$0xF248];
	_ =	sdelay $0x4  }
0x22c: {  	[tilespmem:s4+$0xF248] =	vst v0  }
0x22d: {  	v0 =	vld [tilespmem:s0+$0xF258];
	_ =	sdelay $0x4  }
0x22e: {  	[tilespmem:s4+$0xF258] =	vst v0  }
0x22f: {  	v0 =	vld [tilespmem:s0+$0xF268];
	_ =	sdelay $0x4  }
0x230: {  	[tilespmem:s4+$0xF268] =	vst v0  }
0x231: {  	v0 =	vld [tilespmem:s0+$0xF278];
	_ =	sdelay $0x4  }
0x232: {  	[tilespmem:s4+$0xF278] =	vst v0  }
0x233: {  	v0 =	vld [tilespmem:s0+$0xF288];
	_ =	sdelay $0x4  }
0x234: {  	[tilespmem:s4+$0xF288] =	vst v0  }
0x235: {  	v0 =	vld [tilespmem:s0+$0xF298];
	_ =	sdelay $0x4  }
0x236: {  	[tilespmem:s4+$0xF298] =	vst v0  }
0x237: {  	v0 =	vld [tilespmem:s0+$0xF2A8];
	_ =	sdelay $0x4  }
0x238: {  	s2 =	sadd.s32 $0x1, s2;
	[tilespmem:s4+$0xF2A8] =	vst v0  }
.LBB2_48:
0x239: {  	s3 =	sadd.s32 $0x1, s3  }
0x23a: {  	p1 =	sne.s32 s3, $0x20  }
.Ltmp32:
0x23b: {  	_ = 	snop;
	(pc) =	sbr.rel @!p1 .LBB2_49-.Ltmp32, $1  }
0x23c: {  	_ =	sdelay $0x3  }
.LBB2_41:
0x23d: {  	v0 =	vld.msk [tilespmem:s3+$0xF218], $0x1;
	_ =	sdelay $0x4  }
0x23e: {  	(v2sf) =	vpush v0, $0x0;
	_ =	sdelay $0xe  }
0x23f: {  	s4 =	spop (v2sf)  }
0x240: {  	p1 =	seq.s32 s4, $0xFFFFFFFF  }
.Ltmp33:
0x241: {  	_ = 	snop;
	(pc) =	sbr.rel @p1 .LBB2_48-.Ltmp33, $1  }
0x242: {  	_ =	sdelay $0x3  }
0x243: {  	p1 =	slt.s32 s2, $0x1  }
.Ltmp34:
0x244: {  	_ = 	snop;
	(pc) =	sbr.rel @p1 .LBB2_47-.Ltmp34, $1  }
0x245: {  	_ =	sdelay $0x3  }
0x246: {  	s5 =	simm.s32 $0xF218;
	p1 =	por $0x0, $0x0  }
0x247: {  	v1 =	vld.msk @!p1 [tilespmem:s5+$0x0], $0x1;
	_ =	sdelay $0x4  }
0x248: {  	(v2sf) =	vpush @!p1 v1, $0x0;
	_ =	sdelay $0xd  }
0x249: {  	p3 =	sne.s32 s2, $0x1  }
.Ltmp35:
0x24a: {  	s0 =	spop @!p1 (v2sf);
	(pc) =	sbr.rel @!p3 .LBB2_45-.Ltmp35, $4  }
0x24b: {  	p2 =	seq.s32 @!p1 s4, s0  }
0x24c: {  	s6 =	simm.s32 $0x0;
	p2 =	por !p2, p1  }
0x24d: {  	s7 =	simm.s32 $0xFFFFFFFF;
	s6 =	simm.s32 @p2 $0xFFFFFFFF  }
0x24e: {  	s0 =	simm.s32 $0x1;
	s6 =	smov.u32 @p1 s7  }
.LBB2_44:
0x24f: {  	s7 =	smov.u32 s6;
	p1 =	sne.s32 s6, $0xFFFFFFFF  }
0x250: {  	s5 =	sadd.s32 $0x1, s5;
	s6 =	smov.u32 s0;
	s0 =	sadd.s32 $0x1, s0  }
0x251: {  	p2 =	sne.s32 s2, s0;
	v1 =	vld.msk @!p1 [tilespmem:s5+$0x0], $0x1;
	_ =	sdelay $0x4  }
0x252: {  	(v2sf) =	vpush @!p1 v1, $0x0;
	_ =	sdelay $0xe  }
.Ltmp36:
0x253: {  	s8 =	spop @!p1 (v2sf);
	(pc) =	sbr.rel @p2 .LBB2_44-.Ltmp36, $4  }
0x254: {  	p3 =	seq.s32 @!p1 s4, s8  }
0x255: {  	p3 =	por !p3, p1  }
0x256: {  	s6 =	simm.s32 @p3 $0xFFFFFFFF  }
0x257: {  	s6 =	smov.u32 @p1 s7  }
.LBB2_45:
0x258: {  	p1 =	seq.s32 s6, $0xFFFFFFFF  }
.Ltmp37:
0x259: {  	_ = 	snop;
	(pc) =	sbr.rel @p1 .LBB2_47-.Ltmp37, $1  }
0x25a: {  	_ =	sdelay $0x3  }
0x25b: {  	s0 =	sshll.u32 s3, $0x7  }
0x25c: {  	s0 =	sand.u32 $0x3FFFFF80, s0  }
0x25d: {  	v0 =	vld [tilespmem:s0+$0xF238];
	_ =	sdelay $0x2  }
0x25e: {  	s4 =	sshll.u32 s6, $0x9  }
0x25f: {  	s4 =	sshra.s32 s4, $0x2  }
0x260: {  	[tilespmem:s4+$0xF238] =	vst.add.f32.msk $0xffff, v0  }
0x261: {  	v0 =	vld [tilespmem:s0+$0xF248];
	_ =	sdelay $0x4  }
0x262: {  	[tilespmem:s4+$0xF248] =	vst.add.f32.msk $0xffff, v0  }
0x263: {  	v0 =	vld [tilespmem:s0+$0xF258];
	_ =	sdelay $0x4  }
0x264: {  	[tilespmem:s4+$0xF258] =	vst.add.f32.msk $0xffff, v0  }
0x265: {  	v0 =	vld [tilespmem:s0+$0xF268];
	_ =	sdelay $0x4  }
0x266: {  	[tilespmem:s4+$0xF268] =	vst.add.f32.msk $0xffff, v0  }
0x267: {  	v0 =	vld [tilespmem:s0+$0xF278];
	_ =	sdelay $0x4  }
0x268: {  	[tilespmem:s4+$0xF278] =	vst.add.f32.msk $0xffff, v0  }
0x269: {  	v0 =	vld [tilespmem:s0+$0xF288];
	_ =	sdelay $0x4  }
0x26a: {  	[tilespmem:s4+$0xF288] =	vst.add.f32.msk $0xffff, v0  }
0x26b: {  	v0 =	vld [tilespmem:s0+$0xF298];
	_ =	sdelay $0x4  }
0x26c: {  	[tilespmem:s4+$0xF298] =	vst.add.f32.msk $0xffff, v0  }
0x26d: {  	v0 =	vld [tilespmem:s0+$0xF2A8]  }
.Ltmp38:
0x26e: {  	_ = 	snop;
	(pc) =	sbr.rel .LBB2_48-.Ltmp38, $2  }
0x26f: {  	_ =	sdelay $0x2  }
0x270: {  	[tilespmem:s4+$0xF2A8] =	vst.add.f32.msk $0xffff, v0  }
.LBB2_49:
0x271: {  	p1 =	slt.s32 s2, $0x1  }
.Ltmp39:
0x272: {  	_ = 	snop;
	(pc) =	sbr.rel @p1 .LBB2_53-.Ltmp39, $3  }
0x273: {  	_ =	sdelay $0x1  }
0x274: {  	s0 =	simm.s32 $0x8  }
0x275: {  	s3 =	simm.s32 $0x0;
	[sflag:s0] =	ssyncpa.u1 $0x1  }
0x276: {  	s0 =	simm.s32 $0xF218  }
0x277: {  	v0 =	vld.msk [tilespmem:s0+$0x0], $0x1;
	_ =	sdelay $0x4  }
0x278: {  	(v2sf) =	vpush v0, $0x0;
	_ =	sdelay $0xe  }
0x279: {  	s0 =	sadd.s32 $0xFFFFFFFF, s2;
	s5 =	spop (v2sf)  }
0x27a: {  	p2 =	sne.s32 s0, $0x0;
	p1 =	sgt.u32 s5, $0x270F0  }
.Ltmp40:
0x27b: {  	s6 =	sand.u32 @!p1 $0x3FFF8, s5;
	(pc) =	sbr.rel @!p2 .LBB2_52-.Ltmp40, $4  }
0x27c: {  	s4 =	simm.s32 $0xF238;
	s5 =	sand.u32 @!p1 $0x7, s5;
	s2 =	sadd.s32 @!p1 s1, s6  }
0x27d: {  	[hbm4b:s2+s5] =	stream.linear.scatter @!p1 [tilespmem:s4], [sflag:$0x7], $0x80, $0x38;
	[tilespmem:$0x1F6F8] =	vst v63  }
0x27e: {  	s5 =	simm.s32 $0x0  }
0x27f: {  	s2 =	simm.s32 $0xF219;
	s5 =	simm.s32 @!p1 $0x200  }
.LBB2_51:
0x280: {  	v0 =	vld.msk [tilespmem:s2+$0x0], $0x1;
	s0 =	sadd.s32 $0xFFFFFFFF, s0;
	s3 =	sadd.s32 s3, s5  }
0x281: {  	p1 =	sne.s32 s0, $0x0;
	_ =	sdelay $0x3  }
0x282: {  	(v2sf) =	vpush v0, $0x0;
	_ =	sdelay $0xe  }
.Ltmp41:
0x283: {  	s6 =	spop (v2sf);
	(pc) =	sbr.rel @p1 .LBB2_51-.Ltmp41, $4  }
0x284: {  	s5 =	simm.s32 $0x0;
	p2 =	sgt.u32 s6, $0x270F0  }
0x285: {  	s4 =	sadd.s32 $0x80, s4;
	s5 =	simm.s32 @!p2 $0x200;
	s7 =	sand.u32 @!p2 $0x3FFF8, s6  }
0x286: {  	s2 =	sadd.s32 $0x1, s2;
	s6 =	sand.u32 @!p2 $0x7, s6;
	s7 =	sadd.s32 @!p2 s1, s7  }
0x287: {  	[hbm4b:s7+s6] =	stream.linear.scatter @!p2 [tilespmem:s4], [sflag:$0x7], $0x80, $0x38;
	[tilespmem:$0x1F6F8] =	vst v63  }
.LBB2_52:
0x288: {  	s0 =	sadd.s32 s3, s5  }
0x289: {  	s3 =	sshrl.u32 s0, $0x2  }
.LBB2_53:
0x28a: {  	s0 =	simm.s32 $0x7  }
0x28b: {  	_ =	swait.ge [sflag:s0], s3  }
0x28c: {  	s1 =	ssub.s32 $0x0, s3;
	[sflag:s0] =	ssyncset.done $0x0  }
0x28d: {  	[sflag:s0] =	ssyncadd.s32 s1  }
0x28e: {  	[sflag:s0] =	ssyncpa.u1 $0x1  }
.LBB2_54:
0x28f: {  	_ =	sfence;
	s0 =	simm.s32 $0x1  }
0x290: {  	[sflag:s0] =	ssyncpa.u1 $0x1  }
0x291: {  	_ =	strace $0x90000047  }
0x292: {  	[bflag:$0x2] =	sbarrier.arrive $0xFFFF  }
0x293: {  	s0 =	rddreg [dreg:$0x4]  }
0x294: {  	s0 =	sadd.s32 @!p0 $0x100000, s0  }
0x295: {  	[sflag:s0] =	ssyncadd.tile.s32 @!p0 $0x1;
	_ =	shalt  }
.Lfunc_end2:
_tile_overlayer_lowered:
.L_overlay_start_2:
0x296: {  	(tag) =	ssettag $0x2  }
0x297: {  	s0 =	rddreg [dreg:$0x0];
	s2 =	stileid.u32  }
0x298: {  	s1 =	rddreg [dreg:$0x1];
	p0 =	sne.s32 s2, $0x0  }
0x299: {  	s3 =	rddreg [dreg:$0x2];
	[bflag:$0x3] =	sbarrier.arrive $0xFFFF;
	s2 =	simm.s32 @!p0 $0x1C01  }
0x29a: {  	[timem:s3], [sflag:s2] =	dma.local @!p0 [hbm:s0], s1  }
0x29b: {  	s0 =	simm.s32 @!p0 $0x1  }
0x29c: {  	_ =	swait.ge @!p0 [sflag:s0], s1  }
0x29d: {  	s1 =	ssub.s32 @!p0 $0x0, s1;
	[sflag:s0] =	ssyncset.done @!p0 $0x0  }
0x29e: {  	[sflag:s0] =	ssyncadd.s32 @!p0 s1  }
0x29f: {  	[bflag:$0x3] =	sbarrier.arrive $0xFFFF  }
0x2a0: {  	_ =	shalt  }

</sc_bundles>
